<compile_context>
chip_gen: v7x
topology: tpu7x:2x2x1
jax: 0.10.2.dev20260603
libtpu: 0.0.44.dev20260713+nightly
codegen_flags: <defaults>
</compile_context>

<pallas_src>
import functools

import jax
import jax.numpy as jnp
from jax import lax
from jax.experimental import pallas as pl
from jax.experimental.pallas import tpu as pltpu
import jax.experimental.pallas.tpu_sc as plsc

K = 16
BQ = 512
P2 = 4096
D = 128
NQUAD = 512
NCAND = 128
N = 4
NQ = N * P2
NWORKERS = 32
QPW = NQ // NWORKERS
CH = 32
BQ2 = 2048


def _tc_a_body(p1_ref, p2_ref, p2t_ref, d_ref, aidx_ref):
    p1b = p1_ref[0]
    p2b = p2_ref[0]
    p2t = p2t_ref[0]

    inner2 = lax.dot_general(
        p1b * jnp.float32(-2.0), p2b, (((1,), (1,)), ((), ())),
        preferred_element_type=jnp.float32)

    sq1 = jnp.sum(p1b * p1b, axis=1, keepdims=True)
    sq2 = jnp.sum(p2t * p2t, axis=0, keepdims=True)

    d = (sq1 + sq2) + inner2
    d_ref[...] = d.reshape(BQ * P2)

    qm = d[:, 0:NQUAD]
    for s_ in range(1, 8):
        qm = jnp.minimum(qm, d[:, s_ * NQUAD:(s_ + 1) * NQUAD])

    iota_f = lax.broadcasted_iota(jnp.int32, (BQ, NQUAD), 1).astype(jnp.float32)
    inf = jnp.float32(jnp.inf)
    quads = []
    for _ in range(K):
        m = jnp.min(qm, axis=1, keepdims=True)
        cand = jnp.where(qm == m, iota_f, jnp.float32(NQUAD))
        jf = jnp.min(cand, axis=1, keepdims=True)
        quads.append(jf.astype(jnp.int32))
        qm = jnp.where(iota_f == jf, inf, qm)
    qcat = jnp.concatenate(quads, axis=1)

    row0 = pl.program_id(0) * P2 + pl.program_id(1) * BQ
    rows = row0 + lax.broadcasted_iota(jnp.int32, (BQ, 1), 0)
    cols = jnp.concatenate(
        [qcat + jnp.int32(s * NQUAD) for s in range(8)], axis=1)
    aidx_ref[0] = rows * jnp.int32(P2) + cols


def _sc_gather_body(nq_span, d_hbm, aidx_hbm, vals_out, cidx, cval, sem):
    c = lax.axis_index("c")
    s = lax.axis_index("s")
    wid = c * 16 + s
    qpw = nq_span // NWORKERS
    e0 = wid * (qpw * NCAND)

    def chunk(g, carry):
        base = e0 + g * (CH * NCAND)
        pltpu.sync_copy(aidx_hbm.at[pl.ds(base, CH * NCAND)], cidx)
        cps = [pltpu.async_copy(d_hbm.at[cidx.at[pl.ds(j * 128, 128)]],
                                cval.at[pl.ds(j * 128, 128)], sem)
               for j in range(CH * NCAND // 128)]
        for cp in cps:
            cp.wait()
        pltpu.sync_copy(cval, vals_out.at[pl.ds(base, CH * NCAND)])
        return carry

    lax.fori_loop(0, qpw // CH, chunk, 0)


def _tc_c_body(vals_ref, aidx_ref, idx_ref, dist_ref):
    v = vals_ref[...]
    cols_f = (aidx_ref[...] & jnp.int32(P2 - 1)).astype(jnp.float32)
    inf = jnp.float32(jnp.inf)
    for k in range(K):
        m = jnp.min(v, axis=1, keepdims=True)
        cc = jnp.where(v == m, cols_f, jnp.float32(P2))
        cm = jnp.min(cc, axis=1, keepdims=True)
        idx_ref[:, pl.ds(k, 1)] = cm.astype(jnp.int32)
        dist_ref[:, pl.ds(k, 1)] = m
        v = jnp.where((v == m) & (cols_f == cm), inf, v)


def kernel(p1, p2):
    d_out, aidx = pl.pallas_call(
        _tc_a_body,
        grid=(N, P2 // BQ),
        in_specs=[
            pl.BlockSpec((1, BQ, D), lambda b, q: (b, q, 0)),
            pl.BlockSpec((1, P2, D), lambda b, q: (b, 0, 0)),
            pl.BlockSpec((1, D, P2), lambda b, q: (b, 0, 0)),
        ],
        out_specs=[
            pl.BlockSpec((BQ * P2,), lambda b, q: (b * (P2 // BQ) + q,)),
            pl.BlockSpec((1, BQ, NCAND), lambda b, q: (b, q, 0)),
        ],
        out_shape=[
            jax.ShapeDtypeStruct((N * P2 * P2,), jnp.float32),
            jax.ShapeDtypeStruct((N, P2, NCAND), jnp.int32),
        ],
    )(p1, p2, jnp.transpose(p2, (0, 2, 1)))

    HQ = NQ // 2
    sc_gather = functools.partial(
        pl.kernel,
        out_type=jax.ShapeDtypeStruct((HQ * NCAND,), jnp.float32),
        mesh=plsc.VectorSubcoreMesh(core_axis_name="c", subcore_axis_name="s"),
        scratch_types=[
            pltpu.VMEM((CH * NCAND,), jnp.int32),
            pltpu.VMEM((CH * NCAND,), jnp.float32),
            pltpu.SemaphoreType.DMA,
        ],
    )(functools.partial(_sc_gather_body, HQ))

    aidx_flat = aidx.reshape(-1)
    aidx_2d = aidx.reshape(NQ, NCAND)
    idx_halves, dist_halves = [], []
    for h in range(2):
        a_h = lax.slice(aidx_flat, (h * HQ * NCAND,), ((h + 1) * HQ * NCAND,))
        vals_h = sc_gather(d_out, a_h)
        idx_h, dists_h = pl.pallas_call(
            _tc_c_body,
            grid=(HQ // BQ2,),
            in_specs=[
                pl.BlockSpec((BQ2, NCAND), lambda i: (i, 0)),
                pl.BlockSpec((BQ2, NCAND), lambda i: (i, 0)),
            ],
            out_specs=[
                pl.BlockSpec((BQ2, K), lambda i: (i, 0)),
                pl.BlockSpec((BQ2, K), lambda i: (i, 0)),
            ],
            out_shape=[
                jax.ShapeDtypeStruct((HQ, K), jnp.int32),
                jax.ShapeDtypeStruct((HQ, K), jnp.float32),
            ],
        )(vals_h.reshape(HQ, NCAND), lax.slice(aidx_2d, (h * HQ, 0), ((h + 1) * HQ, NCAND)))
        idx_halves.append(idx_h)
        dist_halves.append(dists_h)
    idx = jnp.concatenate(idx_halves, axis=0)
    dists = jnp.concatenate(dist_halves, axis=0)
    return idx.reshape(N, P2, K), dists.reshape(N, P2, K)

# --- scband reference (transcript-rebuilt; emitter-appended) ---
"""Pipeline reference for scband-knearest-neighbors-6828998001132 (READ-ONLY COPY).

The authoritative reference and input builder live on the scoring server;
editing this copy changes nothing except your own understanding.
"""

import jax, jax.numpy as jnp
import numpy as np

K = 16

def setup_inputs(seed: int = 0) -> dict:
    key = jax.random.key(seed)
    k1, k2 = jax.random.split(key)
    p1 = jax.random.normal(k1, (4, 4096, 128), dtype=jnp.float32)
    p2 = jax.random.normal(k2, (4, 4096, 128), dtype=jnp.float32)
    return {"p1": p1, "p2": p2}

def reference(p1, p2):
    # Pairwise squared L2 distances (norm=2, pytorch3d-style squared dists)
    sq1 = jnp.sum(p1 * p1, axis=-1)            # (N, P1)
    sq2 = jnp.sum(p2 * p2, axis=-1)            # (N, P2)
    inner = jnp.einsum('npd,nqd->npq', p1, p2)  # (N, P1, P2)
    d = sq1[..., None] + sq2[:, None, :] - 2.0 * inner
    # top-K smallest distances, sorted ascending (return_sorted=True)
    neg_d, idx = jax.lax.top_k(-d, K)          # (N, P1, K)
    dists = -neg_d
    return (idx, dists)

if __name__ == "__main__":
    import jax
    _d = setup_inputs()
    print(jax.jit(kernel)(*tuple(_d.values())))

</pallas_src>

<mosaic_0001>
#map = affine_map<(d0, d1) -> (0)>
module attributes {stable_mosaic.version = 14 : i64} {
  func.func @_sc_gather_body(%arg0: i32, %arg1: i32, %arg2: memref<67108864xf32, #tpu.memory_space<hbm>>, %arg3: memref<1048576xi32, #tpu.memory_space<hbm>>, %arg4: memref<1048576xf32, #tpu.memory_space<hbm>>, %arg5: memref<4096xi32, #tpu.memory_space<vmem>>, %arg6: memref<4096xf32, #tpu.memory_space<vmem>>, %arg7: memref<!tpu.dma_semaphore, #tpu.memory_space<semaphore_mem>>) attributes {dimension_semantics = [#tpu.dimension_semantics<core_parallel>, #tpu.dimension_semantics<subcore_parallel>], iteration_bounds = array<i64: 2, 16>, scalar_prefetch = 0 : i64, scratch_operands = 3 : i64, tpu.core_type = #tpu.core_type<sc_vector_subcore>, window_params = [{transform_indices = #map}, {transform_indices = #map}, {transform_indices = #map}]} {
    %mul3A = arith.constant 16 : i32
    %mul3A_0 = arith.muli %arg0, %mul3A : i32
    %add3A = arith.addi %mul3A_0, %arg1 : i32
    %mul3A_1 = arith.constant 32768 : i32
    %mul3A_2 = arith.muli %add3A, %mul3A_1 : i32
    %scan3A = arith.constant 0 : i32
    %scan3A_3 = arith.constant 0 : i32
    %scan3A_4 = arith.constant 8 : i32
    %scan3A_5 = arith.addi %scan3A_3, %scan3A_4 : i32
    %scan3A_6 = arith.constant 1 : i32
    scf.for %scan3A_8 = %scan3A_3 to %scan3A_5 step %scan3A_6  : i32 {
      %mul3A_9 = arith.constant 4096 : i32
      %mul3A_10 = arith.muli %scan3A_8, %mul3A_9 : i32
      %add3A_11 = arith.addi %mul3A_2, %mul3A_10 : i32
      "tpu.region"() ({
        %run_scoped3A = tpu.sem_alloc : memref<!tpu.dma_semaphore, #tpu.memory_space<semaphore_mem>>
        %dma_start3A_394 = tpu.memref_slice %arg3[%add3A_11] : memref<1048576xi32, #tpu.memory_space<hbm>> -> memref<4096xi32, #tpu.memory_space<hbm>>
        %dma_start3A_395 = tpu.memref_slice %arg3[%add3A_11] : memref<1048576xi32, #tpu.memory_space<hbm>> -> memref<4096xi32, #tpu.memory_space<hbm>>
        tpu.enqueue_dma source(%dma_start3A_395 : memref<4096xi32, #tpu.memory_space<hbm>>) target(%arg5 : memref<4096xi32, #tpu.memory_space<vmem>>) target_semaphore(%run_scoped3A : memref<!tpu.dma_semaphore, #tpu.memory_space<semaphore_mem>>)
        %dma_wait3A_396 = tpu.memref_slice %arg3[%add3A_11] : memref<1048576xi32, #tpu.memory_space<hbm>> -> memref<4096xi32, #tpu.memory_space<hbm>>
        %dma_wait3A_397 = tpu.memref_slice %arg3[%add3A_11] : memref<1048576xi32, #tpu.memory_space<hbm>> -> memref<4096xi32, #tpu.memory_space<hbm>>
        tpu.wait_dma2 semaphore(%run_scoped3A : memref<!tpu.dma_semaphore, #tpu.memory_space<semaphore_mem>>) src(%dma_wait3A_397 : memref<4096xi32, #tpu.memory_space<hbm>>) dst(%arg5 : memref<4096xi32, #tpu.memory_space<vmem>>)
        tpu.yield
      }) : () -> ()
      %dma_start3A = arith.constant 0 : i32
      %dma_start3A_12 = tpu.memref_slice %arg6[%dma_start3A] : memref<4096xf32, #tpu.memory_space<vmem>> -> memref<128xf32, #tpu.memory_space<vmem>>
      %dma_start3A_13 = arith.constant 0 : i32
      %dma_start3A_14 = tpu.memref_slice %arg5[%dma_start3A_13] : memref<4096xi32, #tpu.memory_space<vmem>> -> memref<128xi32, #tpu.memory_space<vmem>>
      %dma_start3A_15 = arith.constant 0 : i32
      %dma_start3A_16 = tpu.memref_slice %arg2[%dma_start3A_15] : memref<67108864xf32, #tpu.memory_space<hbm>> -> memref<67108864xf32, #tpu.memory_space<hbm>>
      tpu.enqueue_indirect_dma source(%dma_start3A_16 : memref<67108864xf32, #tpu.memory_space<hbm>>) target(%dma_start3A_12 : memref<128xf32, #tpu.memory_space<vmem>>) offsets(%dma_start3A_14 : memref<128xi32, #tpu.memory_space<vmem>>) semaphore(%arg7 : memref<!tpu.dma_semaphore, #tpu.memory_space<semaphore_mem>>)
      %dma_start3A_17 = arith.constant 128 : i32
      %dma_start3A_18 = tpu.memref_slice %arg6[%dma_start3A_17] : memref<4096xf32, #tpu.memory_space<vmem>> -> memref<128xf32, #tpu.memory_space<vmem>>
      %dma_start3A_19 = arith.constant 128 : i32
      %dma_start3A_20 = tpu.memref_slice %arg5[%dma_start3A_19] : memref<4096xi32, #tpu.memory_space<vmem>> -> memref<128xi32, #tpu.memory_space<vmem>>
      %dma_start3A_21 = arith.constant 0 : i32
      %dma_start3A_22 = tpu.memref_slice %arg2[%dma_start3A_21] : memref<67108864xf32, #tpu.memory_space<hbm>> -> memref<67108864xf32, #tpu.memory_space<hbm>>
      tpu.enqueue_indirect_dma source(%dma_start3A_22 : memref<67108864xf32, #tpu.memory_space<hbm>>) target(%dma_start3A_18 : memref<128xf32, #tpu.memory_space<vmem>>) offsets(%dma_start3A_20 : memref<128xi32, #tpu.memory_space<vmem>>) semaphore(%arg7 : memref<!tpu.dma_semaphore, #tpu.memory_space<semaphore_mem>>)
      %dma_start3A_23 = arith.constant 256 : i32
      %dma_start3A_24 = tpu.memref_slice %arg6[%dma_start3A_23] : memref<4096xf32, #tpu.memory_space<vmem>> -> memref<128xf32, #tpu.memory_space<vmem>>
      %dma_start3A_25 = arith.constant 256 : i32
      %dma_start3A_26 = tpu.memref_slice %arg5[%dma_start3A_25] : memref<4096xi32, #tpu.memory_space<vmem>> -> memref<128xi32, #tpu.memory_space<vmem>>
      %dma_start3A_27 = arith.constant 0 : i32
      %dma_start3A_28 = tpu.memref_slice %arg2[%dma_start3A_27] : memref<67108864xf32, #tpu.memory_space<hbm>> -> memref<67108864xf32, #tpu.memory_space<hbm>>
      tpu.enqueue_indirect_dma source(%dma_start3A_28 : memref<67108864xf32, #tpu.memory_space<hbm>>) target(%dma_start3A_24 : memref<128xf32, #tpu.memory_space<vmem>>) offsets(%dma_start3A_26 : memref<128xi32, #tpu.memory_space<vmem>>) semaphore(%arg7 : memref<!tpu.dma_semaphore, #tpu.memory_space<semaphore_mem>>)
      %dma_start3A_29 = arith.constant 384 : i32
      %dma_start3A_30 = tpu.memref_slice %arg6[%dma_start3A_29] : memref<4096xf32, #tpu.memory_space<vmem>> -> memref<128xf32, #tpu.memory_space<vmem>>
      %dma_start3A_31 = arith.constant 384 : i32
      %dma_start3A_32 = tpu.memref_slice %arg5[%dma_start3A_31] : memref<4096xi32, #tpu.memory_space<vmem>> -> memref<128xi32, #tpu.memory_space<vmem>>
      %dma_start3A_33 = arith.constant 0 : i32
      %dma_start3A_34 = tpu.memref_slice %arg2[%dma_start3A_33] : memref<67108864xf32, #tpu.memory_space<hbm>> -> memref<67108864xf32, #tpu.memory_space<hbm>>
      tpu.enqueue_indirect_dma source(%dma_start3A_34 : memref<67108864xf32, #tpu.memory_space<hbm>>) target(%dma_start3A_30 : memref<128xf32, #tpu.memory_space<vmem>>) offsets(%dma_start3A_32 : memref<128xi32, #tpu.memory_space<vmem>>) semaphore(%arg7 : memref<!tpu.dma_semaphore, #tpu.memory_space<semaphore_mem>>)
      %dma_start3A_35 = arith.constant 512 : i32
      %dma_start3A_36 = tpu.memref_slice %arg6[%dma_start3A_35] : memref<4096xf32, #tpu.memory_space<vmem>> -> memref<128xf32, #tpu.memory_space<vmem>>
      %dma_start3A_37 = arith.constant 512 : i32
      %dma_start3A_38 = tpu.memref_slice %arg5[%dma_start3A_37] : memref<4096xi32, #tpu.memory_space<vmem>> -> memref<128xi32, #tpu.memory_space<vmem>>
      %dma_start3A_39 = arith.constant 0 : i32
      %dma_start3A_40 = tpu.memref_slice %arg2[%dma_start3A_39] : memref<67108864xf32, #tpu.memory_space<hbm>> -> memref<67108864xf32, #tpu.memory_space<hbm>>
      tpu.enqueue_indirect_dma source(%dma_start3A_40 : memref<67108864xf32, #tpu.memory_space<hbm>>) target(%dma_start3A_36 : memref<128xf32, #tpu.memory_space<vmem>>) offsets(%dma_start3A_38 : memref<128xi32, #tpu.memory_space<vmem>>) semaphore(%arg7 : memref<!tpu.dma_semaphore, #tpu.memory_space<semaphore_mem>>)
      %dma_start3A_41 = arith.constant 640 : i32
      %dma_start3A_42 = tpu.memref_slice %arg6[%dma_start3A_41] : memref<4096xf32, #tpu.memory_space<vmem>> -> memref<128xf32, #tpu.memory_space<vmem>>
      %dma_start3A_43 = arith.constant 640 : i32
      %dma_start3A_44 = tpu.memref_slice %arg5[%dma_start3A_43] : memref<4096xi32, #tpu.memory_space<vmem>> -> memref<128xi32, #tpu.memory_space<vmem>>
      %dma_start3A_45 = arith.constant 0 : i32
      %dma_start3A_46 = tpu.memref_slice %arg2[%dma_start3A_45] : memref<67108864xf32, #tpu.memory_space<hbm>> -> memref<67108864xf32, #tpu.memory_space<hbm>>
      tpu.enqueue_indirect_dma source(%dma_start3A_46 : memref<67108864xf32, #tpu.memory_space<hbm>>) target(%dma_start3A_42 : memref<128xf32, #tpu.memory_space<vmem>>) offsets(%dma_start3A_44 : memref<128xi32, #tpu.memory_space<vmem>>) semaphore(%arg7 : memref<!tpu.dma_semaphore, #tpu.memory_space<semaphore_mem>>)
      %dma_start3A_47 = arith.constant 768 : i32
      %dma_start3A_48 = tpu.memref_slice %arg6[%dma_start3A_47] : memref<4096xf32, #tpu.memory_space<vmem>> -> memref<128xf32, #tpu.memory_space<vmem>>
      %dma_start3A_49 = arith.constant 768 : i32
      %dma_start3A_50 = tpu.memref_slice %arg5[%dma_start3A_49] : memref<4096xi32, #tpu.memory_space<vmem>> -> memref<128xi32, #tpu.memory_space<vmem>>
      %dma_start3A_51 = arith.constant 0 : i32
      %dma_start3A_52 = tpu.memref_slice %arg2[%dma_start3A_51] : memref<67108864xf32, #tpu.memory_space<hbm>> -> memref<67108864xf32, #tpu.memory_space<hbm>>
      tpu.enqueue_indirect_dma source(%dma_start3A_52 : memref<67108864xf32, #tpu.memory_space<hbm>>) target(%dma_start3A_48 : memref<128xf32, #tpu.memory_space<vmem>>) offsets(%dma_start3A_50 : memref<128xi32, #tpu.memory_space<vmem>>) semaphore(%arg7 : memref<!tpu.dma_semaphore, #tpu.memory_space<semaphore_mem>>)
      %dma_start3A_53 = arith.constant 896 : i32
      %dma_start3A_54 = tpu.memref_slice %arg6[%dma_start3A_53] : memref<4096xf32, #tpu.memory_space<vmem>> -> memref<128xf32, #tpu.memory_space<vmem>>
      %dma_start3A_55 = arith.constant 896 : i32
      %dma_start3A_56 = tpu.memref_slice %arg5[%dma_start3A_55] : memref<4096xi32, #tpu.memory_space<vmem>> -> memref<128xi32, #tpu.memory_space<vmem>>
      %dma_start3A_57 = arith.constant 0 : i32
      %dma_start3A_58 = tpu.memref_slice %arg2[%dma_start3A_57] : memref<67108864xf32, #tpu.memory_space<hbm>> -> memref<67108864xf32, #tpu.memory_space<hbm>>
      tpu.enqueue_indirect_dma source(%dma_start3A_58 : memref<67108864xf32, #tpu.memory_space<hbm>>) target(%dma_start3A_54 : memref<128xf32, #tpu.memory_space<vmem>>) offsets(%dma_start3A_56 : memref<128xi32, #tpu.memory_space<vmem>>) semaphore(%arg7 : memref<!tpu.dma_semaphore, #tpu.memory_space<semaphore_mem>>)
      %dma_start3A_59 = arith.constant 1024 : i32
      %dma_start3A_60 = tpu.memref_slice %arg6[%dma_start3A_59] : memref<4096xf32, #tpu.memory_space<vmem>> -> memref<128xf32, #tpu.memory_space<vmem>>
      %dma_start3A_61 = arith.constant 1024 : i32
      %dma_start3A_62 = tpu.memref_slice %arg5[%dma_start3A_61] : memref<4096xi32, #tpu.memory_space<vmem>> -> memref<128xi32, #tpu.memory_space<vmem>>
      %dma_start3A_63 = arith.constant 0 : i32
      %dma_start3A_64 = tpu.memref_slice %arg2[%dma_start3A_63] : memref<67108864xf32, #tpu.memory_space<hbm>> -> memref<67108864xf32, #tpu.memory_space<hbm>>
      tpu.enqueue_indirect_dma source(%dma_start3A_64 : memref<67108864xf32, #tpu.memory_space<hbm>>) target(%dma_start3A_60 : memref<128xf32, #tpu.memory_space<vmem>>) offsets(%dma_start3A_62 : memref<128xi32, #tpu.memory_space<vmem>>) semaphore(%arg7 : memref<!tpu.dma_semaphore, #tpu.memory_space<semaphore_mem>>)
      %dma_start3A_65 = arith.constant 1152 : i32
      %dma_start3A_66 = tpu.memref_slice %arg6[%dma_start3A_65] : memref<4096xf32, #tpu.memory_space<vmem>> -> memref<128xf32, #tpu.memory_space<vmem>>
      %dma_start3A_67 = arith.constant 1152 : i32
      %dma_start3A_68 = tpu.memref_slice %arg5[%dma_start3A_67] : memref<4096xi32, #tpu.memory_space<vmem>> -> memref<128xi32, #tpu.memory_space<vmem>>
      %dma_start3A_69 = arith.constant 0 : i32
      %dma_start3A_70 = tpu.memref_slice %arg2[%dma_start3A_69] : memref<67108864xf32, #tpu.memory_space<hbm>> -> memref<67108864xf32, #tpu.memory_space<hbm>>
      tpu.enqueue_indirect_dma source(%dma_start3A_70 : memref<67108864xf32, #tpu.memory_space<hbm>>) target(%dma_start3A_66 : memref<128xf32, #tpu.memory_space<vmem>>) offsets(%dma_start3A_68 : memref<128xi32, #tpu.memory_space<vmem>>) semaphore(%arg7 : memref<!tpu.dma_semaphore, #tpu.memory_space<semaphore_mem>>)
      %dma_start3A_71 = arith.constant 1280 : i32
      %dma_start3A_72 = tpu.memref_slice %arg6[%dma_start3A_71] : memref<4096xf32, #tpu.memory_space<vmem>> -> memref<128xf32, #tpu.memory_space<vmem>>
      %dma_start3A_73 = arith.constant 1280 : i32
      %dma_start3A_74 = tpu.memref_slice %arg5[%dma_start3A_73] : memref<4096xi32, #tpu.memory_space<vmem>> -> memref<128xi32, #tpu.memory_space<vmem>>
      %dma_start3A_75 = arith.constant 0 : i32
      %dma_start3A_76 = tpu.memref_slice %arg2[%dma_start3A_75] : memref<67108864xf32, #tpu.memory_space<hbm>> -> memref<67108864xf32, #tpu.memory_space<hbm>>
      tpu.enqueue_indirect_dma source(%dma_start3A_76 : memref<67108864xf32, #tpu.memory_space<hbm>>) target(%dma_start3A_72 : memref<128xf32, #tpu.memory_space<vmem>>) offsets(%dma_start3A_74 : memref<128xi32, #tpu.memory_space<vmem>>) semaphore(%arg7 : memref<!tpu.dma_semaphore, #tpu.memory_space<semaphore_mem>>)
      %dma_start3A_77 = arith.constant 1408 : i32
      %dma_start3A_78 = tpu.memref_slice %arg6[%dma_start3A_77] : memref<4096xf32, #tpu.memory_space<vmem>> -> memref<128xf32, #tpu.memory_space<vmem>>
      %dma_start3A_79 = arith.constant 1408 : i32
      %dma_start3A_80 = tpu.memref_slice %arg5[%dma_start3A_79] : memref<4096xi32, #tpu.memory_space<vmem>> -> memref<128xi32, #tpu.memory_space<vmem>>
      %dma_start3A_81 = arith.constant 0 : i32
      %dma_start3A_82 = tpu.memref_slice %arg2[%dma_start3A_81] : memref<67108864xf32, #tpu.memory_space<hbm>> -> memref<67108864xf32, #tpu.memory_space<hbm>>
      tpu.enqueue_indirect_dma source(%dma_start3A_82 : memref<67108864xf32, #tpu.memory_space<hbm>>) target(%dma_start3A_78 : memref<128xf32, #tpu.memory_space<vmem>>) offsets(%dma_start3A_80 : memref<128xi32, #tpu.memory_space<vmem>>) semaphore(%arg7 : memref<!tpu.dma_semaphore, #tpu.memory_space<semaphore_mem>>)
      %dma_start3A_83 = arith.constant 1536 : i32
      %dma_start3A_84 = tpu.memref_slice %arg6[%dma_start3A_83] : memref<4096xf32, #tpu.memory_space<vmem>> -> memref<128xf32, #tpu.memory_space<vmem>>
      %dma_start3A_85 = arith.constant 1536 : i32
      %dma_start3A_86 = tpu.memref_slice %arg5[%dma_start3A_85] : memref<4096xi32, #tpu.memory_space<vmem>> -> memref<128xi32, #tpu.memory_space<vmem>>
      %dma_start3A_87 = arith.constant 0 : i32
      %dma_start3A_88 = tpu.memref_slice %arg2[%dma_start3A_87] : memref<67108864xf32, #tpu.memory_space<hbm>> -> memref<67108864xf32, #tpu.memory_space<hbm>>
      tpu.enqueue_indirect_dma source(%dma_start3A_88 : memref<67108864xf32, #tpu.memory_space<hbm>>) target(%dma_start3A_84 : memref<128xf32, #tpu.memory_space<vmem>>) offsets(%dma_start3A_86 : memref<128xi32, #tpu.memory_space<vmem>>) semaphore(%arg7 : memref<!tpu.dma_semaphore, #tpu.memory_space<semaphore_mem>>)
      %dma_start3A_89 = arith.constant 1664 : i32
      %dma_start3A_90 = tpu.memref_slice %arg6[%dma_start3A_89] : memref<4096xf32, #tpu.memory_space<vmem>> -> memref<128xf32, #tpu.memory_space<vmem>>
      %dma_start3A_91 = arith.constant 1664 : i32
      %dma_start3A_92 = tpu.memref_slice %arg5[%dma_start3A_91] : memref<4096xi32, #tpu.memory_space<vmem>> -> memref<128xi32, #tpu.memory_space<vmem>>
      %dma_start3A_93 = arith.constant 0 : i32
      %dma_start3A_94 = tpu.memref_slice %arg2[%dma_start3A_93] : memref<67108864xf32, #tpu.memory_space<hbm>> -> memref<67108864xf32, #tpu.memory_space<hbm>>
      tpu.enqueue_indirect_dma source(%dma_start3A_94 : memref<67108864xf32, #tpu.memory_space<hbm>>) target(%dma_start3A_90 : memref<128xf32, #tpu.memory_space<vmem>>) offsets(%dma_start3A_92 : memref<128xi32, #tpu.memory_space<vmem>>) semaphore(%arg7 : memref<!tpu.dma_semaphore, #tpu.memory_space<semaphore_mem>>)
      %dma_start3A_95 = arith.constant 1792 : i32
      %dma_start3A_96 = tpu.memref_slice %arg6[%dma_start3A_95] : memref<4096xf32, #tpu.memory_space<vmem>> -> memref<128xf32, #tpu.memory_space<vmem>>
      %dma_start3A_97 = arith.constant 1792 : i32
      %dma_start3A_98 = tpu.memref_slice %arg5[%dma_start3A_97] : memref<4096xi32, #tpu.memory_space<vmem>> -> memref<128xi32, #tpu.memory_space<vmem>>
      %dma_start3A_99 = arith.constant 0 : i32
      %dma_start3A_100 = tpu.memref_slice %arg2[%dma_start3A_99] : memref<67108864xf32, #tpu.memory_space<hbm>> -> memref<67108864xf32, #tpu.memory_space<hbm>>
      tpu.enqueue_indirect_dma source(%dma_start3A_100 : memref<67108864xf32, #tpu.memory_space<hbm>>) target(%dma_start3A_96 : memref<128xf32, #tpu.memory_space<vmem>>) offsets(%dma_start3A_98 : memref<128xi32, #tpu.memory_space<vmem>>) semaphore(%arg7 : memref<!tpu.dma_semaphore, #tpu.memory_space<semaphore_mem>>)
      %dma_start3A_101 = arith.constant 1920 : i32
      %dma_start3A_102 = tpu.memref_slice %arg6[%dma_start3A_101] : memref<4096xf32, #tpu.memory_space<vmem>> -> memref<128xf32, #tpu.memory_space<vmem>>
      %dma_start3A_103 = arith.constant 1920 : i32
      %dma_start3A_104 = tpu.memref_slice %arg5[%dma_start3A_103] : memref<4096xi32, #tpu.memory_space<vmem>> -> memref<128xi32, #tpu.memory_space<vmem>>
      %dma_start3A_105 = arith.constant 0 : i32
      %dma_start3A_106 = tpu.memref_slice %arg2[%dma_start3A_105] : memref<67108864xf32, #tpu.memory_space<hbm>> -> memref<67108864xf32, #tpu.memory_space<hbm>>
      tpu.enqueue_indirect_dma source(%dma_start3A_106 : memref<67108864xf32, #tpu.memory_space<hbm>>) target(%dma_start3A_102 : memref<128xf32, #tpu.memory_space<vmem>>) offsets(%dma_start3A_104 : memref<128xi32, #tpu.memory_space<vmem>>) semaphore(%arg7 : memref<!tpu.dma_semaphore, #tpu.memory_space<semaphore_mem>>)
      %dma_start3A_107 = arith.constant 2048 : i32
      %dma_start3A_108 = tpu.memref_slice %arg6[%dma_start3A_107] : memref<4096xf32, #tpu.memory_space<vmem>> -> memref<128xf32, #tpu.memory_space<vmem>>
      %dma_start3A_109 = arith.constant 2048 : i32
      %dma_start3A_110 = tpu.memref_slice %arg5[%dma_start3A_109] : memref<4096xi32, #tpu.memory_space<vmem>> -> memref<128xi32, #tpu.memory_space<vmem>>
      %dma_start3A_111 = arith.constant 0 : i32
      %dma_start3A_112 = tpu.memref_slice %arg2[%dma_start3A_111] : memref<67108864xf32, #tpu.memory_space<hbm>> -> memref<67108864xf32, #tpu.memory_space<hbm>>
      tpu.enqueue_indirect_dma source(%dma_start3A_112 : memref<67108864xf32, #tpu.memory_space<hbm>>) target(%dma_start3A_108 : memref<128xf32, #tpu.memory_space<vmem>>) offsets(%dma_start3A_110 : memref<128xi32, #tpu.memory_space<vmem>>) semaphore(%arg7 : memref<!tpu.dma_semaphore, #tpu.memory_space<semaphore_mem>>)
      %dma_start3A_113 = arith.constant 2176 : i32
      %dma_start3A_114 = tpu.memref_slice %arg6[%dma_start3A_113] : memref<4096xf32, #tpu.memory_space<vmem>> -> memref<128xf32, #tpu.memory_space<vmem>>
      %dma_start3A_115 = arith.constant 2176 : i32
      %dma_start3A_116 = tpu.memref_slice %arg5[%dma_start3A_115] : memref<4096xi32, #tpu.memory_space<vmem>> -> memref<128xi32, #tpu.memory_space<vmem>>
      %dma_start3A_117 = arith.constant 0 : i32
      %dma_start3A_118 = tpu.memref_slice %arg2[%dma_start3A_117] : memref<67108864xf32, #tpu.memory_space<hbm>> -> memref<67108864xf32, #tpu.memory_space<hbm>>
      tpu.enqueue_indirect_dma source(%dma_start3A_118 : memref<67108864xf32, #tpu.memory_space<hbm>>) target(%dma_start3A_114 : memref<128xf32, #tpu.memory_space<vmem>>) offsets(%dma_start3A_116 : memref<128xi32, #tpu.memory_space<vmem>>) semaphore(%arg7 : memref<!tpu.dma_semaphore, #tpu.memory_space<semaphore_mem>>)
      %dma_start3A_119 = arith.constant 2304 : i32
      %dma_start3A_120 = tpu.memref_slice %arg6[%dma_start3A_119] : memref<4096xf32, #tpu.memory_space<vmem>> -> memref<128xf32, #tpu.memory_space<vmem>>
      %dma_start3A_121 = arith.constant 2304 : i32
      %dma_start3A_122 = tpu.memref_slice %arg5[%dma_start3A_121] : memref<4096xi32, #tpu.memory_space<vmem>> -> memref<128xi32, #tpu.memory_space<vmem>>
      %dma_start3A_123 = arith.constant 0 : i32
      %dma_start3A_124 = tpu.memref_slice %arg2[%dma_start3A_123] : memref<67108864xf32, #tpu.memory_space<hbm>> -> memref<67108864xf32, #tpu.memory_space<hbm>>
      tpu.enqueue_indirect_dma source(%dma_start3A_124 : memref<67108864xf32, #tpu.memory_space<hbm>>) target(%dma_start3A_120 : memref<128xf32, #tpu.memory_space<vmem>>) offsets(%dma_start3A_122 : memref<128xi32, #tpu.memory_space<vmem>>) semaphore(%arg7 : memref<!tpu.dma_semaphore, #tpu.memory_space<semaphore_mem>>)
      %dma_start3A_125 = arith.constant 2432 : i32
      %dma_start3A_126 = tpu.memref_slice %arg6[%dma_start3A_125] : memref<4096xf32, #tpu.memory_space<vmem>> -> memref<128xf32, #tpu.memory_space<vmem>>
      %dma_start3A_127 = arith.constant 2432 : i32
      %dma_start3A_128 = tpu.memref_slice %arg5[%dma_start3A_127] : memref<4096xi32, #tpu.memory_space<vmem>> -> memref<128xi32, #tpu.memory_space<vmem>>
      %dma_start3A_129 = arith.constant 0 : i32
      %dma_start3A_130 = tpu.memref_slice %arg2[%dma_start3A_129] : memref<67108864xf32, #tpu.memory_space<hbm>> -> memref<67108864xf32, #tpu.memory_space<hbm>>
      tpu.enqueue_indirect_dma source(%dma_start3A_130 : memref<67108864xf32, #tpu.memory_space<hbm>>) target(%dma_start3A_126 : memref<128xf32, #tpu.memory_space<vmem>>) offsets(%dma_start3A_128 : memref<128xi32, #tpu.memory_space<vmem>>) semaphore(%arg7 : memref<!tpu.dma_semaphore, #tpu.memory_space<semaphore_mem>>)
      %dma_start3A_131 = arith.constant 2560 : i32
      %dma_start3A_132 = tpu.memref_slice %arg6[%dma_start3A_131] : memref<4096xf32, #tpu.memory_space<vmem>> -> memref<128xf32, #tpu.memory_space<vmem>>
      %dma_start3A_133 = arith.constant 2560 : i32
      %dma_start3A_134 = tpu.memref_slice %arg5[%dma_start3A_133] : memref<4096xi32, #tpu.memory_space<vmem>> -> memref<128xi32, #tpu.memory_space<vmem>>
      %dma_start3A_135 = arith.constant 0 : i32
      %dma_start3A_136 = tpu.memref_slice %arg2[%dma_start3A_135] : memref<67108864xf32, #tpu.memory_space<hbm>> -> memref<67108864xf32, #tpu.memory_space<hbm>>
      tpu.enqueue_indirect_dma source(%dma_start3A_136 : memref<67108864xf32, #tpu.memory_space<hbm>>) target(%dma_start3A_132 : memref<128xf32, #tpu.memory_space<vmem>>) offsets(%dma_start3A_134 : memref<128xi32, #tpu.memory_space<vmem>>) semaphore(%arg7 : memref<!tpu.dma_semaphore, #tpu.memory_space<semaphore_mem>>)
      %dma_start3A_137 = arith.constant 2688 : i32
      %dma_start3A_138 = tpu.memref_slice %arg6[%dma_start3A_137] : memref<4096xf32, #tpu.memory_space<vmem>> -> memref<128xf32, #tpu.memory_space<vmem>>
      %dma_start3A_139 = arith.constant 2688 : i32
      %dma_start3A_140 = tpu.memref_slice %arg5[%dma_start3A_139] : memref<4096xi32, #tpu.memory_space<vmem>> -> memref<128xi32, #tpu.memory_space<vmem>>
      %dma_start3A_141 = arith.constant 0 : i32
      %dma_start3A_142 = tpu.memref_slice %arg2[%dma_start3A_141] : memref<67108864xf32, #tpu.memory_space<hbm>> -> memref<67108864xf32, #tpu.memory_space<hbm>>
      tpu.enqueue_indirect_dma source(%dma_start3A_142 : memref<67108864xf32, #tpu.memory_space<hbm>>) target(%dma_start3A_138 : memref<128xf32, #tpu.memory_space<vmem>>) offsets(%dma_start3A_140 : memref<128xi32, #tpu.memory_space<vmem>>) semaphore(%arg7 : memref<!tpu.dma_semaphore, #tpu.memory_space<semaphore_mem>>)
      %dma_start3A_143 = arith.constant 2816 : i32
      %dma_start3A_144 = tpu.memref_slice %arg6[%dma_start3A_143] : memref<4096xf32, #tpu.memory_space<vmem>> -> memref<128xf32, #tpu.memory_space<vmem>>
      %dma_start3A_145 = arith.constant 2816 : i32
      %dma_start3A_146 = tpu.memref_slice %arg5[%dma_start3A_145] : memref<4096xi32, #tpu.memory_space<vmem>> -> memref<128xi32, #tpu.memory_space<vmem>>
      %dma_start3A_147 = arith.constant 0 : i32
      %dma_start3A_148 = tpu.memref_slice %arg2[%dma_start3A_147] : memref<67108864xf32, #tpu.memory_space<hbm>> -> memref<67108864xf32, #tpu.memory_space<hbm>>
      tpu.enqueue_indirect_dma source(%dma_start3A_148 : memref<67108864xf32, #tpu.memory_space<hbm>>) target(%dma_start3A_144 : memref<128xf32, #tpu.memory_space<vmem>>) offsets(%dma_start3A_146 : memref<128xi32, #tpu.memory_space<vmem>>) semaphore(%arg7 : memref<!tpu.dma_semaphore, #tpu.memory_space<semaphore_mem>>)
      %dma_start3A_149 = arith.constant 2944 : i32
      %dma_start3A_150 = tpu.memref_slice %arg6[%dma_start3A_149] : memref<4096xf32, #tpu.memory_space<vmem>> -> memref<128xf32, #tpu.memory_space<vmem>>
      %dma_start3A_151 = arith.constant 2944 : i32
      %dma_start3A_152 = tpu.memref_slice %arg5[%dma_start3A_151] : memref<4096xi32, #tpu.memory_space<vmem>> -> memref<128xi32, #tpu.memory_space<vmem>>
      %dma_start3A_153 = arith.constant 0 : i32
      %dma_start3A_154 = tpu.memref_slice %arg2[%dma_start3A_153] : memref<67108864xf32, #tpu.memory_space<hbm>> -> memref<67108864xf32, #tpu.memory_space<hbm>>
      tpu.enqueue_indirect_dma source(%dma_start3A_154 : memref<67108864xf32, #tpu.memory_space<hbm>>) target(%dma_start3A_150 : memref<128xf32, #tpu.memory_space<vmem>>) offsets(%dma_start3A_152 : memref<128xi32, #tpu.memory_space<vmem>>) semaphore(%arg7 : memref<!tpu.dma_semaphore, #tpu.memory_space<semaphore_mem>>)
      %dma_start3A_155 = arith.constant 3072 : i32
      %dma_start3A_156 = tpu.memref_slice %arg6[%dma_start3A_155] : memref<4096xf32, #tpu.memory_space<vmem>> -> memref<128xf32, #tpu.memory_space<vmem>>
      %dma_start3A_157 = arith.constant 3072 : i32
      %dma_start3A_158 = tpu.memref_slice %arg5[%dma_start3A_157] : memref<4096xi32, #tpu.memory_space<vmem>> -> memref<128xi32, #tpu.memory_space<vmem>>
      %dma_start3A_159 = arith.constant 0 : i32
      %dma_start3A_160 = tpu.memref_slice %arg2[%dma_start3A_159] : memref<67108864xf32, #tpu.memory_space<hbm>> -> memref<67108864xf32, #tpu.memory_space<hbm>>
      tpu.enqueue_indirect_dma source(%dma_start3A_160 : memref<67108864xf32, #tpu.memory_space<hbm>>) target(%dma_start3A_156 : memref<128xf32, #tpu.memory_space<vmem>>) offsets(%dma_start3A_158 : memref<128xi32, #tpu.memory_space<vmem>>) semaphore(%arg7 : memref<!tpu.dma_semaphore, #tpu.memory_space<semaphore_mem>>)
      %dma_start3A_161 = arith.constant 3200 : i32
      %dma_start3A_162 = tpu.memref_slice %arg6[%dma_start3A_161] : memref<4096xf32, #tpu.memory_space<vmem>> -> memref<128xf32, #tpu.memory_space<vmem>>
      %dma_start3A_163 = arith.constant 3200 : i32
      %dma_start3A_164 = tpu.memref_slice %arg5[%dma_start3A_163] : memref<4096xi32, #tpu.memory_space<vmem>> -> memref<128xi32, #tpu.memory_space<vmem>>
      %dma_start3A_165 = arith.constant 0 : i32
      %dma_start3A_166 = tpu.memref_slice %arg2[%dma_start3A_165] : memref<67108864xf32, #tpu.memory_space<hbm>> -> memref<67108864xf32, #tpu.memory_space<hbm>>
      tpu.enqueue_indirect_dma source(%dma_start3A_166 : memref<67108864xf32, #tpu.memory_space<hbm>>) target(%dma_start3A_162 : memref<128xf32, #tpu.memory_space<vmem>>) offsets(%dma_start3A_164 : memref<128xi32, #tpu.memory_space<vmem>>) semaphore(%arg7 : memref<!tpu.dma_semaphore, #tpu.memory_space<semaphore_mem>>)
      %dma_start3A_167 = arith.constant 3328 : i32
      %dma_start3A_168 = tpu.memref_slice %arg6[%dma_start3A_167] : memref<4096xf32, #tpu.memory_space<vmem>> -> memref<128xf32, #tpu.memory_space<vmem>>
      %dma_start3A_169 = arith.constant 3328 : i32
      %dma_start3A_170 = tpu.memref_slice %arg5[%dma_start3A_169] : memref<4096xi32, #tpu.memory_space<vmem>> -> memref<128xi32, #tpu.memory_space<vmem>>
      %dma_start3A_171 = arith.constant 0 : i32
      %dma_start3A_172 = tpu.memref_slice %arg2[%dma_start3A_171] : memref<67108864xf32, #tpu.memory_space<hbm>> -> memref<67108864xf32, #tpu.memory_space<hbm>>
      tpu.enqueue_indirect_dma source(%dma_start3A_172 : memref<67108864xf32, #tpu.memory_space<hbm>>) target(%dma_start3A_168 : memref<128xf32, #tpu.memory_space<vmem>>) offsets(%dma_start3A_170 : memref<128xi32, #tpu.memory_space<vmem>>) semaphore(%arg7 : memref<!tpu.dma_semaphore, #tpu.memory_space<semaphore_mem>>)
      %dma_start3A_173 = arith.constant 3456 : i32
      %dma_start3A_174 = tpu.memref_slice %arg6[%dma_start3A_173] : memref<4096xf32, #tpu.memory_space<vmem>> -> memref<128xf32, #tpu.memory_space<vmem>>
      %dma_start3A_175 = arith.constant 3456 : i32
      %dma_start3A_176 = tpu.memref_slice %arg5[%dma_start3A_175] : memref<4096xi32, #tpu.memory_space<vmem>> -> memref<128xi32, #tpu.memory_space<vmem>>
      %dma_start3A_177 = arith.constant 0 : i32
      %dma_start3A_178 = tpu.memref_slice %arg2[%dma_start3A_177] : memref<67108864xf32, #tpu.memory_space<hbm>> -> memref<67108864xf32, #tpu.memory_space<hbm>>
      tpu.enqueue_indirect_dma source(%dma_start3A_178 : memref<67108864xf32, #tpu.memory_space<hbm>>) target(%dma_start3A_174 : memref<128xf32, #tpu.memory_space<vmem>>) offsets(%dma_start3A_176 : memref<128xi32, #tpu.memory_space<vmem>>) semaphore(%arg7 : memref<!tpu.dma_semaphore, #tpu.memory_space<semaphore_mem>>)
      %dma_start3A_179 = arith.constant 3584 : i32
      %dma_start3A_180 = tpu.memref_slice %arg6[%dma_start3A_179] : memref<4096xf32, #tpu.memory_space<vmem>> -> memref<128xf32, #tpu.memory_space<vmem>>
      %dma_start3A_181 = arith.constant 3584 : i32
      %dma_start3A_182 = tpu.memref_slice %arg5[%dma_start3A_181] : memref<4096xi32, #tpu.memory_space<vmem>> -> memref<128xi32, #tpu.memory_space<vmem>>
      %dma_start3A_183 = arith.constant 0 : i32
      %dma_start3A_184 = tpu.memref_slice %arg2[%dma_start3A_183] : memref<67108864xf32, #tpu.memory_space<hbm>> -> memref<67108864xf32, #tpu.memory_space<hbm>>
      tpu.enqueue_indirect_dma source(%dma_start3A_184 : memref<67108864xf32, #tpu.memory_space<hbm>>) target(%dma_start3A_180 : memref<128xf32, #tpu.memory_space<vmem>>) offsets(%dma_start3A_182 : memref<128xi32, #tpu.memory_space<vmem>>) semaphore(%arg7 : memref<!tpu.dma_semaphore, #tpu.memory_space<semaphore_mem>>)
      %dma_start3A_185 = arith.constant 3712 : i32
      %dma_start3A_186 = tpu.memref_slice %arg6[%dma_start3A_185] : memref<4096xf32, #tpu.memory_space<vmem>> -> memref<128xf32, #tpu.memory_space<vmem>>
      %dma_start3A_187 = arith.constant 3712 : i32
      %dma_start3A_188 = tpu.memref_slice %arg5[%dma_start3A_187] : memref<4096xi32, #tpu.memory_space<vmem>> -> memref<128xi32, #tpu.memory_space<vmem>>
      %dma_start3A_189 = arith.constant 0 : i32
      %dma_start3A_190 = tpu.memref_slice %arg2[%dma_start3A_189] : memref<67108864xf32, #tpu.memory_space<hbm>> -> memref<67108864xf32, #tpu.memory_space<hbm>>
      tpu.enqueue_indirect_dma source(%dma_start3A_190 : memref<67108864xf32, #tpu.memory_space<hbm>>) target(%dma_start3A_186 : memref<128xf32, #tpu.memory_space<vmem>>) offsets(%dma_start3A_188 : memref<128xi32, #tpu.memory_space<vmem>>) semaphore(%arg7 : memref<!tpu.dma_semaphore, #tpu.memory_space<semaphore_mem>>)
      %dma_start3A_191 = arith.constant 3840 : i32
      %dma_start3A_192 = tpu.memref_slice %arg6[%dma_start3A_191] : memref<4096xf32, #tpu.memory_space<vmem>> -> memref<128xf32, #tpu.memory_space<vmem>>
      %dma_start3A_193 = arith.constant 3840 : i32
      %dma_start3A_194 = tpu.memref_slice %arg5[%dma_start3A_193] : memref<4096xi32, #tpu.memory_space<vmem>> -> memref<128xi32, #tpu.memory_space<vmem>>
      %dma_start3A_195 = arith.constant 0 : i32
      %dma_start3A_196 = tpu.memref_slice %arg2[%dma_start3A_195] : memref<67108864xf32, #tpu.memory_space<hbm>> -> memref<67108864xf32, #tpu.memory_space<hbm>>
      tpu.enqueue_indirect_dma source(%dma_start3A_196 : memref<67108864xf32, #tpu.memory_space<hbm>>) target(%dma_start3A_192 : memref<128xf32, #tpu.memory_space<vmem>>) offsets(%dma_start3A_194 : memref<128xi32, #tpu.memory_space<vmem>>) semaphore(%arg7 : memref<!tpu.dma_semaphore, #tpu.memory_space<semaphore_mem>>)
      %dma_start3A_197 = arith.constant 3968 : i32
      %dma_start3A_198 = tpu.memref_slice %arg6[%dma_start3A_197] : memref<4096xf32, #tpu.memory_space<vmem>> -> memref<128xf32, #tpu.memory_space<vmem>>
      %dma_start3A_199 = arith.constant 3968 : i32
      %dma_start3A_200 = tpu.memref_slice %arg5[%dma_start3A_199] : memref<4096xi32, #tpu.memory_space<vmem>> -> memref<128xi32, #tpu.memory_space<vmem>>
      %dma_start3A_201 = arith.constant 0 : i32
      %dma_start3A_202 = tpu.memref_slice %arg2[%dma_start3A_201] : memref<67108864xf32, #tpu.memory_space<hbm>> -> memref<67108864xf32, #tpu.memory_space<hbm>>
      tpu.enqueue_indirect_dma source(%dma_start3A_202 : memref<67108864xf32, #tpu.memory_space<hbm>>) target(%dma_start3A_198 : memref<128xf32, #tpu.memory_space<vmem>>) offsets(%dma_start3A_200 : memref<128xi32, #tpu.memory_space<vmem>>) semaphore(%arg7 : memref<!tpu.dma_semaphore, #tpu.memory_space<semaphore_mem>>)
      %dma_wait3A = arith.constant 0 : i32
      %dma_wait3A_203 = tpu.memref_slice %arg6[%dma_wait3A] : memref<4096xf32, #tpu.memory_space<vmem>> -> memref<128xf32, #tpu.memory_space<vmem>>
      %dma_wait3A_204 = arith.constant 0 : i32
      %dma_wait3A_205 = tpu.memref_slice %arg5[%dma_wait3A_204] : memref<4096xi32, #tpu.memory_space<vmem>> -> memref<128xi32, #tpu.memory_space<vmem>>
      %dma_wait3A_206 = arith.constant 0 : i32
      %dma_wait3A_207 = tpu.memref_slice %arg2[%dma_wait3A_206] : memref<67108864xf32, #tpu.memory_space<hbm>> -> memref<67108864xf32, #tpu.memory_space<hbm>>
      tpu.wait_indirect_dma semaphore(%arg7 : memref<!tpu.dma_semaphore, #tpu.memory_space<semaphore_mem>>) src(%dma_wait3A_207 : memref<67108864xf32, #tpu.memory_space<hbm>>) dst(%dma_wait3A_203 : memref<128xf32, #tpu.memory_space<vmem>>)
      %dma_wait3A_208 = arith.constant 128 : i32
      %dma_wait3A_209 = tpu.memref_slice %arg6[%dma_wait3A_208] : memref<4096xf32, #tpu.memory_space<vmem>> -> memref<128xf32, #tpu.memory_space<vmem>>
      %dma_wait3A_210 = arith.constant 128 : i32
      %dma_wait3A_211 = tpu.memref_slice %arg5[%dma_wait3A_210] : memref<4096xi32, #tpu.memory_space<vmem>> -> memref<128xi32, #tpu.memory_space<vmem>>
      %dma_wait3A_212 = arith.constant 0 : i32
      %dma_wait3A_213 = tpu.memref_slice %arg2[%dma_wait3A_212] : memref<67108864xf32, #tpu.memory_space<hbm>> -> memref<67108864xf32, #tpu.memory_space<hbm>>
      tpu.wait_indirect_dma semaphore(%arg7 : memref<!tpu.dma_semaphore, #tpu.memory_space<semaphore_mem>>) src(%dma_wait3A_213 : memref<67108864xf32, #tpu.memory_space<hbm>>) dst(%dma_wait3A_209 : memref<128xf32, #tpu.memory_space<vmem>>)
      %dma_wait3A_214 = arith.constant 256 : i32
      %dma_wait3A_215 = tpu.memref_slice %arg6[%dma_wait3A_214] : memref<4096xf32, #tpu.memory_space<vmem>> -> memref<128xf32, #tpu.memory_space<vmem>>
      %dma_wait3A_216 = arith.constant 256 : i32
      %dma_wait3A_217 = tpu.memref_slice %arg5[%dma_wait3A_216] : memref<4096xi32, #tpu.memory_space<vmem>> -> memref<128xi32, #tpu.memory_space<vmem>>
      %dma_wait3A_218 = arith.constant 0 : i32
      %dma_wait3A_219 = tpu.memref_slice %arg2[%dma_wait3A_218] : memref<67108864xf32, #tpu.memory_space<hbm>> -> memref<67108864xf32, #tpu.memory_space<hbm>>
      tpu.wait_indirect_dma semaphore(%arg7 : memref<!tpu.dma_semaphore, #tpu.memory_space<semaphore_mem>>) src(%dma_wait3A_219 : memref<67108864xf32, #tpu.memory_space<hbm>>) dst(%dma_wait3A_215 : memref<128xf32, #tpu.memory_space<vmem>>)
      %dma_wait3A_220 = arith.constant 384 : i32
      %dma_wait3A_221 = tpu.memref_slice %arg6[%dma_wait3A_220] : memref<4096xf32, #tpu.memory_space<vmem>> -> memref<128xf32, #tpu.memory_space<vmem>>
      %dma_wait3A_222 = arith.constant 384 : i32
      %dma_wait3A_223 = tpu.memref_slice %arg5[%dma_wait3A_222] : memref<4096xi32, #tpu.memory_space<vmem>> -> memref<128xi32, #tpu.memory_space<vmem>>
      %dma_wait3A_224 = arith.constant 0 : i32
      %dma_wait3A_225 = tpu.memref_slice %arg2[%dma_wait3A_224] : memref<67108864xf32, #tpu.memory_space<hbm>> -> memref<67108864xf32, #tpu.memory_space<hbm>>
      tpu.wait_indirect_dma semaphore(%arg7 : memref<!tpu.dma_semaphore, #tpu.memory_space<semaphore_mem>>) src(%dma_wait3A_225 : memref<67108864xf32, #tpu.memory_space<hbm>>) dst(%dma_wait3A_221 : memref<128xf32, #tpu.memory_space<vmem>>)
      %dma_wait3A_226 = arith.constant 512 : i32
      %dma_wait3A_227 = tpu.memref_slice %arg6[%dma_wait3A_226] : memref<4096xf32, #tpu.memory_space<vmem>> -> memref<128xf32, #tpu.memory_space<vmem>>
      %dma_wait3A_228 = arith.constant 512 : i32
      %dma_wait3A_229 = tpu.memref_slice %arg5[%dma_wait3A_228] : memref<4096xi32, #tpu.memory_space<vmem>> -> memref<128xi32, #tpu.memory_space<vmem>>
      %dma_wait3A_230 = arith.constant 0 : i32
      %dma_wait3A_231 = tpu.memref_slice %arg2[%dma_wait3A_230] : memref<67108864xf32, #tpu.memory_space<hbm>> -> memref<67108864xf32, #tpu.memory_space<hbm>>
      tpu.wait_indirect_dma semaphore(%arg7 : memref<!tpu.dma_semaphore, #tpu.memory_space<semaphore_mem>>) src(%dma_wait3A_231 : memref<67108864xf32, #tpu.memory_space<hbm>>) dst(%dma_wait3A_227 : memref<128xf32, #tpu.memory_space<vmem>>)
      %dma_wait3A_232 = arith.constant 640 : i32
      %dma_wait3A_233 = tpu.memref_slice %arg6[%dma_wait3A_232] : memref<4096xf32, #tpu.memory_space<vmem>> -> memref<128xf32, #tpu.memory_space<vmem>>
      %dma_wait3A_234 = arith.constant 640 : i32
      %dma_wait3A_235 = tpu.memref_slice %arg5[%dma_wait3A_234] : memref<4096xi32, #tpu.memory_space<vmem>> -> memref<128xi32, #tpu.memory_space<vmem>>
      %dma_wait3A_236 = arith.constant 0 : i32
      %dma_wait3A_237 = tpu.memref_slice %arg2[%dma_wait3A_236] : memref<67108864xf32, #tpu.memory_space<hbm>> -> memref<67108864xf32, #tpu.memory_space<hbm>>
      tpu.wait_indirect_dma semaphore(%arg7 : memref<!tpu.dma_semaphore, #tpu.memory_space<semaphore_mem>>) src(%dma_wait3A_237 : memref<67108864xf32, #tpu.memory_space<hbm>>) dst(%dma_wait3A_233 : memref<128xf32, #tpu.memory_space<vmem>>)
      %dma_wait3A_238 = arith.constant 768 : i32
      %dma_wait3A_239 = tpu.memref_slice %arg6[%dma_wait3A_238] : memref<4096xf32, #tpu.memory_space<vmem>> -> memref<128xf32, #tpu.memory_space<vmem>>
      %dma_wait3A_240 = arith.constant 768 : i32
      %dma_wait3A_241 = tpu.memref_slice %arg5[%dma_wait3A_240] : memref<4096xi32, #tpu.memory_space<vmem>> -> memref<128xi32, #tpu.memory_space<vmem>>
      %dma_wait3A_242 = arith.constant 0 : i32
      %dma_wait3A_243 = tpu.memref_slice %arg2[%dma_wait3A_242] : memref<67108864xf32, #tpu.memory_space<hbm>> -> memref<67108864xf32, #tpu.memory_space<hbm>>
      tpu.wait_indirect_dma semaphore(%arg7 : memref<!tpu.dma_semaphore, #tpu.memory_space<semaphore_mem>>) src(%dma_wait3A_243 : memref<67108864xf32, #tpu.memory_space<hbm>>) dst(%dma_wait3A_239 : memref<128xf32, #tpu.memory_space<vmem>>)
      %dma_wait3A_244 = arith.constant 896 : i32
      %dma_wait3A_245 = tpu.memref_slice %arg6[%dma_wait3A_244] : memref<4096xf32, #tpu.memory_space<vmem>> -> memref<128xf32, #tpu.memory_space<vmem>>
      %dma_wait3A_246 = arith.constant 896 : i32
      %dma_wait3A_247 = tpu.memref_slice %arg5[%dma_wait3A_246] : memref<4096xi32, #tpu.memory_space<vmem>> -> memref<128xi32, #tpu.memory_space<vmem>>
      %dma_wait3A_248 = arith.constant 0 : i32
      %dma_wait3A_249 = tpu.memref_slice %arg2[%dma_wait3A_248] : memref<67108864xf32, #tpu.memory_space<hbm>> -> memref<67108864xf32, #tpu.memory_space<hbm>>
      tpu.wait_indirect_dma semaphore(%arg7 : memref<!tpu.dma_semaphore, #tpu.memory_space<semaphore_mem>>) src(%dma_wait3A_249 : memref<67108864xf32, #tpu.memory_space<hbm>>) dst(%dma_wait3A_245 : memref<128xf32, #tpu.memory_space<vmem>>)
      %dma_wait3A_250 = arith.constant 1024 : i32
      %dma_wait3A_251 = tpu.memref_slice %arg6[%dma_wait3A_250] : memref<4096xf32, #tpu.memory_space<vmem>> -> memref<128xf32, #tpu.memory_space<vmem>>
      %dma_wait3A_252 = arith.constant 1024 : i32
      %dma_wait3A_253 = tpu.memref_slice %arg5[%dma_wait3A_252] : memref<4096xi32, #tpu.memory_space<vmem>> -> memref<128xi32, #tpu.memory_space<vmem>>
      %dma_wait3A_254 = arith.constant 0 : i32
      %dma_wait3A_255 = tpu.memref_slice %arg2[%dma_wait3A_254] : memref<67108864xf32, #tpu.memory_space<hbm>> -> memref<67108864xf32, #tpu.memory_space<hbm>>
      tpu.wait_indirect_dma semaphore(%arg7 : memref<!tpu.dma_semaphore, #tpu.memory_space<semaphore_mem>>) src(%dma_wait3A_255 : memref<67108864xf32, #tpu.memory_space<hbm>>) dst(%dma_wait3A_251 : memref<128xf32, #tpu.memory_space<vmem>>)
      %dma_wait3A_256 = arith.constant 1152 : i32
      %dma_wait3A_257 = tpu.memref_slice %arg6[%dma_wait3A_256] : memref<4096xf32, #tpu.memory_space<vmem>> -> memref<128xf32, #tpu.memory_space<vmem>>
      %dma_wait3A_258 = arith.constant 1152 : i32
      %dma_wait3A_259 = tpu.memref_slice %arg5[%dma_wait3A_258] : memref<4096xi32, #tpu.memory_space<vmem>> -> memref<128xi32, #tpu.memory_space<vmem>>
      %dma_wait3A_260 = arith.constant 0 : i32
      %dma_wait3A_261 = tpu.memref_slice %arg2[%dma_wait3A_260] : memref<67108864xf32, #tpu.memory_space<hbm>> -> memref<67108864xf32, #tpu.memory_space<hbm>>
      tpu.wait_indirect_dma semaphore(%arg7 : memref<!tpu.dma_semaphore, #tpu.memory_space<semaphore_mem>>) src(%dma_wait3A_261 : memref<67108864xf32, #tpu.memory_space<hbm>>) dst(%dma_wait3A_257 : memref<128xf32, #tpu.memory_space<vmem>>)
      %dma_wait3A_262 = arith.constant 1280 : i32
      %dma_wait3A_263 = tpu.memref_slice %arg6[%dma_wait3A_262] : memref<4096xf32, #tpu.memory_space<vmem>> -> memref<128xf32, #tpu.memory_space<vmem>>
      %dma_wait3A_264 = arith.constant 1280 : i32
      %dma_wait3A_265 = tpu.memref_slice %arg5[%dma_wait3A_264] : memref<4096xi32, #tpu.memory_space<vmem>> -> memref<128xi32, #tpu.memory_space<vmem>>
      %dma_wait3A_266 = arith.constant 0 : i32
      %dma_wait3A_267 = tpu.memref_slice %arg2[%dma_wait3A_266] : memref<67108864xf32, #tpu.memory_space<hbm>> -> memref<67108864xf32, #tpu.memory_space<hbm>>
      tpu.wait_indirect_dma semaphore(%arg7 : memref<!tpu.dma_semaphore, #tpu.memory_space<semaphore_mem>>) src(%dma_wait3A_267 : memref<67108864xf32, #tpu.memory_space<hbm>>) dst(%dma_wait3A_263 : memref<128xf32, #tpu.memory_space<vmem>>)
      %dma_wait3A_268 = arith.constant 1408 : i32
      %dma_wait3A_269 = tpu.memref_slice %arg6[%dma_wait3A_268] : memref<4096xf32, #tpu.memory_space<vmem>> -> memref<128xf32, #tpu.memory_space<vmem>>
      %dma_wait3A_270 = arith.constant 1408 : i32
      %dma_wait3A_271 = tpu.memref_slice %arg5[%dma_wait3A_270] : memref<4096xi32, #tpu.memory_space<vmem>> -> memref<128xi32, #tpu.memory_space<vmem>>
      %dma_wait3A_272 = arith.constant 0 : i32
      %dma_wait3A_273 = tpu.memref_slice %arg2[%dma_wait3A_272] : memref<67108864xf32, #tpu.memory_space<hbm>> -> memref<67108864xf32, #tpu.memory_space<hbm>>
      tpu.wait_indirect_dma semaphore(%arg7 : memref<!tpu.dma_semaphore, #tpu.memory_space<semaphore_mem>>) src(%dma_wait3A_273 : memref<67108864xf32, #tpu.memory_space<hbm>>) dst(%dma_wait3A_269 : memref<128xf32, #tpu.memory_space<vmem>>)
      %dma_wait3A_274 = arith.constant 1536 : i32
      %dma_wait3A_275 = tpu.memref_slice %arg6[%dma_wait3A_274] : memref<4096xf32, #tpu.memory_space<vmem>> -> memref<128xf32, #tpu.memory_space<vmem>>
      %dma_wait3A_276 = arith.constant 1536 : i32
      %dma_wait3A_277 = tpu.memref_slice %arg5[%dma_wait3A_276] : memref<4096xi32, #tpu.memory_space<vmem>> -> memref<128xi32, #tpu.memory_space<vmem>>
      %dma_wait3A_278 = arith.constant 0 : i32
      %dma_wait3A_279 = tpu.memref_slice %arg2[%dma_wait3A_278] : memref<67108864xf32, #tpu.memory_space<hbm>> -> memref<67108864xf32, #tpu.memory_space<hbm>>
      tpu.wait_indirect_dma semaphore(%arg7 : memref<!tpu.dma_semaphore, #tpu.memory_space<semaphore_mem>>) src(%dma_wait3A_279 : memref<67108864xf32, #tpu.memory_space<hbm>>) dst(%dma_wait3A_275 : memref<128xf32, #tpu.memory_space<vmem>>)
      %dma_wait3A_280 = arith.constant 1664 : i32
      %dma_wait3A_281 = tpu.memref_slice %arg6[%dma_wait3A_280] : memref<4096xf32, #tpu.memory_space<vmem>> -> memref<128xf32, #tpu.memory_space<vmem>>
      %dma_wait3A_282 = arith.constant 1664 : i32
      %dma_wait3A_283 = tpu.memref_slice %arg5[%dma_wait3A_282] : memref<4096xi32, #tpu.memory_space<vmem>> -> memref<128xi32, #tpu.memory_space<vmem>>
      %dma_wait3A_284 = arith.constant 0 : i32
      %dma_wait3A_285 = tpu.memref_slice %arg2[%dma_wait3A_284] : memref<67108864xf32, #tpu.memory_space<hbm>> -> memref<67108864xf32, #tpu.memory_space<hbm>>
      tpu.wait_indirect_dma semaphore(%arg7 : memref<!tpu.dma_semaphore, #tpu.memory_space<semaphore_mem>>) src(%dma_wait3A_285 : memref<67108864xf32, #tpu.memory_space<hbm>>) dst(%dma_wait3A_281 : memref<128xf32, #tpu.memory_space<vmem>>)
      %dma_wait3A_286 = arith.constant 1792 : i32
      %dma_wait3A_287 = tpu.memref_slice %arg6[%dma_wait3A_286] : memref<4096xf32, #tpu.memory_space<vmem>> -> memref<128xf32, #tpu.memory_space<vmem>>
      %dma_wait3A_288 = arith.constant 1792 : i32
      %dma_wait3A_289 = tpu.memref_slice %arg5[%dma_wait3A_288] : memref<4096xi32, #tpu.memory_space<vmem>> -> memref<128xi32, #tpu.memory_space<vmem>>
      %dma_wait3A_290 = arith.constant 0 : i32
      %dma_wait3A_291 = tpu.memref_slice %arg2[%dma_wait3A_290] : memref<67108864xf32, #tpu.memory_space<hbm>> -> memref<67108864xf32, #tpu.memory_space<hbm>>
      tpu.wait_indirect_dma semaphore(%arg7 : memref<!tpu.dma_semaphore, #tpu.memory_space<semaphore_mem>>) src(%dma_wait3A_291 : memref<67108864xf32, #tpu.memory_space<hbm>>) dst(%dma_wait3A_287 : memref<128xf32, #tpu.memory_space<vmem>>)
      %dma_wait3A_292 = arith.constant 1920 : i32
      %dma_wait3A_293 = tpu.memref_slice %arg6[%dma_wait3A_292] : memref<4096xf32, #tpu.memory_space<vmem>> -> memref<128xf32, #tpu.memory_space<vmem>>
      %dma_wait3A_294 = arith.constant 1920 : i32
      %dma_wait3A_295 = tpu.memref_slice %arg5[%dma_wait3A_294] : memref<4096xi32, #tpu.memory_space<vmem>> -> memref<128xi32, #tpu.memory_space<vmem>>
      %dma_wait3A_296 = arith.constant 0 : i32
      %dma_wait3A_297 = tpu.memref_slice %arg2[%dma_wait3A_296] : memref<67108864xf32, #tpu.memory_space<hbm>> -> memref<67108864xf32, #tpu.memory_space<hbm>>
      tpu.wait_indirect_dma semaphore(%arg7 : memref<!tpu.dma_semaphore, #tpu.memory_space<semaphore_mem>>) src(%dma_wait3A_297 : memref<67108864xf32, #tpu.memory_space<hbm>>) dst(%dma_wait3A_293 : memref<128xf32, #tpu.memory_space<vmem>>)
      %dma_wait3A_298 = arith.constant 2048 : i32
      %dma_wait3A_299 = tpu.memref_slice %arg6[%dma_wait3A_298] : memref<4096xf32, #tpu.memory_space<vmem>> -> memref<128xf32, #tpu.memory_space<vmem>>
      %dma_wait3A_300 = arith.constant 2048 : i32
      %dma_wait3A_301 = tpu.memref_slice %arg5[%dma_wait3A_300] : memref<4096xi32, #tpu.memory_space<vmem>> -> memref<128xi32, #tpu.memory_space<vmem>>
      %dma_wait3A_302 = arith.constant 0 : i32
      %dma_wait3A_303 = tpu.memref_slice %arg2[%dma_wait3A_302] : memref<67108864xf32, #tpu.memory_space<hbm>> -> memref<67108864xf32, #tpu.memory_space<hbm>>
      tpu.wait_indirect_dma semaphore(%arg7 : memref<!tpu.dma_semaphore, #tpu.memory_space<semaphore_mem>>) src(%dma_wait3A_303 : memref<67108864xf32, #tpu.memory_space<hbm>>) dst(%dma_wait3A_299 : memref<128xf32, #tpu.memory_space<vmem>>)
      %dma_wait3A_304 = arith.constant 2176 : i32
      %dma_wait3A_305 = tpu.memref_slice %arg6[%dma_wait3A_304] : memref<4096xf32, #tpu.memory_space<vmem>> -> memref<128xf32, #tpu.memory_space<vmem>>
      %dma_wait3A_306 = arith.constant 2176 : i32
      %dma_wait3A_307 = tpu.memref_slice %arg5[%dma_wait3A_306] : memref<4096xi32, #tpu.memory_space<vmem>> -> memref<128xi32, #tpu.memory_space<vmem>>
      %dma_wait3A_308 = arith.constant 0 : i32
      %dma_wait3A_309 = tpu.memref_slice %arg2[%dma_wait3A_308] : memref<67108864xf32, #tpu.memory_space<hbm>> -> memref<67108864xf32, #tpu.memory_space<hbm>>
      tpu.wait_indirect_dma semaphore(%arg7 : memref<!tpu.dma_semaphore, #tpu.memory_space<semaphore_mem>>) src(%dma_wait3A_309 : memref<67108864xf32, #tpu.memory_space<hbm>>) dst(%dma_wait3A_305 : memref<128xf32, #tpu.memory_space<vmem>>)
      %dma_wait3A_310 = arith.constant 2304 : i32
      %dma_wait3A_311 = tpu.memref_slice %arg6[%dma_wait3A_310] : memref<4096xf32, #tpu.memory_space<vmem>> -> memref<128xf32, #tpu.memory_space<vmem>>
      %dma_wait3A_312 = arith.constant 2304 : i32
      %dma_wait3A_313 = tpu.memref_slice %arg5[%dma_wait3A_312] : memref<4096xi32, #tpu.memory_space<vmem>> -> memref<128xi32, #tpu.memory_space<vmem>>
      %dma_wait3A_314 = arith.constant 0 : i32
      %dma_wait3A_315 = tpu.memref_slice %arg2[%dma_wait3A_314] : memref<67108864xf32, #tpu.memory_space<hbm>> -> memref<67108864xf32, #tpu.memory_space<hbm>>
      tpu.wait_indirect_dma semaphore(%arg7 : memref<!tpu.dma_semaphore, #tpu.memory_space<semaphore_mem>>) src(%dma_wait3A_315 : memref<67108864xf32, #tpu.memory_space<hbm>>) dst(%dma_wait3A_311 : memref<128xf32, #tpu.memory_space<vmem>>)
      %dma_wait3A_316 = arith.constant 2432 : i32
      %dma_wait3A_317 = tpu.memref_slice %arg6[%dma_wait3A_316] : memref<4096xf32, #tpu.memory_space<vmem>> -> memref<128xf32, #tpu.memory_space<vmem>>
      %dma_wait3A_318 = arith.constant 2432 : i32
      %dma_wait3A_319 = tpu.memref_slice %arg5[%dma_wait3A_318] : memref<4096xi32, #tpu.memory_space<vmem>> -> memref<128xi32, #tpu.memory_space<vmem>>
      %dma_wait3A_320 = arith.constant 0 : i32
      %dma_wait3A_321 = tpu.memref_slice %arg2[%dma_wait3A_320] : memref<67108864xf32, #tpu.memory_space<hbm>> -> memref<67108864xf32, #tpu.memory_space<hbm>>
      tpu.wait_indirect_dma semaphore(%arg7 : memref<!tpu.dma_semaphore, #tpu.memory_space<semaphore_mem>>) src(%dma_wait3A_321 : memref<67108864xf32, #tpu.memory_space<hbm>>) dst(%dma_wait3A_317 : memref<128xf32, #tpu.memory_space<vmem>>)
      %dma_wait3A_322 = arith.constant 2560 : i32
      %dma_wait3A_323 = tpu.memref_slice %arg6[%dma_wait3A_322] : memref<4096xf32, #tpu.memory_space<vmem>> -> memref<128xf32, #tpu.memory_space<vmem>>
      %dma_wait3A_324 = arith.constant 2560 : i32
      %dma_wait3A_325 = tpu.memref_slice %arg5[%dma_wait3A_324] : memref<4096xi32, #tpu.memory_space<vmem>> -> memref<128xi32, #tpu.memory_space<vmem>>
      %dma_wait3A_326 = arith.constant 0 : i32
      %dma_wait3A_327 = tpu.memref_slice %arg2[%dma_wait3A_326] : memref<67108864xf32, #tpu.memory_space<hbm>> -> memref<67108864xf32, #tpu.memory_space<hbm>>
      tpu.wait_indirect_dma semaphore(%arg7 : memref<!tpu.dma_semaphore, #tpu.memory_space<semaphore_mem>>) src(%dma_wait3A_327 : memref<67108864xf32, #tpu.memory_space<hbm>>) dst(%dma_wait3A_323 : memref<128xf32, #tpu.memory_space<vmem>>)
      %dma_wait3A_328 = arith.constant 2688 : i32
      %dma_wait3A_329 = tpu.memref_slice %arg6[%dma_wait3A_328] : memref<4096xf32, #tpu.memory_space<vmem>> -> memref<128xf32, #tpu.memory_space<vmem>>
      %dma_wait3A_330 = arith.constant 2688 : i32
      %dma_wait3A_331 = tpu.memref_slice %arg5[%dma_wait3A_330] : memref<4096xi32, #tpu.memory_space<vmem>> -> memref<128xi32, #tpu.memory_space<vmem>>
      %dma_wait3A_332 = arith.constant 0 : i32
      %dma_wait3A_333 = tpu.memref_slice %arg2[%dma_wait3A_332] : memref<67108864xf32, #tpu.memory_space<hbm>> -> memref<67108864xf32, #tpu.memory_space<hbm>>
      tpu.wait_indirect_dma semaphore(%arg7 : memref<!tpu.dma_semaphore, #tpu.memory_space<semaphore_mem>>) src(%dma_wait3A_333 : memref<67108864xf32, #tpu.memory_space<hbm>>) dst(%dma_wait3A_329 : memref<128xf32, #tpu.memory_space<vmem>>)
      %dma_wait3A_334 = arith.constant 2816 : i32
      %dma_wait3A_335 = tpu.memref_slice %arg6[%dma_wait3A_334] : memref<4096xf32, #tpu.memory_space<vmem>> -> memref<128xf32, #tpu.memory_space<vmem>>
      %dma_wait3A_336 = arith.constant 2816 : i32
      %dma_wait3A_337 = tpu.memref_slice %arg5[%dma_wait3A_336] : memref<4096xi32, #tpu.memory_space<vmem>> -> memref<128xi32, #tpu.memory_space<vmem>>
      %dma_wait3A_338 = arith.constant 0 : i32
      %dma_wait3A_339 = tpu.memref_slice %arg2[%dma_wait3A_338] : memref<67108864xf32, #tpu.memory_space<hbm>> -> memref<67108864xf32, #tpu.memory_space<hbm>>
      tpu.wait_indirect_dma semaphore(%arg7 : memref<!tpu.dma_semaphore, #tpu.memory_space<semaphore_mem>>) src(%dma_wait3A_339 : memref<67108864xf32, #tpu.memory_space<hbm>>) dst(%dma_wait3A_335 : memref<128xf32, #tpu.memory_space<vmem>>)
      %dma_wait3A_340 = arith.constant 2944 : i32
      %dma_wait3A_341 = tpu.memref_slice %arg6[%dma_wait3A_340] : memref<4096xf32, #tpu.memory_space<vmem>> -> memref<128xf32, #tpu.memory_space<vmem>>
      %dma_wait3A_342 = arith.constant 2944 : i32
      %dma_wait3A_343 = tpu.memref_slice %arg5[%dma_wait3A_342] : memref<4096xi32, #tpu.memory_space<vmem>> -> memref<128xi32, #tpu.memory_space<vmem>>
      %dma_wait3A_344 = arith.constant 0 : i32
      %dma_wait3A_345 = tpu.memref_slice %arg2[%dma_wait3A_344] : memref<67108864xf32, #tpu.memory_space<hbm>> -> memref<67108864xf32, #tpu.memory_space<hbm>>
      tpu.wait_indirect_dma semaphore(%arg7 : memref<!tpu.dma_semaphore, #tpu.memory_space<semaphore_mem>>) src(%dma_wait3A_345 : memref<67108864xf32, #tpu.memory_space<hbm>>) dst(%dma_wait3A_341 : memref<128xf32, #tpu.memory_space<vmem>>)
      %dma_wait3A_346 = arith.constant 3072 : i32
      %dma_wait3A_347 = tpu.memref_slice %arg6[%dma_wait3A_346] : memref<4096xf32, #tpu.memory_space<vmem>> -> memref<128xf32, #tpu.memory_space<vmem>>
      %dma_wait3A_348 = arith.constant 3072 : i32
      %dma_wait3A_349 = tpu.memref_slice %arg5[%dma_wait3A_348] : memref<4096xi32, #tpu.memory_space<vmem>> -> memref<128xi32, #tpu.memory_space<vmem>>
      %dma_wait3A_350 = arith.constant 0 : i32
      %dma_wait3A_351 = tpu.memref_slice %arg2[%dma_wait3A_350] : memref<67108864xf32, #tpu.memory_space<hbm>> -> memref<67108864xf32, #tpu.memory_space<hbm>>
      tpu.wait_indirect_dma semaphore(%arg7 : memref<!tpu.dma_semaphore, #tpu.memory_space<semaphore_mem>>) src(%dma_wait3A_351 : memref<67108864xf32, #tpu.memory_space<hbm>>) dst(%dma_wait3A_347 : memref<128xf32, #tpu.memory_space<vmem>>)
      %dma_wait3A_352 = arith.constant 3200 : i32
      %dma_wait3A_353 = tpu.memref_slice %arg6[%dma_wait3A_352] : memref<4096xf32, #tpu.memory_space<vmem>> -> memref<128xf32, #tpu.memory_space<vmem>>
      %dma_wait3A_354 = arith.constant 3200 : i32
      %dma_wait3A_355 = tpu.memref_slice %arg5[%dma_wait3A_354] : memref<4096xi32, #tpu.memory_space<vmem>> -> memref<128xi32, #tpu.memory_space<vmem>>
      %dma_wait3A_356 = arith.constant 0 : i32
      %dma_wait3A_357 = tpu.memref_slice %arg2[%dma_wait3A_356] : memref<67108864xf32, #tpu.memory_space<hbm>> -> memref<67108864xf32, #tpu.memory_space<hbm>>
      tpu.wait_indirect_dma semaphore(%arg7 : memref<!tpu.dma_semaphore, #tpu.memory_space<semaphore_mem>>) src(%dma_wait3A_357 : memref<67108864xf32, #tpu.memory_space<hbm>>) dst(%dma_wait3A_353 : memref<128xf32, #tpu.memory_space<vmem>>)
      %dma_wait3A_358 = arith.constant 3328 : i32
      %dma_wait3A_359 = tpu.memref_slice %arg6[%dma_wait3A_358] : memref<4096xf32, #tpu.memory_space<vmem>> -> memref<128xf32, #tpu.memory_space<vmem>>
      %dma_wait3A_360 = arith.constant 3328 : i32
      %dma_wait3A_361 = tpu.memref_slice %arg5[%dma_wait3A_360] : memref<4096xi32, #tpu.memory_space<vmem>> -> memref<128xi32, #tpu.memory_space<vmem>>
      %dma_wait3A_362 = arith.constant 0 : i32
      %dma_wait3A_363 = tpu.memref_slice %arg2[%dma_wait3A_362] : memref<67108864xf32, #tpu.memory_space<hbm>> -> memref<67108864xf32, #tpu.memory_space<hbm>>
      tpu.wait_indirect_dma semaphore(%arg7 : memref<!tpu.dma_semaphore, #tpu.memory_space<semaphore_mem>>) src(%dma_wait3A_363 : memref<67108864xf32, #tpu.memory_space<hbm>>) dst(%dma_wait3A_359 : memref<128xf32, #tpu.memory_space<vmem>>)
      %dma_wait3A_364 = arith.constant 3456 : i32
      %dma_wait3A_365 = tpu.memref_slice %arg6[%dma_wait3A_364] : memref<4096xf32, #tpu.memory_space<vmem>> -> memref<128xf32, #tpu.memory_space<vmem>>
      %dma_wait3A_366 = arith.constant 3456 : i32
      %dma_wait3A_367 = tpu.memref_slice %arg5[%dma_wait3A_366] : memref<4096xi32, #tpu.memory_space<vmem>> -> memref<128xi32, #tpu.memory_space<vmem>>
      %dma_wait3A_368 = arith.constant 0 : i32
      %dma_wait3A_369 = tpu.memref_slice %arg2[%dma_wait3A_368] : memref<67108864xf32, #tpu.memory_space<hbm>> -> memref<67108864xf32, #tpu.memory_space<hbm>>
      tpu.wait_indirect_dma semaphore(%arg7 : memref<!tpu.dma_semaphore, #tpu.memory_space<semaphore_mem>>) src(%dma_wait3A_369 : memref<67108864xf32, #tpu.memory_space<hbm>>) dst(%dma_wait3A_365 : memref<128xf32, #tpu.memory_space<vmem>>)
      %dma_wait3A_370 = arith.constant 3584 : i32
      %dma_wait3A_371 = tpu.memref_slice %arg6[%dma_wait3A_370] : memref<4096xf32, #tpu.memory_space<vmem>> -> memref<128xf32, #tpu.memory_space<vmem>>
      %dma_wait3A_372 = arith.constant 3584 : i32
      %dma_wait3A_373 = tpu.memref_slice %arg5[%dma_wait3A_372] : memref<4096xi32, #tpu.memory_space<vmem>> -> memref<128xi32, #tpu.memory_space<vmem>>
      %dma_wait3A_374 = arith.constant 0 : i32
      %dma_wait3A_375 = tpu.memref_slice %arg2[%dma_wait3A_374] : memref<67108864xf32, #tpu.memory_space<hbm>> -> memref<67108864xf32, #tpu.memory_space<hbm>>
      tpu.wait_indirect_dma semaphore(%arg7 : memref<!tpu.dma_semaphore, #tpu.memory_space<semaphore_mem>>) src(%dma_wait3A_375 : memref<67108864xf32, #tpu.memory_space<hbm>>) dst(%dma_wait3A_371 : memref<128xf32, #tpu.memory_space<vmem>>)
      %dma_wait3A_376 = arith.constant 3712 : i32
      %dma_wait3A_377 = tpu.memref_slice %arg6[%dma_wait3A_376] : memref<4096xf32, #tpu.memory_space<vmem>> -> memref<128xf32, #tpu.memory_space<vmem>>
      %dma_wait3A_378 = arith.constant 3712 : i32
      %dma_wait3A_379 = tpu.memref_slice %arg5[%dma_wait3A_378] : memref<4096xi32, #tpu.memory_space<vmem>> -> memref<128xi32, #tpu.memory_space<vmem>>
      %dma_wait3A_380 = arith.constant 0 : i32
      %dma_wait3A_381 = tpu.memref_slice %arg2[%dma_wait3A_380] : memref<67108864xf32, #tpu.memory_space<hbm>> -> memref<67108864xf32, #tpu.memory_space<hbm>>
      tpu.wait_indirect_dma semaphore(%arg7 : memref<!tpu.dma_semaphore, #tpu.memory_space<semaphore_mem>>) src(%dma_wait3A_381 : memref<67108864xf32, #tpu.memory_space<hbm>>) dst(%dma_wait3A_377 : memref<128xf32, #tpu.memory_space<vmem>>)
      %dma_wait3A_382 = arith.constant 3840 : i32
      %dma_wait3A_383 = tpu.memref_slice %arg6[%dma_wait3A_382] : memref<4096xf32, #tpu.memory_space<vmem>> -> memref<128xf32, #tpu.memory_space<vmem>>
      %dma_wait3A_384 = arith.constant 3840 : i32
      %dma_wait3A_385 = tpu.memref_slice %arg5[%dma_wait3A_384] : memref<4096xi32, #tpu.memory_space<vmem>> -> memref<128xi32, #tpu.memory_space<vmem>>
      %dma_wait3A_386 = arith.constant 0 : i32
      %dma_wait3A_387 = tpu.memref_slice %arg2[%dma_wait3A_386] : memref<67108864xf32, #tpu.memory_space<hbm>> -> memref<67108864xf32, #tpu.memory_space<hbm>>
      tpu.wait_indirect_dma semaphore(%arg7 : memref<!tpu.dma_semaphore, #tpu.memory_space<semaphore_mem>>) src(%dma_wait3A_387 : memref<67108864xf32, #tpu.memory_space<hbm>>) dst(%dma_wait3A_383 : memref<128xf32, #tpu.memory_space<vmem>>)
      %dma_wait3A_388 = arith.constant 3968 : i32
      %dma_wait3A_389 = tpu.memref_slice %arg6[%dma_wait3A_388] : memref<4096xf32, #tpu.memory_space<vmem>> -> memref<128xf32, #tpu.memory_space<vmem>>
      %dma_wait3A_390 = arith.constant 3968 : i32
      %dma_wait3A_391 = tpu.memref_slice %arg5[%dma_wait3A_390] : memref<4096xi32, #tpu.memory_space<vmem>> -> memref<128xi32, #tpu.memory_space<vmem>>
      %dma_wait3A_392 = arith.constant 0 : i32
      %dma_wait3A_393 = tpu.memref_slice %arg2[%dma_wait3A_392] : memref<67108864xf32, #tpu.memory_space<hbm>> -> memref<67108864xf32, #tpu.memory_space<hbm>>
      tpu.wait_indirect_dma semaphore(%arg7 : memref<!tpu.dma_semaphore, #tpu.memory_space<semaphore_mem>>) src(%dma_wait3A_393 : memref<67108864xf32, #tpu.memory_space<hbm>>) dst(%dma_wait3A_389 : memref<128xf32, #tpu.memory_space<vmem>>)
      "tpu.region"() ({
        %run_scoped3A = tpu.sem_alloc : memref<!tpu.dma_semaphore, #tpu.memory_space<semaphore_mem>>
        %dma_start3A_394 = tpu.memref_slice %arg4[%add3A_11] : memref<1048576xf32, #tpu.memory_space<hbm>> -> memref<4096xf32, #tpu.memory_space<hbm>>
        %dma_start3A_395 = tpu.memref_slice %arg4[%add3A_11] : memref<1048576xf32, #tpu.memory_space<hbm>> -> memref<4096xf32, #tpu.memory_space<hbm>>
        tpu.enqueue_dma source(%arg6 : memref<4096xf32, #tpu.memory_space<vmem>>) target(%dma_start3A_395 : memref<4096xf32, #tpu.memory_space<hbm>>) target_semaphore(%run_scoped3A : memref<!tpu.dma_semaphore, #tpu.memory_space<semaphore_mem>>)
        %dma_wait3A_396 = tpu.memref_slice %arg4[%add3A_11] : memref<1048576xf32, #tpu.memory_space<hbm>> -> memref<4096xf32, #tpu.memory_space<hbm>>
        %dma_wait3A_397 = tpu.memref_slice %arg4[%add3A_11] : memref<1048576xf32, #tpu.memory_space<hbm>> -> memref<4096xf32, #tpu.memory_space<hbm>>
        tpu.wait_dma2 semaphore(%run_scoped3A : memref<!tpu.dma_semaphore, #tpu.memory_space<semaphore_mem>>) src(%arg6 : memref<4096xf32, #tpu.memory_space<vmem>>) dst(%dma_wait3A_397 : memref<4096xf32, #tpu.memory_space<hbm>>)
        tpu.yield
      }) : () -> ()
    }
    %scan3A_7 = arith.constant 8 : i32
    return
  }
}

#map = affine_map<(d0, d1) -> (0)>
module attributes {stable_mosaic.version = 14 : i64} {
  func.func @_sc_gather_body(%arg0: i32, %arg1: i32, %arg2: memref<67108864xf32, #tpu.memory_space<hbm>>, %arg3: memref<1048576xi32, #tpu.memory_space<hbm>>, %arg4: memref<1048576xf32, #tpu.memory_space<hbm>>, %arg5: memref<4096xi32, #tpu.memory_space<vmem>>, %arg6: memref<4096xf32, #tpu.memory_space<vmem>>, %arg7: memref<!tpu.dma_semaphore, #tpu.memory_space<semaphore_mem>>) attributes {dimension_semantics = [#tpu.dimension_semantics<core_parallel>, #tpu.dimension_semantics<subcore_parallel>], iteration_bounds = array<i64: 2, 16>, scalar_prefetch = 0 : i64, scratch_operands = 3 : i64, tpu.core_type = #tpu.core_type<sc_vector_subcore>, window_params = [{transform_indices = #map}, {transform_indices = #map}, {transform_indices = #map}]} {
    %mul3A = arith.constant 16 : i32
    %mul3A_0 = arith.muli %arg0, %mul3A : i32
    %add3A = arith.addi %mul3A_0, %arg1 : i32
    %mul3A_1 = arith.constant 32768 : i32
    %mul3A_2 = arith.muli %add3A, %mul3A_1 : i32
    %scan3A = arith.constant 0 : i32
    %scan3A_3 = arith.constant 0 : i32
    %scan3A_4 = arith.constant 8 : i32
    %scan3A_5 = arith.addi %scan3A_3, %scan3A_4 : i32
    %scan3A_6 = arith.constant 1 : i32
    scf.for %scan3A_8 = %scan3A_3 to %scan3A_5 step %scan3A_6  : i32 {
      %mul3A_9 = arith.constant 4096 : i32
      %mul3A_10 = arith.muli %scan3A_8, %mul3A_9 : i32
      %add3A_11 = arith.addi %mul3A_2, %mul3A_10 : i32
      "tpu.region"() ({
        %run_scoped3A = tpu.sem_alloc : memref<!tpu.dma_semaphore, #tpu.memory_space<semaphore_mem>>
        %dma_start3A_394 = tpu.memref_slice %arg3[%add3A_11] : memref<1048576xi32, #tpu.memory_space<hbm>> -> memref<4096xi32, #tpu.memory_space<hbm>>
        %dma_start3A_395 = tpu.memref_slice %arg3[%add3A_11] : memref<1048576xi32, #tpu.memory_space<hbm>> -> memref<4096xi32, #tpu.memory_space<hbm>>
        tpu.enqueue_dma source(%dma_start3A_395 : memref<4096xi32, #tpu.memory_space<hbm>>) target(%arg5 : memref<4096xi32, #tpu.memory_space<vmem>>) target_semaphore(%run_scoped3A : memref<!tpu.dma_semaphore, #tpu.memory_space<semaphore_mem>>)
        %dma_wait3A_396 = tpu.memref_slice %arg3[%add3A_11] : memref<1048576xi32, #tpu.memory_space<hbm>> -> memref<4096xi32, #tpu.memory_space<hbm>>
        %dma_wait3A_397 = tpu.memref_slice %arg3[%add3A_11] : memref<1048576xi32, #tpu.memory_space<hbm>> -> memref<4096xi32, #tpu.memory_space<hbm>>
        tpu.wait_dma2 semaphore(%run_scoped3A : memref<!tpu.dma_semaphore, #tpu.memory_space<semaphore_mem>>) src(%dma_wait3A_397 : memref<4096xi32, #tpu.memory_space<hbm>>) dst(%arg5 : memref<4096xi32, #tpu.memory_space<vmem>>)
        tpu.yield
      }) : () -> ()
      %dma_start3A = arith.constant 0 : i32
      %dma_start3A_12 = tpu.memref_slice %arg6[%dma_start3A] : memref<4096xf32, #tpu.memory_space<vmem>> -> memref<128xf32, #tpu.memory_space<vmem>>
      %dma_start3A_13 = arith.constant 0 : i32
      %dma_start3A_14 = tpu.memref_slice %arg5[%dma_start3A_13] : memref<4096xi32, #tpu.memory_space<vmem>> -> memref<128xi32, #tpu.memory_space<vmem>>
      %dma_start3A_15 = arith.constant 0 : i32
      %dma_start3A_16 = tpu.memref_slice %arg2[%dma_start3A_15] : memref<67108864xf32, #tpu.memory_space<hbm>> -> memref<67108864xf32, #tpu.memory_space<hbm>>
      tpu.enqueue_indirect_dma source(%dma_start3A_16 : memref<67108864xf32, #tpu.memory_space<hbm>>) target(%dma_start3A_12 : memref<128xf32, #tpu.memory_space<vmem>>) offsets(%dma_start3A_14 : memref<128xi32, #tpu.memory_space<vmem>>) semaphore(%arg7 : memref<!tpu.dma_semaphore, #tpu.memory_space<semaphore_mem>>)
      %dma_start3A_17 = arith.constant 128 : i32
      %dma_start3A_18 = tpu.memref_slice %arg6[%dma_start3A_17] : memref<4096xf32, #tpu.memory_space<vmem>> -> memref<128xf32, #tpu.memory_space<vmem>>
      %dma_start3A_19 = arith.constant 128 : i32
      %dma_start3A_20 = tpu.memref_slice %arg5[%dma_start3A_19] : memref<4096xi32, #tpu.memory_space<vmem>> -> memref<128xi32, #tpu.memory_space<vmem>>
      %dma_start3A_21 = arith.constant 0 : i32
      %dma_start3A_22 = tpu.memref_slice %arg2[%dma_start3A_21] : memref<67108864xf32, #tpu.memory_space<hbm>> -> memref<67108864xf32, #tpu.memory_space<hbm>>
      tpu.enqueue_indirect_dma source(%dma_start3A_22 : memref<67108864xf32, #tpu.memory_space<hbm>>) target(%dma_start3A_18 : memref<128xf32, #tpu.memory_space<vmem>>) offsets(%dma_start3A_20 : memref<128xi32, #tpu.memory_space<vmem>>) semaphore(%arg7 : memref<!tpu.dma_semaphore, #tpu.memory_space<semaphore_mem>>)
      %dma_start3A_23 = arith.constant 256 : i32
      %dma_start3A_24 = tpu.memref_slice %arg6[%dma_start3A_23] : memref<4096xf32, #tpu.memory_space<vmem>> -> memref<128xf32, #tpu.memory_space<vmem>>
      %dma_start3A_25 = arith.constant 256 : i32
      %dma_start3A_26 = tpu.memref_slice %arg5[%dma_start3A_25] : memref<4096xi32, #tpu.memory_space<vmem>> -> memref<128xi32, #tpu.memory_space<vmem>>
      %dma_start3A_27 = arith.constant 0 : i32
      %dma_start3A_28 = tpu.memref_slice %arg2[%dma_start3A_27] : memref<67108864xf32, #tpu.memory_space<hbm>> -> memref<67108864xf32, #tpu.memory_space<hbm>>
      tpu.enqueue_indirect_dma source(%dma_start3A_28 : memref<67108864xf32, #tpu.memory_space<hbm>>) target(%dma_start3A_24 : memref<128xf32, #tpu.memory_space<vmem>>) offsets(%dma_start3A_26 : memref<128xi32, #tpu.memory_space<vmem>>) semaphore(%arg7 : memref<!tpu.dma_semaphore, #tpu.memory_space<semaphore_mem>>)
      %dma_start3A_29 = arith.constant 384 : i32
      %dma_start3A_30 = tpu.memref_slice %arg6[%dma_start3A_29] : memref<4096xf32, #tpu.memory_space<vmem>> -> memref<128xf32, #tpu.memory_space<vmem>>
      %dma_start3A_31 = arith.constant 384 : i32
      %dma_start3A_32 = tpu.memref_slice %arg5[%dma_start3A_31] : memref<4096xi32, #tpu.memory_space<vmem>> -> memref<128xi32, #tpu.memory_space<vmem>>
      %dma_start3A_33 = arith.constant 0 : i32
      %dma_start3A_34 = tpu.memref_slice %arg2[%dma_start3A_33] : memref<67108864xf32, #tpu.memory_space<hbm>> -> memref<67108864xf32, #tpu.memory_space<hbm>>
      tpu.enqueue_indirect_dma source(%dma_start3A_34 : memref<67108864xf32, #tpu.memory_space<hbm>>) target(%dma_start3A_30 : memref<128xf32, #tpu.memory_space<vmem>>) offsets(%dma_start3A_32 : memref<128xi32, #tpu.memory_space<vmem>>) semaphore(%arg7 : memref<!tpu.dma_semaphore, #tpu.memory_space<semaphore_mem>>)
      %dma_start3A_35 = arith.constant 512 : i32
      %dma_start3A_36 = tpu.memref_slice %arg6[%dma_start3A_35] : memref<4096xf32, #tpu.memory_space<vmem>> -> memref<128xf32, #tpu.memory_space<vmem>>
      %dma_start3A_37 = arith.constant 512 : i32
      %dma_start3A_38 = tpu.memref_slice %arg5[%dma_start3A_37] : memref<4096xi32, #tpu.memory_space<vmem>> -> memref<128xi32, #tpu.memory_space<vmem>>
      %dma_start3A_39 = arith.constant 0 : i32
      %dma_start3A_40 = tpu.memref_slice %arg2[%dma_start3A_39] : memref<67108864xf32, #tpu.memory_space<hbm>> -> memref<67108864xf32, #tpu.memory_space<hbm>>
      tpu.enqueue_indirect_dma source(%dma_start3A_40 : memref<67108864xf32, #tpu.memory_space<hbm>>) target(%dma_start3A_36 : memref<128xf32, #tpu.memory_space<vmem>>) offsets(%dma_start3A_38 : memref<128xi32, #tpu.memory_space<vmem>>) semaphore(%arg7 : memref<!tpu.dma_semaphore, #tpu.memory_space<semaphore_mem>>)
      %dma_start3A_41 = arith.constant 640 : i32
      %dma_start3A_42 = tpu.memref_slice %arg6[%dma_start3A_41] : memref<4096xf32, #tpu.memory_space<vmem>> -> memref<128xf32, #tpu.memory_space<vmem>>
      %dma_start3A_43 = arith.constant 640 : i32
      %dma_start3A_44 = tpu.memref_slice %arg5[%dma_start3A_43] : memref<4096xi32, #tpu.memory_space<vmem>> -> memref<128xi32, #tpu.memory_space<vmem>>
      %dma_start3A_45 = arith.constant 0 : i32
      %dma_start3A_46 = tpu.memref_slice %arg2[%dma_start3A_45] : memref<67108864xf32, #tpu.memory_space<hbm>> -> memref<67108864xf32, #tpu.memory_space<hbm>>
      tpu.enqueue_indirect_dma source(%dma_start3A_46 : memref<67108864xf32, #tpu.memory_space<hbm>>) target(%dma_start3A_42 : memref<128xf32, #tpu.memory_space<vmem>>) offsets(%dma_start3A_44 : memref<128xi32, #tpu.memory_space<vmem>>) semaphore(%arg7 : memref<!tpu.dma_semaphore, #tpu.memory_space<semaphore_mem>>)
      %dma_start3A_47 = arith.constant 768 : i32
      %dma_start3A_48 = tpu.memref_slice %arg6[%dma_start3A_47] : memref<4096xf32, #tpu.memory_space<vmem>> -> memref<128xf32, #tpu.memory_space<vmem>>
      %dma_start3A_49 = arith.constant 768 : i32
      %dma_start3A_50 = tpu.memref_slice %arg5[%dma_start3A_49] : memref<4096xi32, #tpu.memory_space<vmem>> -> memref<128xi32, #tpu.memory_space<vmem>>
      %dma_start3A_51 = arith.constant 0 : i32
      %dma_start3A_52 = tpu.memref_slice %arg2[%dma_start3A_51] : memref<67108864xf32, #tpu.memory_space<hbm>> -> memref<67108864xf32, #tpu.memory_space<hbm>>
      tpu.enqueue_indirect_dma source(%dma_start3A_52 : memref<67108864xf32, #tpu.memory_space<hbm>>) target(%dma_start3A_48 : memref<128xf32, #tpu.memory_space<vmem>>) offsets(%dma_start3A_50 : memref<128xi32, #tpu.memory_space<vmem>>) semaphore(%arg7 : memref<!tpu.dma_semaphore, #tpu.memory_space<semaphore_mem>>)
      %dma_start3A_53 = arith.constant 896 : i32
      %dma_start3A_54 = tpu.memref_slice %arg6[%dma_start3A_53] : memref<4096xf32, #tpu.memory_space<vmem>> -> memref<128xf32, #tpu.memory_space<vmem>>
      %dma_start3A_55 = arith.constant 896 : i32
      %dma_start3A_56 = tpu.memref_slice %arg5[%dma_start3A_55] : memref<4096xi32, #tpu.memory_space<vmem>> -> memref<128xi32, #tpu.memory_space<vmem>>
      %dma_start3A_57 = arith.constant 0 : i32
      %dma_start3A_58 = tpu.memref_slice %arg2[%dma_start3A_57] : memref<67108864xf32, #tpu.memory_space<hbm>> -> memref<67108864xf32, #tpu.memory_space<hbm>>
      tpu.enqueue_indirect_dma source(%dma_start3A_58 : memref<67108864xf32, #tpu.memory_space<hbm>>) target(%dma_start3A_54 : memref<128xf32, #tpu.memory_space<vmem>>) offsets(%dma_start3A_56 : memref<128xi32, #tpu.memory_space<vmem>>) semaphore(%arg7 : memref<!tpu.dma_semaphore, #tpu.memory_space<semaphore_mem>>)
      %dma_start3A_59 = arith.constant 1024 : i32
      %dma_start3A_60 = tpu.memref_slice %arg6[%dma_start3A_59] : memref<4096xf32, #tpu.memory_space<vmem>> -> memref<128xf32, #tpu.memory_space<vmem>>
      %dma_start3A_61 = arith.constant 1024 : i32
      %dma_start3A_62 = tpu.memref_slice %arg5[%dma_start3A_61] : memref<4096xi32, #tpu.memory_space<vmem>> -> memref<128xi32, #tpu.memory_space<vmem>>
      %dma_start3A_63 = arith.constant 0 : i32
      %dma_start3A_64 = tpu.memref_slice %arg2[%dma_start3A_63] : memref<67108864xf32, #tpu.memory_space<hbm>> -> memref<67108864xf32, #tpu.memory_space<hbm>>
      tpu.enqueue_indirect_dma source(%dma_start3A_64 : memref<67108864xf32, #tpu.memory_space<hbm>>) target(%dma_start3A_60 : memref<128xf32, #tpu.memory_space<vmem>>) offsets(%dma_start3A_62 : memref<128xi32, #tpu.memory_space<vmem>>) semaphore(%arg7 : memref<!tpu.dma_semaphore, #tpu.memory_space<semaphore_mem>>)
      %dma_start3A_65 = arith.constant 1152 : i32
      %dma_start3A_66 = tpu.memref_slice %arg6[%dma_start3A_65] : memref<4096xf32, #tpu.memory_space<vmem>> -> memref<128xf32, #tpu.memory_space<vmem>>
      %dma_start3A_67 = arith.constant 1152 : i32
      %dma_start3A_68 = tpu.memref_slice %arg5[%dma_start3A_67] : memref<4096xi32, #tpu.memory_space<vmem>> -> memref<128xi32, #tpu.memory_space<vmem>>
      %dma_start3A_69 = arith.constant 0 : i32
      %dma_start3A_70 = tpu.memref_slice %arg2[%dma_start3A_69] : memref<67108864xf32, #tpu.memory_space<hbm>> -> memref<67108864xf32, #tpu.memory_space<hbm>>
      tpu.enqueue_indirect_dma source(%dma_start3A_70 : memref<67108864xf32, #tpu.memory_space<hbm>>) target(%dma_start3A_66 : memref<128xf32, #tpu.memory_space<vmem>>) offsets(%dma_start3A_68 : memref<128xi32, #tpu.memory_space<vmem>>) semaphore(%arg7 : memref<!tpu.dma_semaphore, #tpu.memory_space<semaphore_mem>>)
      %dma_start3A_71 = arith.constant 1280 : i32
      %dma_start3A_72 = tpu.memref_slice %arg6[%dma_start3A_71] : memref<4096xf32, #tpu.memory_space<vmem>> -> memref<128xf32, #tpu.memory_space<vmem>>
      %dma_start3A_73 = arith.constant 1280 : i32
      %dma_start3A_74 = tpu.memref_slice %arg5[%dma_start3A_73] : memref<4096xi32, #tpu.memory_space<vmem>> -> memref<128xi32, #tpu.memory_space<vmem>>
      %dma_start3A_75 = arith.constant 0 : i32
      %dma_start3A_76 = tpu.memref_slice %arg2[%dma_start3A_75] : memref<67108864xf32, #tpu.memory_space<hbm>> -> memref<67108864xf32, #tpu.memory_space<hbm>>
      tpu.enqueue_indirect_dma source(%dma_start3A_76 : memref<67108864xf32, #tpu.memory_space<hbm>>) target(%dma_start3A_72 : memref<128xf32, #tpu.memory_space<vmem>>) offsets(%dma_start3A_74 : memref<128xi32, #tpu.memory_space<vmem>>) semaphore(%arg7 : memref<!tpu.dma_semaphore, #tpu.memory_space<semaphore_mem>>)
      %dma_start3A_77 = arith.constant 1408 : i32
      %dma_start3A_78 = tpu.memref_slice %arg6[%dma_start3A_77] : memref<4096xf32, #tpu.memory_space<vmem>> -> memref<128xf32, #tpu.memory_space<vmem>>
      %dma_start3A_79 = arith.constant 1408 : i32
      %dma_start3A_80 = tpu.memref_slice %arg5[%dma_start3A_79] : memref<4096xi32, #tpu.memory_space<vmem>> -> memref<128xi32, #tpu.memory_space<vmem>>
      %dma_start3A_81 = arith.constant 0 : i32
      %dma_start3A_82 = tpu.memref_slice %arg2[%dma_start3A_81] : memref<67108864xf32, #tpu.memory_space<hbm>> -> memref<67108864xf32, #tpu.memory_space<hbm>>
      tpu.enqueue_indirect_dma source(%dma_start3A_82 : memref<67108864xf32, #tpu.memory_space<hbm>>) target(%dma_start3A_78 : memref<128xf32, #tpu.memory_space<vmem>>) offsets(%dma_start3A_80 : memref<128xi32, #tpu.memory_space<vmem>>) semaphore(%arg7 : memref<!tpu.dma_semaphore, #tpu.memory_space<semaphore_mem>>)
      %dma_start3A_83 = arith.constant 1536 : i32
      %dma_start3A_84 = tpu.memref_slice %arg6[%dma_start3A_83] : memref<4096xf32, #tpu.memory_space<vmem>> -> memref<128xf32, #tpu.memory_space<vmem>>
      %dma_start3A_85 = arith.constant 1536 : i32
      %dma_start3A_86 = tpu.memref_slice %arg5[%dma_start3A_85] : memref<4096xi32, #tpu.memory_space<vmem>> -> memref<128xi32, #tpu.memory_space<vmem>>
      %dma_start3A_87 = arith.constant 0 : i32
      %dma_start3A_88 = tpu.memref_slice %arg2[%dma_start3A_87] : memref<67108864xf32, #tpu.memory_space<hbm>> -> memref<67108864xf32, #tpu.memory_space<hbm>>
      tpu.enqueue_indirect_dma source(%dma_start3A_88 : memref<67108864xf32, #tpu.memory_space<hbm>>) target(%dma_start3A_84 : memref<128xf32, #tpu.memory_space<vmem>>) offsets(%dma_start3A_86 : memref<128xi32, #tpu.memory_space<vmem>>) semaphore(%arg7 : memref<!tpu.dma_semaphore, #tpu.memory_space<semaphore_mem>>)
      %dma_start3A_89 = arith.constant 1664 : i32
      %dma_start3A_90 = tpu.memref_slice %arg6[%dma_start3A_89] : memref<4096xf32, #tpu.memory_space<vmem>> -> memref<128xf32, #tpu.memory_space<vmem>>
      %dma_start3A_91 = arith.constant 1664 : i32
      %dma_start3A_92 = tpu.memref_slice %arg5[%dma_start3A_91] : memref<4096xi32, #tpu.memory_space<vmem>> -> memref<128xi32, #tpu.memory_space<vmem>>
      %dma_start3A_93 = arith.constant 0 : i32
      %dma_start3A_94 = tpu.memref_slice %arg2[%dma_start3A_93] : memref<67108864xf32, #tpu.memory_space<hbm>> -> memref<67108864xf32, #tpu.memory_space<hbm>>
      tpu.enqueue_indirect_dma source(%dma_start3A_94 : memref<67108864xf32, #tpu.memory_space<hbm>>) target(%dma_start3A_90 : memref<128xf32, #tpu.memory_space<vmem>>) offsets(%dma_start3A_92 : memref<128xi32, #tpu.memory_space<vmem>>) semaphore(%arg7 : memref<!tpu.dma_semaphore, #tpu.memory_space<semaphore_mem>>)
      %dma_start3A_95 = arith.constant 1792 : i32
      %dma_start3A_96 = tpu.memref_slice %arg6[%dma_start3A_95] : memref<4096xf32, #tpu.memory_space<vmem>> -> memref<128xf32, #tpu.memory_space<vmem>>
      %dma_start3A_97 = arith.constant 1792 : i32
      %dma_start3A_98 = tpu.memref_slice %arg5[%dma_start3A_97] : memref<4096xi32, #tpu.memory_space<vmem>> -> memref<128xi32, #tpu.memory_space<vmem>>
      %dma_start3A_99 = arith.constant 0 : i32
      %dma_start3A_100 = tpu.memref_slice %arg2[%dma_start3A_99] : memref<67108864xf32, #tpu.memory_space<hbm>> -> memref<67108864xf32, #tpu.memory_space<hbm>>
      tpu.enqueue_indirect_dma source(%dma_start3A_100 : memref<67108864xf32, #tpu.memory_space<hbm>>) target(%dma_start3A_96 : memref<128xf32, #tpu.memory_space<vmem>>) offsets(%dma_start3A_98 : memref<128xi32, #tpu.memory_space<vmem>>) semaphore(%arg7 : memref<!tpu.dma_semaphore, #tpu.memory_space<semaphore_mem>>)
      %dma_start3A_101 = arith.constant 1920 : i32
      %dma_start3A_102 = tpu.memref_slice %arg6[%dma_start3A_101] : memref<4096xf32, #tpu.memory_space<vmem>> -> memref<128xf32, #tpu.memory_space<vmem>>
      %dma_start3A_103 = arith.constant 1920 : i32
      %dma_start3A_104 = tpu.memref_slice %arg5[%dma_start3A_103] : memref<4096xi32, #tpu.memory_space<vmem>> -> memref<128xi32, #tpu.memory_space<vmem>>
      %dma_start3A_105 = arith.constant 0 : i32
      %dma_start3A_106 = tpu.memref_slice %arg2[%dma_start3A_105] : memref<67108864xf32, #tpu.memory_space<hbm>> -> memref<67108864xf32, #tpu.memory_space<hbm>>
      tpu.enqueue_indirect_dma source(%dma_start3A_106 : memref<67108864xf32, #tpu.memory_space<hbm>>) target(%dma_start3A_102 : memref<128xf32, #tpu.memory_space<vmem>>) offsets(%dma_start3A_104 : memref<128xi32, #tpu.memory_space<vmem>>) semaphore(%arg7 : memref<!tpu.dma_semaphore, #tpu.memory_space<semaphore_mem>>)
      %dma_start3A_107 = arith.constant 2048 : i32
      %dma_start3A_108 = tpu.memref_slice %arg6[%dma_start3A_107] : memref<4096xf32, #tpu.memory_space<vmem>> -> memref<128xf32, #tpu.memory_space<vmem>>
      %dma_start3A_109 = arith.constant 2048 : i32
      %dma_start3A_110 = tpu.memref_slice %arg5[%dma_start3A_109] : memref<4096xi32, #tpu.memory_space<vmem>> -> memref<128xi32, #tpu.memory_space<vmem>>
      %dma_start3A_111 = arith.constant 0 : i32
      %dma_start3A_112 = tpu.memref_slice %arg2[%dma_start3A_111] : memref<67108864xf32, #tpu.memory_space<hbm>> -> memref<67108864xf32, #tpu.memory_space<hbm>>
      tpu.enqueue_indirect_dma source(%dma_start3A_112 : memref<67108864xf32, #tpu.memory_space<hbm>>) target(%dma_start3A_108 : memref<128xf32, #tpu.memory_space<vmem>>) offsets(%dma_start3A_110 : memref<128xi32, #tpu.memory_space<vmem>>) semaphore(%arg7 : memref<!tpu.dma_semaphore, #tpu.memory_space<semaphore_mem>>)
      %dma_start3A_113 = arith.constant 2176 : i32
      %dma_start3A_114 = tpu.memref_slice %arg6[%dma_start3A_113] : memref<4096xf32, #tpu.memory_space<vmem>> -> memref<128xf32, #tpu.memory_space<vmem>>
      %dma_start3A_115 = arith.constant 2176 : i32
      %dma_start3A_116 = tpu.memref_slice %arg5[%dma_start3A_115] : memref<4096xi32, #tpu.memory_space<vmem>> -> memref<128xi32, #tpu.memory_space<vmem>>
      %dma_start3A_117 = arith.constant 0 : i32
      %dma_start3A_118 = tpu.memref_slice %arg2[%dma_start3A_117] : memref<67108864xf32, #tpu.memory_space<hbm>> -> memref<67108864xf32, #tpu.memory_space<hbm>>
      tpu.enqueue_indirect_dma source(%dma_start3A_118 : memref<67108864xf32, #tpu.memory_space<hbm>>) target(%dma_start3A_114 : memref<128xf32, #tpu.memory_space<vmem>>) offsets(%dma_start3A_116 : memref<128xi32, #tpu.memory_space<vmem>>) semaphore(%arg7 : memref<!tpu.dma_semaphore, #tpu.memory_space<semaphore_mem>>)
      %dma_start3A_119 = arith.constant 2304 : i32
      %dma_start3A_120 = tpu.memref_slice %arg6[%dma_start3A_119] : memref<4096xf32, #tpu.memory_space<vmem>> -> memref<128xf32, #tpu.memory_space<vmem>>
      %dma_start3A_121 = arith.constant 2304 : i32
      %dma_start3A_122 = tpu.memref_slice %arg5[%dma_start3A_121] : memref<4096xi32, #tpu.memory_space<vmem>> -> memref<128xi32, #tpu.memory_space<vmem>>
      %dma_start3A_123 = arith.constant 0 : i32
      %dma_start3A_124 = tpu.memref_slice %arg2[%dma_start3A_123] : memref<67108864xf32, #tpu.memory_space<hbm>> -> memref<67108864xf32, #tpu.memory_space<hbm>>
      tpu.enqueue_indirect_dma source(%dma_start3A_124 : memref<67108864xf32, #tpu.memory_space<hbm>>) target(%dma_start3A_120 : memref<128xf32, #tpu.memory_space<vmem>>) offsets(%dma_start3A_122 : memref<128xi32, #tpu.memory_space<vmem>>) semaphore(%arg7 : memref<!tpu.dma_semaphore, #tpu.memory_space<semaphore_mem>>)
      %dma_start3A_125 = arith.constant 2432 : i32
      %dma_start3A_126 = tpu.memref_slice %arg6[%dma_start3A_125] : memref<4096xf32, #tpu.memory_space<vmem>> -> memref<128xf32, #tpu.memory_space<vmem>>
      %dma_start3A_127 = arith.constant 2432 : i32
      %dma_start3A_128 = tpu.memref_slice %arg5[%dma_start3A_127] : memref<4096xi32, #tpu.memory_space<vmem>> -> memref<128xi32, #tpu.memory_space<vmem>>
      %dma_start3A_129 = arith.constant 0 : i32
      %dma_start3A_130 = tpu.memref_slice %arg2[%dma_start3A_129] : memref<67108864xf32, #tpu.memory_space<hbm>> -> memref<67108864xf32, #tpu.memory_space<hbm>>
      tpu.enqueue_indirect_dma source(%dma_start3A_130 : memref<67108864xf32, #tpu.memory_space<hbm>>) target(%dma_start3A_126 : memref<128xf32, #tpu.memory_space<vmem>>) offsets(%dma_start3A_128 : memref<128xi32, #tpu.memory_space<vmem>>) semaphore(%arg7 : memref<!tpu.dma_semaphore, #tpu.memory_space<semaphore_mem>>)
      %dma_start3A_131 = arith.constant 2560 : i32
      %dma_start3A_132 = tpu.memref_slice %arg6[%dma_start3A_131] : memref<4096xf32, #tpu.memory_space<vmem>> -> memref<128xf32, #tpu.memory_space<vmem>>
      %dma_start3A_133 = arith.constant 2560 : i32
      %dma_start3A_134 = tpu.memref_slice %arg5[%dma_start3A_133] : memref<4096xi32, #tpu.memory_space<vmem>> -> memref<128xi32, #tpu.memory_space<vmem>>
      %dma_start3A_135 = arith.constant 0 : i32
      %dma_start3A_136 = tpu.memref_slice %arg2[%dma_start3A_135] : memref<67108864xf32, #tpu.memory_space<hbm>> -> memref<67108864xf32, #tpu.memory_space<hbm>>
      tpu.enqueue_indirect_dma source(%dma_start3A_136 : memref<67108864xf32, #tpu.memory_space<hbm>>) target(%dma_start3A_132 : memref<128xf32, #tpu.memory_space<vmem>>) offsets(%dma_start3A_134 : memref<128xi32, #tpu.memory_space<vmem>>) semaphore(%arg7 : memref<!tpu.dma_semaphore, #tpu.memory_space<semaphore_mem>>)
      %dma_start3A_137 = arith.constant 2688 : i32
      %dma_start3A_138 = tpu.memref_slice %arg6[%dma_start3A_137] : memref<4096xf32, #tpu.memory_space<vmem>> -> memref<128xf32, #tpu.memory_space<vmem>>
      %dma_start3A_139 = arith.constant 2688 : i32
      %dma_start3A_140 = tpu.memref_slice %arg5[%dma_start3A_139] : memref<4096xi32, #tpu.memory_space<vmem>> -> memref<128xi32, #tpu.memory_space<vmem>>
      %dma_start3A_141 = arith.constant 0 : i32
      %dma_start3A_142 = tpu.memref_slice %arg2[%dma_start3A_141] : memref<67108864xf32, #tpu.memory_space<hbm>> -> memref<67108864xf32, #tpu.memory_space<hbm>>
      tpu.enqueue_indirect_dma source(%dma_start3A_142 : memref<67108864xf32, #tpu.memory_space<hbm>>) target(%dma_start3A_138 : memref<128xf32, #tpu.memory_space<vmem>>) offsets(%dma_start3A_140 : memref<128xi32, #tpu.memory_space<vmem>>) semaphore(%arg7 : memref<!tpu.dma_semaphore, #tpu.memory_space<semaphore_mem>>)
      %dma_start3A_143 = arith.constant 2816 : i32
      %dma_start3A_144 = tpu.memref_slice %arg6[%dma_start3A_143] : memref<4096xf32, #tpu.memory_space<vmem>> -> memref<128xf32, #tpu.memory_space<vmem>>
      %dma_start3A_145 = arith.constant 2816 : i32
      %dma_start3A_146 = tpu.memref_slice %arg5[%dma_start3A_145] : memref<4096xi32, #tpu.memory_space<vmem>> -> memref<128xi32, #tpu.memory_space<vmem>>
      %dma_start3A_147 = arith.constant 0 : i32
      %dma_start3A_148 = tpu.memref_slice %arg2[%dma_start3A_147] : memref<67108864xf32, #tpu.memory_space<hbm>> -> memref<67108864xf32, #tpu.memory_space<hbm>>
      tpu.enqueue_indirect_dma source(%dma_start3A_148 : memref<67108864xf32, #tpu.memory_space<hbm>>) target(%dma_start3A_144 : memref<128xf32, #tpu.memory_space<vmem>>) offsets(%dma_start3A_146 : memref<128xi32, #tpu.memory_space<vmem>>) semaphore(%arg7 : memref<!tpu.dma_semaphore, #tpu.memory_space<semaphore_mem>>)
      %dma_start3A_149 = arith.constant 2944 : i32
      %dma_start3A_150 = tpu.memref_slice %arg6[%dma_start3A_149] : memref<4096xf32, #tpu.memory_space<vmem>> -> memref<128xf32, #tpu.memory_space<vmem>>
      %dma_start3A_151 = arith.constant 2944 : i32
      %dma_start3A_152 = tpu.memref_slice %arg5[%dma_start3A_151] : memref<4096xi32, #tpu.memory_space<vmem>> -> memref<128xi32, #tpu.memory_space<vmem>>
      %dma_start3A_153 = arith.constant 0 : i32
      %dma_start3A_154 = tpu.memref_slice %arg2[%dma_start3A_153] : memref<67108864xf32, #tpu.memory_space<hbm>> -> memref<67108864xf32, #tpu.memory_space<hbm>>
      tpu.enqueue_indirect_dma source(%dma_start3A_154 : memref<67108864xf32, #tpu.memory_space<hbm>>) target(%dma_start3A_150 : memref<128xf32, #tpu.memory_space<vmem>>) offsets(%dma_start3A_152 : memref<128xi32, #tpu.memory_space<vmem>>) semaphore(%arg7 : memref<!tpu.dma_semaphore, #tpu.memory_space<semaphore_mem>>)
      %dma_start3A_155 = arith.constant 3072 : i32
      %dma_start3A_156 = tpu.memref_slice %arg6[%dma_start3A_155] : memref<4096xf32, #tpu.memory_space<vmem>> -> memref<128xf32, #tpu.memory_space<vmem>>
      %dma_start3A_157 = arith.constant 3072 : i32
      %dma_start3A_158 = tpu.memref_slice %arg5[%dma_start3A_157] : memref<4096xi32, #tpu.memory_space<vmem>> -> memref<128xi32, #tpu.memory_space<vmem>>
      %dma_start3A_159 = arith.constant 0 : i32
      %dma_start3A_160 = tpu.memref_slice %arg2[%dma_start3A_159] : memref<67108864xf32, #tpu.memory_space<hbm>> -> memref<67108864xf32, #tpu.memory_space<hbm>>
      tpu.enqueue_indirect_dma source(%dma_start3A_160 : memref<67108864xf32, #tpu.memory_space<hbm>>) target(%dma_start3A_156 : memref<128xf32, #tpu.memory_space<vmem>>) offsets(%dma_start3A_158 : memref<128xi32, #tpu.memory_space<vmem>>) semaphore(%arg7 : memref<!tpu.dma_semaphore, #tpu.memory_space<semaphore_mem>>)
      %dma_start3A_161 = arith.constant 3200 : i32
      %dma_start3A_162 = tpu.memref_slice %arg6[%dma_start3A_161] : memref<4096xf32, #tpu.memory_space<vmem>> -> memref<128xf32, #tpu.memory_space<vmem>>
      %dma_start3A_163 = arith.constant 3200 : i32
      %dma_start3A_164 = tpu.memref_slice %arg5[%dma_start3A_163] : memref<4096xi32, #tpu.memory_space<vmem>> -> memref<128xi32, #tpu.memory_space<vmem>>
      %dma_start3A_165 = arith.constant 0 : i32
      %dma_start3A_166 = tpu.memref_slice %arg2[%dma_start3A_165] : memref<67108864xf32, #tpu.memory_space<hbm>> -> memref<67108864xf32, #tpu.memory_space<hbm>>
      tpu.enqueue_indirect_dma source(%dma_start3A_166 : memref<67108864xf32, #tpu.memory_space<hbm>>) target(%dma_start3A_162 : memref<128xf32, #tpu.memory_space<vmem>>) offsets(%dma_start3A_164 : memref<128xi32, #tpu.memory_space<vmem>>) semaphore(%arg7 : memref<!tpu.dma_semaphore, #tpu.memory_space<semaphore_mem>>)
      %dma_start3A_167 = arith.constant 3328 : i32
      %dma_start3A_168 = tpu.memref_slice %arg6[%dma_start3A_167] : memref<4096xf32, #tpu.memory_space<vmem>> -> memref<128xf32, #tpu.memory_space<vmem>>
      %dma_start3A_169 = arith.constant 3328 : i32
      %dma_start3A_170 = tpu.memref_slice %arg5[%dma_start3A_169] : memref<4096xi32, #tpu.memory_space<vmem>> -> memref<128xi32, #tpu.memory_space<vmem>>
      %dma_start3A_171 = arith.constant 0 : i32
      %dma_start3A_172 = tpu.memref_slice %arg2[%dma_start3A_171] : memref<67108864xf32, #tpu.memory_space<hbm>> -> memref<67108864xf32, #tpu.memory_space<hbm>>
      tpu.enqueue_indirect_dma source(%dma_start3A_172 : memref<67108864xf32, #tpu.memory_space<hbm>>) target(%dma_start3A_168 : memref<128xf32, #tpu.memory_space<vmem>>) offsets(%dma_start3A_170 : memref<128xi32, #tpu.memory_space<vmem>>) semaphore(%arg7 : memref<!tpu.dma_semaphore, #tpu.memory_space<semaphore_mem>>)
      %dma_start3A_173 = arith.constant 3456 : i32
      %dma_start3A_174 = tpu.memref_slice %arg6[%dma_start3A_173] : memref<4096xf32, #tpu.memory_space<vmem>> -> memref<128xf32, #tpu.memory_space<vmem>>
      %dma_start3A_175 = arith.constant 3456 : i32
      %dma_start3A_176 = tpu.memref_slice %arg5[%dma_start3A_175] : memref<4096xi32, #tpu.memory_space<vmem>> -> memref<128xi32, #tpu.memory_space<vmem>>
      %dma_start3A_177 = arith.constant 0 : i32
      %dma_start3A_178 = tpu.memref_slice %arg2[%dma_start3A_177] : memref<67108864xf32, #tpu.memory_space<hbm>> -> memref<67108864xf32, #tpu.memory_space<hbm>>
      tpu.enqueue_indirect_dma source(%dma_start3A_178 : memref<67108864xf32, #tpu.memory_space<hbm>>) target(%dma_start3A_174 : memref<128xf32, #tpu.memory_space<vmem>>) offsets(%dma_start3A_176 : memref<128xi32, #tpu.memory_space<vmem>>) semaphore(%arg7 : memref<!tpu.dma_semaphore, #tpu.memory_space<semaphore_mem>>)
      %dma_start3A_179 = arith.constant 3584 : i32
      %dma_start3A_180 = tpu.memref_slice %arg6[%dma_start3A_179] : memref<4096xf32, #tpu.memory_space<vmem>> -> memref<128xf32, #tpu.memory_space<vmem>>
      %dma_start3A_181 = arith.constant 3584 : i32
      %dma_start3A_182 = tpu.memref_slice %arg5[%dma_start3A_181] : memref<4096xi32, #tpu.memory_space<vmem>> -> memref<128xi32, #tpu.memory_space<vmem>>
      %dma_start3A_183 = arith.constant 0 : i32
      %dma_start3A_184 = tpu.memref_slice %arg2[%dma_start3A_183] : memref<67108864xf32, #tpu.memory_space<hbm>> -> memref<67108864xf32, #tpu.memory_space<hbm>>
      tpu.enqueue_indirect_dma source(%dma_start3A_184 : memref<67108864xf32, #tpu.memory_space<hbm>>) target(%dma_start3A_180 : memref<128xf32, #tpu.memory_space<vmem>>) offsets(%dma_start3A_182 : memref<128xi32, #tpu.memory_space<vmem>>) semaphore(%arg7 : memref<!tpu.dma_semaphore, #tpu.memory_space<semaphore_mem>>)
      %dma_start3A_185 = arith.constant 3712 : i32
      %dma_start3A_186 = tpu.memref_slice %arg6[%dma_start3A_185] : memref<4096xf32, #tpu.memory_space<vmem>> -> memref<128xf32, #tpu.memory_space<vmem>>
      %dma_start3A_187 = arith.constant 3712 : i32
      %dma_start3A_188 = tpu.memref_slice %arg5[%dma_start3A_187] : memref<4096xi32, #tpu.memory_space<vmem>> -> memref<128xi32, #tpu.memory_space<vmem>>
      %dma_start3A_189 = arith.constant 0 : i32
      %dma_start3A_190 = tpu.memref_slice %arg2[%dma_start3A_189] : memref<67108864xf32, #tpu.memory_space<hbm>> -> memref<67108864xf32, #tpu.memory_space<hbm>>
      tpu.enqueue_indirect_dma source(%dma_start3A_190 : memref<67108864xf32, #tpu.memory_space<hbm>>) target(%dma_start3A_186 : memref<128xf32, #tpu.memory_space<vmem>>) offsets(%dma_start3A_188 : memref<128xi32, #tpu.memory_space<vmem>>) semaphore(%arg7 : memref<!tpu.dma_semaphore, #tpu.memory_space<semaphore_mem>>)
      %dma_start3A_191 = arith.constant 3840 : i32
      %dma_start3A_192 = tpu.memref_slice %arg6[%dma_start3A_191] : memref<4096xf32, #tpu.memory_space<vmem>> -> memref<128xf32, #tpu.memory_space<vmem>>
      %dma_start3A_193 = arith.constant 3840 : i32
      %dma_start3A_194 = tpu.memref_slice %arg5[%dma_start3A_193] : memref<4096xi32, #tpu.memory_space<vmem>> -> memref<128xi32, #tpu.memory_space<vmem>>
      %dma_start3A_195 = arith.constant 0 : i32
      %dma_start3A_196 = tpu.memref_slice %arg2[%dma_start3A_195] : memref<67108864xf32, #tpu.memory_space<hbm>> -> memref<67108864xf32, #tpu.memory_space<hbm>>
      tpu.enqueue_indirect_dma source(%dma_start3A_196 : memref<67108864xf32, #tpu.memory_space<hbm>>) target(%dma_start3A_192 : memref<128xf32, #tpu.memory_space<vmem>>) offsets(%dma_start3A_194 : memref<128xi32, #tpu.memory_space<vmem>>) semaphore(%arg7 : memref<!tpu.dma_semaphore, #tpu.memory_space<semaphore_mem>>)
      %dma_start3A_197 = arith.constant 3968 : i32
      %dma_start3A_198 = tpu.memref_slice %arg6[%dma_start3A_197] : memref<4096xf32, #tpu.memory_space<vmem>> -> memref<128xf32, #tpu.memory_space<vmem>>
      %dma_start3A_199 = arith.constant 3968 : i32
      %dma_start3A_200 = tpu.memref_slice %arg5[%dma_start3A_199] : memref<4096xi32, #tpu.memory_space<vmem>> -> memref<128xi32, #tpu.memory_space<vmem>>
      %dma_start3A_201 = arith.constant 0 : i32
      %dma_start3A_202 = tpu.memref_slice %arg2[%dma_start3A_201] : memref<67108864xf32, #tpu.memory_space<hbm>> -> memref<67108864xf32, #tpu.memory_space<hbm>>
      tpu.enqueue_indirect_dma source(%dma_start3A_202 : memref<67108864xf32, #tpu.memory_space<hbm>>) target(%dma_start3A_198 : memref<128xf32, #tpu.memory_space<vmem>>) offsets(%dma_start3A_200 : memref<128xi32, #tpu.memory_space<vmem>>) semaphore(%arg7 : memref<!tpu.dma_semaphore, #tpu.memory_space<semaphore_mem>>)
      %dma_wait3A = arith.constant 0 : i32
      %dma_wait3A_203 = tpu.memref_slice %arg6[%dma_wait3A] : memref<4096xf32, #tpu.memory_space<vmem>> -> memref<128xf32, #tpu.memory_space<vmem>>
      %dma_wait3A_204 = arith.constant 0 : i32
      %dma_wait3A_205 = tpu.memref_slice %arg5[%dma_wait3A_204] : memref<4096xi32, #tpu.memory_space<vmem>> -> memref<128xi32, #tpu.memory_space<vmem>>
      %dma_wait3A_206 = arith.constant 0 : i32
      %dma_wait3A_207 = tpu.memref_slice %arg2[%dma_wait3A_206] : memref<67108864xf32, #tpu.memory_space<hbm>> -> memref<67108864xf32, #tpu.memory_space<hbm>>
      tpu.wait_indirect_dma semaphore(%arg7 : memref<!tpu.dma_semaphore, #tpu.memory_space<semaphore_mem>>) src(%dma_wait3A_207 : memref<67108864xf32, #tpu.memory_space<hbm>>) dst(%dma_wait3A_203 : memref<128xf32, #tpu.memory_space<vmem>>)
      %dma_wait3A_208 = arith.constant 128 : i32
      %dma_wait3A_209 = tpu.memref_slice %arg6[%dma_wait3A_208] : memref<4096xf32, #tpu.memory_space<vmem>> -> memref<128xf32, #tpu.memory_space<vmem>>
      %dma_wait3A_210 = arith.constant 128 : i32
      %dma_wait3A_211 = tpu.memref_slice %arg5[%dma_wait3A_210] : memref<4096xi32, #tpu.memory_space<vmem>> -> memref<128xi32, #tpu.memory_space<vmem>>
      %dma_wait3A_212 = arith.constant 0 : i32
      %dma_wait3A_213 = tpu.memref_slice %arg2[%dma_wait3A_212] : memref<67108864xf32, #tpu.memory_space<hbm>> -> memref<67108864xf32, #tpu.memory_space<hbm>>
      tpu.wait_indirect_dma semaphore(%arg7 : memref<!tpu.dma_semaphore, #tpu.memory_space<semaphore_mem>>) src(%dma_wait3A_213 : memref<67108864xf32, #tpu.memory_space<hbm>>) dst(%dma_wait3A_209 : memref<128xf32, #tpu.memory_space<vmem>>)
      %dma_wait3A_214 = arith.constant 256 : i32
      %dma_wait3A_215 = tpu.memref_slice %arg6[%dma_wait3A_214] : memref<4096xf32, #tpu.memory_space<vmem>> -> memref<128xf32, #tpu.memory_space<vmem>>
      %dma_wait3A_216 = arith.constant 256 : i32
      %dma_wait3A_217 = tpu.memref_slice %arg5[%dma_wait3A_216] : memref<4096xi32, #tpu.memory_space<vmem>> -> memref<128xi32, #tpu.memory_space<vmem>>
      %dma_wait3A_218 = arith.constant 0 : i32
      %dma_wait3A_219 = tpu.memref_slice %arg2[%dma_wait3A_218] : memref<67108864xf32, #tpu.memory_space<hbm>> -> memref<67108864xf32, #tpu.memory_space<hbm>>
      tpu.wait_indirect_dma semaphore(%arg7 : memref<!tpu.dma_semaphore, #tpu.memory_space<semaphore_mem>>) src(%dma_wait3A_219 : memref<67108864xf32, #tpu.memory_space<hbm>>) dst(%dma_wait3A_215 : memref<128xf32, #tpu.memory_space<vmem>>)
      %dma_wait3A_220 = arith.constant 384 : i32
      %dma_wait3A_221 = tpu.memref_slice %arg6[%dma_wait3A_220] : memref<4096xf32, #tpu.memory_space<vmem>> -> memref<128xf32, #tpu.memory_space<vmem>>
      %dma_wait3A_222 = arith.constant 384 : i32
      %dma_wait3A_223 = tpu.memref_slice %arg5[%dma_wait3A_222] : memref<4096xi32, #tpu.memory_space<vmem>> -> memref<128xi32, #tpu.memory_space<vmem>>
      %dma_wait3A_224 = arith.constant 0 : i32
      %dma_wait3A_225 = tpu.memref_slice %arg2[%dma_wait3A_224] : memref<67108864xf32, #tpu.memory_space<hbm>> -> memref<67108864xf32, #tpu.memory_space<hbm>>
      tpu.wait_indirect_dma semaphore(%arg7 : memref<!tpu.dma_semaphore, #tpu.memory_space<semaphore_mem>>) src(%dma_wait3A_225 : memref<67108864xf32, #tpu.memory_space<hbm>>) dst(%dma_wait3A_221 : memref<128xf32, #tpu.memory_space<vmem>>)
      %dma_wait3A_226 = arith.constant 512 : i32
      %dma_wait3A_227 = tpu.memref_slice %arg6[%dma_wait3A_226] : memref<4096xf32, #tpu.memory_space<vmem>> -> memref<128xf32, #tpu.memory_space<vmem>>
      %dma_wait3A_228 = arith.constant 512 : i32
      %dma_wait3A_229 = tpu.memref_slice %arg5[%dma_wait3A_228] : memref<4096xi32, #tpu.memory_space<vmem>> -> memref<128xi32, #tpu.memory_space<vmem>>
      %dma_wait3A_230 = arith.constant 0 : i32
      %dma_wait3A_231 = tpu.memref_slice %arg2[%dma_wait3A_230] : memref<67108864xf32, #tpu.memory_space<hbm>> -> memref<67108864xf32, #tpu.memory_space<hbm>>
      tpu.wait_indirect_dma semaphore(%arg7 : memref<!tpu.dma_semaphore, #tpu.memory_space<semaphore_mem>>) src(%dma_wait3A_231 : memref<67108864xf32, #tpu.memory_space<hbm>>) dst(%dma_wait3A_227 : memref<128xf32, #tpu.memory_space<vmem>>)
      %dma_wait3A_232 = arith.constant 640 : i32
      %dma_wait3A_233 = tpu.memref_slice %arg6[%dma_wait3A_232] : memref<4096xf32, #tpu.memory_space<vmem>> -> memref<128xf32, #tpu.memory_space<vmem>>
      %dma_wait3A_234 = arith.constant 640 : i32
      %dma_wait3A_235 = tpu.memref_slice %arg5[%dma_wait3A_234] : memref<4096xi32, #tpu.memory_space<vmem>> -> memref<128xi32, #tpu.memory_space<vmem>>
      %dma_wait3A_236 = arith.constant 0 : i32
      %dma_wait3A_237 = tpu.memref_slice %arg2[%dma_wait3A_236] : memref<67108864xf32, #tpu.memory_space<hbm>> -> memref<67108864xf32, #tpu.memory_space<hbm>>
      tpu.wait_indirect_dma semaphore(%arg7 : memref<!tpu.dma_semaphore, #tpu.memory_space<semaphore_mem>>) src(%dma_wait3A_237 : memref<67108864xf32, #tpu.memory_space<hbm>>) dst(%dma_wait3A_233 : memref<128xf32, #tpu.memory_space<vmem>>)
      %dma_wait3A_238 = arith.constant 768 : i32
      %dma_wait3A_239 = tpu.memref_slice %arg6[%dma_wait3A_238] : memref<4096xf32, #tpu.memory_space<vmem>> -> memref<128xf32, #tpu.memory_space<vmem>>
      %dma_wait3A_240 = arith.constant 768 : i32
      %dma_wait3A_241 = tpu.memref_slice %arg5[%dma_wait3A_240] : memref<4096xi32, #tpu.memory_space<vmem>> -> memref<128xi32, #tpu.memory_space<vmem>>
      %dma_wait3A_242 = arith.constant 0 : i32
      %dma_wait3A_243 = tpu.memref_slice %arg2[%dma_wait3A_242] : memref<67108864xf32, #tpu.memory_space<hbm>> -> memref<67108864xf32, #tpu.memory_space<hbm>>
      tpu.wait_indirect_dma semaphore(%arg7 : memref<!tpu.dma_semaphore, #tpu.memory_space<semaphore_mem>>) src(%dma_wait3A_243 : memref<67108864xf32, #tpu.memory_space<hbm>>) dst(%dma_wait3A_239 : memref<128xf32, #tpu.memory_space<vmem>>)
      %dma_wait3A_244 = arith.constant 896 : i32
      %dma_wait3A_245 = tpu.memref_slice %arg6[%dma_wait3A_244] : memref<4096xf32, #tpu.memory_space<vmem>> -> memref<128xf32, #tpu.memory_space<vmem>>
      %dma_wait3A_246 = arith.constant 896 : i32
      %dma_wait3A_247 = tpu.memref_slice %arg5[%dma_wait3A_246] : memref<4096xi32, #tpu.memory_space<vmem>> -> memref<128xi32, #tpu.memory_space<vmem>>
      %dma_wait3A_248 = arith.constant 0 : i32
      %dma_wait3A_249 = tpu.memref_slice %arg2[%dma_wait3A_248] : memref<67108864xf32, #tpu.memory_space<hbm>> -> memref<67108864xf32, #tpu.memory_space<hbm>>
      tpu.wait_indirect_dma semaphore(%arg7 : memref<!tpu.dma_semaphore, #tpu.memory_space<semaphore_mem>>) src(%dma_wait3A_249 : memref<67108864xf32, #tpu.memory_space<hbm>>) dst(%dma_wait3A_245 : memref<128xf32, #tpu.memory_space<vmem>>)
      %dma_wait3A_250 = arith.constant 1024 : i32
      %dma_wait3A_251 = tpu.memref_slice %arg6[%dma_wait3A_250] : memref<4096xf32, #tpu.memory_space<vmem>> -> memref<128xf32, #tpu.memory_space<vmem>>
      %dma_wait3A_252 = arith.constant 1024 : i32
      %dma_wait3A_253 = tpu.memref_slice %arg5[%dma_wait3A_252] : memref<4096xi32, #tpu.memory_space<vmem>> -> memref<128xi32, #tpu.memory_space<vmem>>
      %dma_wait3A_254 = arith.constant 0 : i32
      %dma_wait3A_255 = tpu.memref_slice %arg2[%dma_wait3A_254] : memref<67108864xf32, #tpu.memory_space<hbm>> -> memref<67108864xf32, #tpu.memory_space<hbm>>
      tpu.wait_indirect_dma semaphore(%arg7 : memref<!tpu.dma_semaphore, #tpu.memory_space<semaphore_mem>>) src(%dma_wait3A_255 : memref<67108864xf32, #tpu.memory_space<hbm>>) dst(%dma_wait3A_251 : memref<128xf32, #tpu.memory_space<vmem>>)
      %dma_wait3A_256 = arith.constant 1152 : i32
      %dma_wait3A_257 = tpu.memref_slice %arg6[%dma_wait3A_256] : memref<4096xf32, #tpu.memory_space<vmem>> -> memref<128xf32, #tpu.memory_space<vmem>>
      %dma_wait3A_258 = arith.constant 1152 : i32
      %dma_wait3A_259 = tpu.memref_slice %arg5[%dma_wait3A_258] : memref<4096xi32, #tpu.memory_space<vmem>> -> memref<128xi32, #tpu.memory_space<vmem>>
      %dma_wait3A_260 = arith.constant 0 : i32
      %dma_wait3A_261 = tpu.memref_slice %arg2[%dma_wait3A_260] : memref<67108864xf32, #tpu.memory_space<hbm>> -> memref<67108864xf32, #tpu.memory_space<hbm>>
      tpu.wait_indirect_dma semaphore(%arg7 : memref<!tpu.dma_semaphore, #tpu.memory_space<semaphore_mem>>) src(%dma_wait3A_261 : memref<67108864xf32, #tpu.memory_space<hbm>>) dst(%dma_wait3A_257 : memref<128xf32, #tpu.memory_space<vmem>>)
      %dma_wait3A_262 = arith.constant 1280 : i32
      %dma_wait3A_263 = tpu.memref_slice %arg6[%dma_wait3A_262] : memref<4096xf32, #tpu.memory_space<vmem>> -> memref<128xf32, #tpu.memory_space<vmem>>
      %dma_wait3A_264 = arith.constant 1280 : i32
      %dma_wait3A_265 = tpu.memref_slice %arg5[%dma_wait3A_264] : memref<4096xi32, #tpu.memory_space<vmem>> -> memref<128xi32, #tpu.memory_space<vmem>>
      %dma_wait3A_266 = arith.constant 0 : i32
      %dma_wait3A_267 = tpu.memref_slice %arg2[%dma_wait3A_266] : memref<67108864xf32, #tpu.memory_space<hbm>> -> memref<67108864xf32, #tpu.memory_space<hbm>>
      tpu.wait_indirect_dma semaphore(%arg7 : memref<!tpu.dma_semaphore, #tpu.memory_space<semaphore_mem>>) src(%dma_wait3A_267 : memref<67108864xf32, #tpu.memory_space<hbm>>) dst(%dma_wait3A_263 : memref<128xf32, #tpu.memory_space<vmem>>)
      %dma_wait3A_268 = arith.constant 1408 : i32
      %dma_wait3A_269 = tpu.memref_slice %arg6[%dma_wait3A_268] : memref<4096xf32, #tpu.memory_space<vmem>> -> memref<128xf32, #tpu.memory_space<vmem>>
      %dma_wait3A_270 = arith.constant 1408 : i32
      %dma_wait3A_271 = tpu.memref_slice %arg5[%dma_wait3A_270] : memref<4096xi32, #tpu.memory_space<vmem>> -> memref<128xi32, #tpu.memory_space<vmem>>
      %dma_wait3A_272 = arith.constant 0 : i32
      %dma_wait3A_273 = tpu.memref_slice %arg2[%dma_wait3A_272] : memref<67108864xf32, #tpu.memory_space<hbm>> -> memref<67108864xf32, #tpu.memory_space<hbm>>
      tpu.wait_indirect_dma semaphore(%arg7 : memref<!tpu.dma_semaphore, #tpu.memory_space<semaphore_mem>>) src(%dma_wait3A_273 : memref<67108864xf32, #tpu.memory_space<hbm>>) dst(%dma_wait3A_269 : memref<128xf32, #tpu.memory_space<vmem>>)
      %dma_wait3A_274 = arith.constant 1536 : i32
      %dma_wait3A_275 = tpu.memref_slice %arg6[%dma_wait3A_274] : memref<4096xf32, #tpu.memory_space<vmem>> -> memref<128xf32, #tpu.memory_space<vmem>>
      %dma_wait3A_276 = arith.constant 1536 : i32
      %dma_wait3A_277 = tpu.memref_slice %arg5[%dma_wait3A_276] : memref<4096xi32, #tpu.memory_space<vmem>> -> memref<128xi32, #tpu.memory_space<vmem>>
      %dma_wait3A_278 = arith.constant 0 : i32
      %dma_wait3A_279 = tpu.memref_slice %arg2[%dma_wait3A_278] : memref<67108864xf32, #tpu.memory_space<hbm>> -> memref<67108864xf32, #tpu.memory_space<hbm>>
      tpu.wait_indirect_dma semaphore(%arg7 : memref<!tpu.dma_semaphore, #tpu.memory_space<semaphore_mem>>) src(%dma_wait3A_279 : memref<67108864xf32, #tpu.memory_space<hbm>>) dst(%dma_wait3A_275 : memref<128xf32, #tpu.memory_space<vmem>>)
      %dma_wait3A_280 = arith.constant 1664 : i32
      %dma_wait3A_281 = tpu.memref_slice %arg6[%dma_wait3A_280] : memref<4096xf32, #tpu.memory_space<vmem>> -> memref<128xf32, #tpu.memory_space<vmem>>
      %dma_wait3A_282 = arith.constant 1664 : i32
      %dma_wait3A_283 = tpu.memref_slice %arg5[%dma_wait3A_282] : memref<4096xi32, #tpu.memory_space<vmem>> -> memref<128xi32, #tpu.memory_space<vmem>>
      %dma_wait3A_284 = arith.constant 0 : i32
      %dma_wait3A_285 = tpu.memref_slice %arg2[%dma_wait3A_284] : memref<67108864xf32, #tpu.memory_space<hbm>> -> memref<67108864xf32, #tpu.memory_space<hbm>>
      tpu.wait_indirect_dma semaphore(%arg7 : memref<!tpu.dma_semaphore, #tpu.memory_space<semaphore_mem>>) src(%dma_wait3A_285 : memref<67108864xf32, #tpu.memory_space<hbm>>) dst(%dma_wait3A_281 : memref<128xf32, #tpu.memory_space<vmem>>)
      %dma_wait3A_286 = arith.constant 1792 : i32
      %dma_wait3A_287 = tpu.memref_slice %arg6[%dma_wait3A_286] : memref<4096xf32, #tpu.memory_space<vmem>> -> memref<128xf32, #tpu.memory_space<vmem>>
      %dma_wait3A_288 = arith.constant 1792 : i32
      %dma_wait3A_289 = tpu.memref_slice %arg5[%dma_wait3A_288] : memref<4096xi32, #tpu.memory_space<vmem>> -> memref<128xi32, #tpu.memory_space<vmem>>
      %dma_wait3A_290 = arith.constant 0 : i32
      %dma_wait3A_291 = tpu.memref_slice %arg2[%dma_wait3A_290] : memref<67108864xf32, #tpu.memory_space<hbm>> -> memref<67108864xf32, #tpu.memory_space<hbm>>
      tpu.wait_indirect_dma semaphore(%arg7 : memref<!tpu.dma_semaphore, #tpu.memory_space<semaphore_mem>>) src(%dma_wait3A_291 : memref<67108864xf32, #tpu.memory_space<hbm>>) dst(%dma_wait3A_287 : memref<128xf32, #tpu.memory_space<vmem>>)
      %dma_wait3A_292 = arith.constant 1920 : i32
      %dma_wait3A_293 = tpu.memref_slice %arg6[%dma_wait3A_292] : memref<4096xf32, #tpu.memory_space<vmem>> -> memref<128xf32, #tpu.memory_space<vmem>>
      %dma_wait3A_294 = arith.constant 1920 : i32
      %dma_wait3A_295 = tpu.memref_slice %arg5[%dma_wait3A_294] : memref<4096xi32, #tpu.memory_space<vmem>> -> memref<128xi32, #tpu.memory_space<vmem>>
      %dma_wait3A_296 = arith.constant 0 : i32
      %dma_wait3A_297 = tpu.memref_slice %arg2[%dma_wait3A_296] : memref<67108864xf32, #tpu.memory_space<hbm>> -> memref<67108864xf32, #tpu.memory_space<hbm>>
      tpu.wait_indirect_dma semaphore(%arg7 : memref<!tpu.dma_semaphore, #tpu.memory_space<semaphore_mem>>) src(%dma_wait3A_297 : memref<67108864xf32, #tpu.memory_space<hbm>>) dst(%dma_wait3A_293 : memref<128xf32, #tpu.memory_space<vmem>>)
      %dma_wait3A_298 = arith.constant 2048 : i32
      %dma_wait3A_299 = tpu.memref_slice %arg6[%dma_wait3A_298] : memref<4096xf32, #tpu.memory_space<vmem>> -> memref<128xf32, #tpu.memory_space<vmem>>
      %dma_wait3A_300 = arith.constant 2048 : i32
      %dma_wait3A_301 = tpu.memref_slice %arg5[%dma_wait3A_300] : memref<4096xi32, #tpu.memory_space<vmem>> -> memref<128xi32, #tpu.memory_space<vmem>>
      %dma_wait3A_302 = arith.constant 0 : i32
      %dma_wait3A_303 = tpu.memref_slice %arg2[%dma_wait3A_302] : memref<67108864xf32, #tpu.memory_space<hbm>> -> memref<67108864xf32, #tpu.memory_space<hbm>>
      tpu.wait_indirect_dma semaphore(%arg7 : memref<!tpu.dma_semaphore, #tpu.memory_space<semaphore_mem>>) src(%dma_wait3A_303 : memref<67108864xf32, #tpu.memory_space<hbm>>) dst(%dma_wait3A_299 : memref<128xf32, #tpu.memory_space<vmem>>)
      %dma_wait3A_304 = arith.constant 2176 : i32
      %dma_wait3A_305 = tpu.memref_slice %arg6[%dma_wait3A_304] : memref<4096xf32, #tpu.memory_space<vmem>> -> memref<128xf32, #tpu.memory_space<vmem>>
      %dma_wait3A_306 = arith.constant 2176 : i32
      %dma_wait3A_307 = tpu.memref_slice %arg5[%dma_wait3A_306] : memref<4096xi32, #tpu.memory_space<vmem>> -> memref<128xi32, #tpu.memory_space<vmem>>
      %dma_wait3A_308 = arith.constant 0 : i32
      %dma_wait3A_309 = tpu.memref_slice %arg2[%dma_wait3A_308] : memref<67108864xf32, #tpu.memory_space<hbm>> -> memref<67108864xf32, #tpu.memory_space<hbm>>
      tpu.wait_indirect_dma semaphore(%arg7 : memref<!tpu.dma_semaphore, #tpu.memory_space<semaphore_mem>>) src(%dma_wait3A_309 : memref<67108864xf32, #tpu.memory_space<hbm>>) dst(%dma_wait3A_305 : memref<128xf32, #tpu.memory_space<vmem>>)
      %dma_wait3A_310 = arith.constant 2304 : i32
      %dma_wait3A_311 = tpu.memref_slice %arg6[%dma_wait3A_310] : memref<4096xf32, #tpu.memory_space<vmem>> -> memref<128xf32, #tpu.memory_space<vmem>>
      %dma_wait3A_312 = arith.constant 2304 : i32
      %dma_wait3A_313 = tpu.memref_slice %arg5[%dma_wait3A_312] : memref<4096xi32, #tpu.memory_space<vmem>> -> memref<128xi32, #tpu.memory_space<vmem>>
      %dma_wait3A_314 = arith.constant 0 : i32
      %dma_wait3A_315 = tpu.memref_slice %arg2[%dma_wait3A_314] : memref<67108864xf32, #tpu.memory_space<hbm>> -> memref<67108864xf32, #tpu.memory_space<hbm>>
      tpu.wait_indirect_dma semaphore(%arg7 : memref<!tpu.dma_semaphore, #tpu.memory_space<semaphore_mem>>) src(%dma_wait3A_315 : memref<67108864xf32, #tpu.memory_space<hbm>>) dst(%dma_wait3A_311 : memref<128xf32, #tpu.memory_space<vmem>>)
      %dma_wait3A_316 = arith.constant 2432 : i32
      %dma_wait3A_317 = tpu.memref_slice %arg6[%dma_wait3A_316] : memref<4096xf32, #tpu.memory_space<vmem>> -> memref<128xf32, #tpu.memory_space<vmem>>
      %dma_wait3A_318 = arith.constant 2432 : i32
      %dma_wait3A_319 = tpu.memref_slice %arg5[%dma_wait3A_318] : memref<4096xi32, #tpu.memory_space<vmem>> -> memref<128xi32, #tpu.memory_space<vmem>>
      %dma_wait3A_320 = arith.constant 0 : i32
      %dma_wait3A_321 = tpu.memref_slice %arg2[%dma_wait3A_320] : memref<67108864xf32, #tpu.memory_space<hbm>> -> memref<67108864xf32, #tpu.memory_space<hbm>>
      tpu.wait_indirect_dma semaphore(%arg7 : memref<!tpu.dma_semaphore, #tpu.memory_space<semaphore_mem>>) src(%dma_wait3A_321 : memref<67108864xf32, #tpu.memory_space<hbm>>) dst(%dma_wait3A_317 : memref<128xf32, #tpu.memory_space<vmem>>)
      %dma_wait3A_322 = arith.constant 2560 : i32
      %dma_wait3A_323 = tpu.memref_slice %arg6[%dma_wait3A_322] : memref<4096xf32, #tpu.memory_space<vmem>> -> memref<128xf32, #tpu.memory_space<vmem>>
      %dma_wait3A_324 = arith.constant 2560 : i32
      %dma_wait3A_325 = tpu.memref_slice %arg5[%dma_wait3A_324] : memref<4096xi32, #tpu.memory_space<vmem>> -> memref<128xi32, #tpu.memory_space<vmem>>
      %dma_wait3A_326 = arith.constant 0 : i32
      %dma_wait3A_327 = tpu.memref_slice %arg2[%dma_wait3A_326] : memref<67108864xf32, #tpu.memory_space<hbm>> -> memref<67108864xf32, #tpu.memory_space<hbm>>
      tpu.wait_indirect_dma semaphore(%arg7 : memref<!tpu.dma_semaphore, #tpu.memory_space<semaphore_mem>>) src(%dma_wait3A_327 : memref<67108864xf32, #tpu.memory_space<hbm>>) dst(%dma_wait3A_323 : memref<128xf32, #tpu.memory_space<vmem>>)
      %dma_wait3A_328 = arith.constant 2688 : i32
      %dma_wait3A_329 = tpu.memref_slice %arg6[%dma_wait3A_328] : memref<4096xf32, #tpu.memory_space<vmem>> -> memref<128xf32, #tpu.memory_space<vmem>>
      %dma_wait3A_330 = arith.constant 2688 : i32
      %dma_wait3A_331 = tpu.memref_slice %arg5[%dma_wait3A_330] : memref<4096xi32, #tpu.memory_space<vmem>> -> memref<128xi32, #tpu.memory_space<vmem>>
      %dma_wait3A_332 = arith.constant 0 : i32
      %dma_wait3A_333 = tpu.memref_slice %arg2[%dma_wait3A_332] : memref<67108864xf32, #tpu.memory_space<hbm>> -> memref<67108864xf32, #tpu.memory_space<hbm>>
      tpu.wait_indirect_dma semaphore(%arg7 : memref<!tpu.dma_semaphore, #tpu.memory_space<semaphore_mem>>) src(%dma_wait3A_333 : memref<67108864xf32, #tpu.memory_space<hbm>>) dst(%dma_wait3A_329 : memref<128xf32, #tpu.memory_space<vmem>>)
      %dma_wait3A_334 = arith.constant 2816 : i32
      %dma_wait3A_335 = tpu.memref_slice %arg6[%dma_wait3A_334] : memref<4096xf32, #tpu.memory_space<vmem>> -> memref<128xf32, #tpu.memory_space<vmem>>
      %dma_wait3A_336 = arith.constant 2816 : i32
      %dma_wait3A_337 = tpu.memref_slice %arg5[%dma_wait3A_336] : memref<4096xi32, #tpu.memory_space<vmem>> -> memref<128xi32, #tpu.memory_space<vmem>>
      %dma_wait3A_338 = arith.constant 0 : i32
      %dma_wait3A_339 = tpu.memref_slice %arg2[%dma_wait3A_338] : memref<67108864xf32, #tpu.memory_space<hbm>> -> memref<67108864xf32, #tpu.memory_space<hbm>>
      tpu.wait_indirect_dma semaphore(%arg7 : memref<!tpu.dma_semaphore, #tpu.memory_space<semaphore_mem>>) src(%dma_wait3A_339 : memref<67108864xf32, #tpu.memory_space<hbm>>) dst(%dma_wait3A_335 : memref<128xf32, #tpu.memory_space<vmem>>)
      %dma_wait3A_340 = arith.constant 2944 : i32
      %dma_wait3A_341 = tpu.memref_slice %arg6[%dma_wait3A_340] : memref<4096xf32, #tpu.memory_space<vmem>> -> memref<128xf32, #tpu.memory_space<vmem>>
      %dma_wait3A_342 = arith.constant 2944 : i32
      %dma_wait3A_343 = tpu.memref_slice %arg5[%dma_wait3A_342] : memref<4096xi32, #tpu.memory_space<vmem>> -> memref<128xi32, #tpu.memory_space<vmem>>
      %dma_wait3A_344 = arith.constant 0 : i32
      %dma_wait3A_345 = tpu.memref_slice %arg2[%dma_wait3A_344] : memref<67108864xf32, #tpu.memory_space<hbm>> -> memref<67108864xf32, #tpu.memory_space<hbm>>
      tpu.wait_indirect_dma semaphore(%arg7 : memref<!tpu.dma_semaphore, #tpu.memory_space<semaphore_mem>>) src(%dma_wait3A_345 : memref<67108864xf32, #tpu.memory_space<hbm>>) dst(%dma_wait3A_341 : memref<128xf32, #tpu.memory_space<vmem>>)
      %dma_wait3A_346 = arith.constant 3072 : i32
      %dma_wait3A_347 = tpu.memref_slice %arg6[%dma_wait3A_346] : memref<4096xf32, #tpu.memory_space<vmem>> -> memref<128xf32, #tpu.memory_space<vmem>>
      %dma_wait3A_348 = arith.constant 3072 : i32
      %dma_wait3A_349 = tpu.memref_slice %arg5[%dma_wait3A_348] : memref<4096xi32, #tpu.memory_space<vmem>> -> memref<128xi32, #tpu.memory_space<vmem>>
      %dma_wait3A_350 = arith.constant 0 : i32
      %dma_wait3A_351 = tpu.memref_slice %arg2[%dma_wait3A_350] : memref<67108864xf32, #tpu.memory_space<hbm>> -> memref<67108864xf32, #tpu.memory_space<hbm>>
      tpu.wait_indirect_dma semaphore(%arg7 : memref<!tpu.dma_semaphore, #tpu.memory_space<semaphore_mem>>) src(%dma_wait3A_351 : memref<67108864xf32, #tpu.memory_space<hbm>>) dst(%dma_wait3A_347 : memref<128xf32, #tpu.memory_space<vmem>>)
      %dma_wait3A_352 = arith.constant 3200 : i32
      %dma_wait3A_353 = tpu.memref_slice %arg6[%dma_wait3A_352] : memref<4096xf32, #tpu.memory_space<vmem>> -> memref<128xf32, #tpu.memory_space<vmem>>
      %dma_wait3A_354 = arith.constant 3200 : i32
      %dma_wait3A_355 = tpu.memref_slice %arg5[%dma_wait3A_354] : memref<4096xi32, #tpu.memory_space<vmem>> -> memref<128xi32, #tpu.memory_space<vmem>>
      %dma_wait3A_356 = arith.constant 0 : i32
      %dma_wait3A_357 = tpu.memref_slice %arg2[%dma_wait3A_356] : memref<67108864xf32, #tpu.memory_space<hbm>> -> memref<67108864xf32, #tpu.memory_space<hbm>>
      tpu.wait_indirect_dma semaphore(%arg7 : memref<!tpu.dma_semaphore, #tpu.memory_space<semaphore_mem>>) src(%dma_wait3A_357 : memref<67108864xf32, #tpu.memory_space<hbm>>) dst(%dma_wait3A_353 : memref<128xf32, #tpu.memory_space<vmem>>)
      %dma_wait3A_358 = arith.constant 3328 : i32
      %dma_wait3A_359 = tpu.memref_slice %arg6[%dma_wait3A_358] : memref<4096xf32, #tpu.memory_space<vmem>> -> memref<128xf32, #tpu.memory_space<vmem>>
      %dma_wait3A_360 = arith.constant 3328 : i32
      %dma_wait3A_361 = tpu.memref_slice %arg5[%dma_wait3A_360] : memref<4096xi32, #tpu.memory_space<vmem>> -> memref<128xi32, #tpu.memory_space<vmem>>
      %dma_wait3A_362 = arith.constant 0 : i32
      %dma_wait3A_363 = tpu.memref_slice %arg2[%dma_wait3A_362] : memref<67108864xf32, #tpu.memory_space<hbm>> -> memref<67108864xf32, #tpu.memory_space<hbm>>
      tpu.wait_indirect_dma semaphore(%arg7 : memref<!tpu.dma_semaphore, #tpu.memory_space<semaphore_mem>>) src(%dma_wait3A_363 : memref<67108864xf32, #tpu.memory_space<hbm>>) dst(%dma_wait3A_359 : memref<128xf32, #tpu.memory_space<vmem>>)
      %dma_wait3A_364 = arith.constant 3456 : i32
      %dma_wait3A_365 = tpu.memref_slice %arg6[%dma_wait3A_364] : memref<4096xf32, #tpu.memory_space<vmem>> -> memref<128xf32, #tpu.memory_space<vmem>>
      %dma_wait3A_366 = arith.constant 3456 : i32
      %dma_wait3A_367 = tpu.memref_slice %arg5[%dma_wait3A_366] : memref<4096xi32, #tpu.memory_space<vmem>> -> memref<128xi32, #tpu.memory_space<vmem>>
      %dma_wait3A_368 = arith.constant 0 : i32
      %dma_wait3A_369 = tpu.memref_slice %arg2[%dma_wait3A_368] : memref<67108864xf32, #tpu.memory_space<hbm>> -> memref<67108864xf32, #tpu.memory_space<hbm>>
      tpu.wait_indirect_dma semaphore(%arg7 : memref<!tpu.dma_semaphore, #tpu.memory_space<semaphore_mem>>) src(%dma_wait3A_369 : memref<67108864xf32, #tpu.memory_space<hbm>>) dst(%dma_wait3A_365 : memref<128xf32, #tpu.memory_space<vmem>>)
      %dma_wait3A_370 = arith.constant 3584 : i32
      %dma_wait3A_371 = tpu.memref_slice %arg6[%dma_wait3A_370] : memref<4096xf32, #tpu.memory_space<vmem>> -> memref<128xf32, #tpu.memory_space<vmem>>
      %dma_wait3A_372 = arith.constant 3584 : i32
      %dma_wait3A_373 = tpu.memref_slice %arg5[%dma_wait3A_372] : memref<4096xi32, #tpu.memory_space<vmem>> -> memref<128xi32, #tpu.memory_space<vmem>>
      %dma_wait3A_374 = arith.constant 0 : i32
      %dma_wait3A_375 = tpu.memref_slice %arg2[%dma_wait3A_374] : memref<67108864xf32, #tpu.memory_space<hbm>> -> memref<67108864xf32, #tpu.memory_space<hbm>>
      tpu.wait_indirect_dma semaphore(%arg7 : memref<!tpu.dma_semaphore, #tpu.memory_space<semaphore_mem>>) src(%dma_wait3A_375 : memref<67108864xf32, #tpu.memory_space<hbm>>) dst(%dma_wait3A_371 : memref<128xf32, #tpu.memory_space<vmem>>)
      %dma_wait3A_376 = arith.constant 3712 : i32
      %dma_wait3A_377 = tpu.memref_slice %arg6[%dma_wait3A_376] : memref<4096xf32, #tpu.memory_space<vmem>> -> memref<128xf32, #tpu.memory_space<vmem>>
      %dma_wait3A_378 = arith.constant 3712 : i32
      %dma_wait3A_379 = tpu.memref_slice %arg5[%dma_wait3A_378] : memref<4096xi32, #tpu.memory_space<vmem>> -> memref<128xi32, #tpu.memory_space<vmem>>
      %dma_wait3A_380 = arith.constant 0 : i32
      %dma_wait3A_381 = tpu.memref_slice %arg2[%dma_wait3A_380] : memref<67108864xf32, #tpu.memory_space<hbm>> -> memref<67108864xf32, #tpu.memory_space<hbm>>
      tpu.wait_indirect_dma semaphore(%arg7 : memref<!tpu.dma_semaphore, #tpu.memory_space<semaphore_mem>>) src(%dma_wait3A_381 : memref<67108864xf32, #tpu.memory_space<hbm>>) dst(%dma_wait3A_377 : memref<128xf32, #tpu.memory_space<vmem>>)
      %dma_wait3A_382 = arith.constant 3840 : i32
      %dma_wait3A_383 = tpu.memref_slice %arg6[%dma_wait3A_382] : memref<4096xf32, #tpu.memory_space<vmem>> -> memref<128xf32, #tpu.memory_space<vmem>>
      %dma_wait3A_384 = arith.constant 3840 : i32
      %dma_wait3A_385 = tpu.memref_slice %arg5[%dma_wait3A_384] : memref<4096xi32, #tpu.memory_space<vmem>> -> memref<128xi32, #tpu.memory_space<vmem>>
      %dma_wait3A_386 = arith.constant 0 : i32
      %dma_wait3A_387 = tpu.memref_slice %arg2[%dma_wait3A_386] : memref<67108864xf32, #tpu.memory_space<hbm>> -> memref<67108864xf32, #tpu.memory_space<hbm>>
      tpu.wait_indirect_dma semaphore(%arg7 : memref<!tpu.dma_semaphore, #tpu.memory_space<semaphore_mem>>) src(%dma_wait3A_387 : memref<67108864xf32, #tpu.memory_space<hbm>>) dst(%dma_wait3A_383 : memref<128xf32, #tpu.memory_space<vmem>>)
      %dma_wait3A_388 = arith.constant 3968 : i32
      %dma_wait3A_389 = tpu.memref_slice %arg6[%dma_wait3A_388] : memref<4096xf32, #tpu.memory_space<vmem>> -> memref<128xf32, #tpu.memory_space<vmem>>
      %dma_wait3A_390 = arith.constant 3968 : i32
      %dma_wait3A_391 = tpu.memref_slice %arg5[%dma_wait3A_390] : memref<4096xi32, #tpu.memory_space<vmem>> -> memref<128xi32, #tpu.memory_space<vmem>>
      %dma_wait3A_392 = arith.constant 0 : i32
      %dma_wait3A_393 = tpu.memref_slice %arg2[%dma_wait3A_392] : memref<67108864xf32, #tpu.memory_space<hbm>> -> memref<67108864xf32, #tpu.memory_space<hbm>>
      tpu.wait_indirect_dma semaphore(%arg7 : memref<!tpu.dma_semaphore, #tpu.memory_space<semaphore_mem>>) src(%dma_wait3A_393 : memref<67108864xf32, #tpu.memory_space<hbm>>) dst(%dma_wait3A_389 : memref<128xf32, #tpu.memory_space<vmem>>)
      "tpu.region"() ({
        %run_scoped3A = tpu.sem_alloc : memref<!tpu.dma_semaphore, #tpu.memory_space<semaphore_mem>>
        %dma_start3A_394 = tpu.memref_slice %arg4[%add3A_11] : memref<1048576xf32, #tpu.memory_space<hbm>> -> memref<4096xf32, #tpu.memory_space<hbm>>
        %dma_start3A_395 = tpu.memref_slice %arg4[%add3A_11] : memref<1048576xf32, #tpu.memory_space<hbm>> -> memref<4096xf32, #tpu.memory_space<hbm>>
        tpu.enqueue_dma source(%arg6 : memref<4096xf32, #tpu.memory_space<vmem>>) target(%dma_start3A_395 : memref<4096xf32, #tpu.memory_space<hbm>>) target_semaphore(%run_scoped3A : memref<!tpu.dma_semaphore, #tpu.memory_space<semaphore_mem>>)
        %dma_wait3A_396 = tpu.memref_slice %arg4[%add3A_11] : memref<1048576xf32, #tpu.memory_space<hbm>> -> memref<4096xf32, #tpu.memory_space<hbm>>
        %dma_wait3A_397 = tpu.memref_slice %arg4[%add3A_11] : memref<1048576xf32, #tpu.memory_space<hbm>> -> memref<4096xf32, #tpu.memory_space<hbm>>
        tpu.wait_dma2 semaphore(%run_scoped3A : memref<!tpu.dma_semaphore, #tpu.memory_space<semaphore_mem>>) src(%arg6 : memref<4096xf32, #tpu.memory_space<vmem>>) dst(%dma_wait3A_397 : memref<4096xf32, #tpu.memory_space<hbm>>)
        tpu.yield
      }) : () -> ()
    }
    %scan3A_7 = arith.constant 8 : i32
    return
  }
}

module attributes {stable_mosaic.version = 14 : i64} {
  func.func @_tc_a_body(%arg0: i32, %arg1: i32, %arg2: memref<1x512x128xf32, #tpu.memory_space<vmem>>, %arg3: memref<1x4096x128xf32, #tpu.memory_space<vmem>>, %arg4: memref<1x128x4096xf32, #tpu.memory_space<vmem>>, %arg5: memref<2097152xf32, #tpu.memory_space<vmem>>, %arg6: memref<1x512x128xi32, #tpu.memory_space<vmem>>) attributes {dimension_semantics = [#tpu.dimension_semantics<arbitrary>, #tpu.dimension_semantics<arbitrary>], iteration_bounds = array<i64: 4, 8>, scalar_prefetch = 0 : i64, scratch_operands = 0 : i64, tpu.core_type = #tpu.core_type<tc>, window_params = [{transform_indices = @transform_0, window_bounds = array<i64: 1, 512, 128>}, {transform_indices = @transform_1, window_bounds = array<i64: 1, 4096, 128>}, {transform_indices = @transform_2, window_bounds = array<i64: 1, 128, 4096>}, {transform_indices = @transform_3, window_bounds = array<i64: 2097152>}, {transform_indices = @transform_4, window_bounds = array<i64: 1, 512, 128>}]} {
    %get3A = arith.constant 0 : index
    %get3A_0 = arith.constant 0 : index
    %get3A_1 = arith.constant 0 : index
    %get3A_2 = vector.load %arg2[%get3A, %get3A_0, %get3A_1] : memref<1x512x128xf32, #tpu.memory_space<vmem>>, vector<1x512x128xf32>
    %get3A_3 = vector.shape_cast %get3A_2 : vector<1x512x128xf32> to vector<512x128xf32>
    %get3A_4 = arith.constant 0 : index
    %get3A_5 = arith.constant 0 : index
    %get3A_6 = arith.constant 0 : index
    %get3A_7 = vector.load %arg3[%get3A_4, %get3A_5, %get3A_6] : memref<1x4096x128xf32, #tpu.memory_space<vmem>>, vector<1x4096x128xf32>
    %get3A_8 = vector.shape_cast %get3A_7 : vector<1x4096x128xf32> to vector<4096x128xf32>
    %get3A_9 = arith.constant 0 : index
    %get3A_10 = arith.constant 0 : index
    %get3A_11 = arith.constant 0 : index
    %get3A_12 = vector.load %arg4[%get3A_9, %get3A_10, %get3A_11] : memref<1x128x4096xf32, #tpu.memory_space<vmem>>, vector<1x128x4096xf32>
    %get3A_13 = vector.shape_cast %get3A_12 : vector<1x128x4096xf32> to vector<128x4096xf32>
    %mul3A = arith.constant -2.000000e+00 : f32
    %mul3A_14 = vector.broadcast %mul3A : f32 to vector<512x128xf32>
    %mul3A_15 = arith.mulf %get3A_3, %mul3A_14 : vector<512x128xf32>
    %dot_general3A = arith.constant dense<0.000000e+00> : vector<512x4096xf32>
    %dot_general3A_16 = tpu.matmul %mul3A_15, %get3A_8, %dot_general3A {dimension_numbers = #tpu.dot_dimension_numbers<[1], [1], [0], [0], [0, 0, 1, 0], [], []>, transpose_lhs_hint = false} : vector<512x128xf32>, vector<4096x128xf32>, vector<512x4096xf32> -> vector<512x4096xf32>
    %mul3A_17 = arith.mulf %get3A_3, %get3A_3 : vector<512x128xf32>
    %reduce_sum3A = arith.constant dense<0.000000e+00> : vector<512xf32>
    %reduce_sum3A_18 = vector.multi_reduction <add>, %mul3A_17, %reduce_sum3A [1] : vector<512x128xf32> to vector<512xf32>
    %broadcast_in_dim3A = vector.shape_cast %reduce_sum3A_18 : vector<512xf32> to vector<512x1xf32>
    %mul3A_19 = arith.mulf %get3A_13, %get3A_13 : vector<128x4096xf32>
    %reduce_sum3A_20 = arith.constant dense<0.000000e+00> : vector<4096xf32>
    %reduce_sum3A_21 = vector.multi_reduction <add>, %mul3A_19, %reduce_sum3A_20 [0] : vector<128x4096xf32> to vector<4096xf32>
    %broadcast_in_dim3A_22 = vector.shape_cast %reduce_sum3A_21 : vector<4096xf32> to vector<1x4096xf32>
    %add3A = vector.broadcast %broadcast_in_dim3A : vector<512x1xf32> to vector<512x4096xf32>
    %add3A_23 = vector.broadcast %broadcast_in_dim3A_22 : vector<1x4096xf32> to vector<512x4096xf32>
    %add3A_24 = arith.addf %add3A, %add3A_23 : vector<512x4096xf32>
    %add3A_25 = arith.addf %add3A_24, %dot_general3A_16 : vector<512x4096xf32>
    %reshape3A = vector.shape_cast %add3A_25 : vector<512x4096xf32> to vector<2097152xf32>
    %swap3A = arith.constant 0 : index
    %swap3A_26 = vector.load %arg5[%swap3A] : memref<2097152xf32, #tpu.memory_space<vmem>>, vector<2097152xf32>
    tpu.vector_store %arg5[%swap3A], %reshape3A {strides = array<i32>} : memref<2097152xf32, #tpu.memory_space<vmem>>, vector<2097152xf32>,
    %slice3A = vector.extract_strided_slice %add3A_25 {offsets = [0, 0], sizes = [512, 512], strides = [1, 1]} : vector<512x4096xf32> to vector<512x512xf32>
    %slice3A_27 = vector.extract_strided_slice %add3A_25 {offsets = [0, 512], sizes = [512, 512], strides = [1, 1]} : vector<512x4096xf32> to vector<512x512xf32>
    %min3A = arith.minimumf %slice3A, %slice3A_27 : vector<512x512xf32>
    %slice3A_28 = vector.extract_strided_slice %add3A_25 {offsets = [0, 1024], sizes = [512, 512], strides = [1, 1]} : vector<512x4096xf32> to vector<512x512xf32>
    %min3A_29 = arith.minimumf %min3A, %slice3A_28 : vector<512x512xf32>
    %slice3A_30 = vector.extract_strided_slice %add3A_25 {offsets = [0, 1536], sizes = [512, 512], strides = [1, 1]} : vector<512x4096xf32> to vector<512x512xf32>
    %min3A_31 = arith.minimumf %min3A_29, %slice3A_30 : vector<512x512xf32>
    %slice3A_32 = vector.extract_strided_slice %add3A_25 {offsets = [0, 2048], sizes = [512, 512], strides = [1, 1]} : vector<512x4096xf32> to vector<512x512xf32>
    %min3A_33 = arith.minimumf %min3A_31, %slice3A_32 : vector<512x512xf32>
    %slice3A_34 = vector.extract_strided_slice %add3A_25 {offsets = [0, 2560], sizes = [512, 512], strides = [1, 1]} : vector<512x4096xf32> to vector<512x512xf32>
    %min3A_35 = arith.minimumf %min3A_33, %slice3A_34 : vector<512x512xf32>
    %slice3A_36 = vector.extract_strided_slice %add3A_25 {offsets = [0, 3072], sizes = [512, 512], strides = [1, 1]} : vector<512x4096xf32> to vector<512x512xf32>
    %min3A_37 = arith.minimumf %min3A_35, %slice3A_36 : vector<512x512xf32>
    %slice3A_38 = vector.extract_strided_slice %add3A_25 {offsets = [0, 3584], sizes = [512, 512], strides = [1, 1]} : vector<512x4096xf32> to vector<512x512xf32>
    %min3A_39 = arith.minimumf %min3A_37, %slice3A_38 : vector<512x512xf32>
    %iota3A = tpu.iota {dimensions = array<i32: 1>} : vector<512x512xi32>
    %convert_element_type3A = arith.sitofp %iota3A : vector<512x512xi32> to vector<512x512xf32>
    %reduce_min3A = arith.constant dense<0x7F800000> : vector<512xf32>
    %reduce_min3A_40 = vector.multi_reduction <minimumf>, %min3A_39, %reduce_min3A [1] : vector<512x512xf32> to vector<512xf32>
    %broadcast_in_dim3A_41 = vector.shape_cast %reduce_min3A_40 : vector<512xf32> to vector<512x1xf32>
    %eq3A = vector.broadcast %broadcast_in_dim3A_41 : vector<512x1xf32> to vector<512x512xf32>
    %eq3A_42 = arith.cmpf oeq, %min3A_39, %eq3A : vector<512x512xf32>
    %jit3A = arith.constant 5.120000e+02 : f32
    %broadcast_in_dim3A_43 = vector.broadcast %jit3A : f32 to vector<512x512xf32>
    %select_n3A = arith.select %eq3A_42, %convert_element_type3A, %broadcast_in_dim3A_43 : vector<512x512xi1>, vector<512x512xf32>
    %reduce_min3A_44 = arith.constant dense<0x7F800000> : vector<512xf32>
    %reduce_min3A_45 = vector.multi_reduction <minimumf>, %select_n3A, %reduce_min3A_44 [1] : vector<512x512xf32> to vector<512xf32>
    %broadcast_in_dim3A_46 = vector.shape_cast %reduce_min3A_45 : vector<512xf32> to vector<512x1xf32>
    %convert_element_type3A_47 = arith.fptosi %broadcast_in_dim3A_46 : vector<512x1xf32> to vector<512x1xi32>
    %eq3A_48 = vector.broadcast %broadcast_in_dim3A_46 : vector<512x1xf32> to vector<512x512xf32>
    %eq3A_49 = arith.cmpf oeq, %convert_element_type3A, %eq3A_48 : vector<512x512xf32>
    %jit3A_50 = arith.constant 0x7F800000 : f32
    %broadcast_in_dim3A_51 = vector.broadcast %jit3A_50 : f32 to vector<512x512xf32>
    %select_n3A_52 = arith.select %eq3A_49, %broadcast_in_dim3A_51, %min3A_39 : vector<512x512xi1>, vector<512x512xf32>
    %reduce_min3A_53 = arith.constant dense<0x7F800000> : vector<512xf32>
    %reduce_min3A_54 = vector.multi_reduction <minimumf>, %select_n3A_52, %reduce_min3A_53 [1] : vector<512x512xf32> to vector<512xf32>
    %broadcast_in_dim3A_55 = vector.shape_cast %reduce_min3A_54 : vector<512xf32> to vector<512x1xf32>
    %eq3A_56 = vector.broadcast %broadcast_in_dim3A_55 : vector<512x1xf32> to vector<512x512xf32>
    %eq3A_57 = arith.cmpf oeq, %select_n3A_52, %eq3A_56 : vector<512x512xf32>
    %jit3A_58 = arith.constant 5.120000e+02 : f32
    %broadcast_in_dim3A_59 = vector.broadcast %jit3A_58 : f32 to vector<512x512xf32>
    %select_n3A_60 = arith.select %eq3A_57, %convert_element_type3A, %broadcast_in_dim3A_59 : vector<512x512xi1>, vector<512x512xf32>
    %reduce_min3A_61 = arith.constant dense<0x7F800000> : vector<512xf32>
    %reduce_min3A_62 = vector.multi_reduction <minimumf>, %select_n3A_60, %reduce_min3A_61 [1] : vector<512x512xf32> to vector<512xf32>
    %broadcast_in_dim3A_63 = vector.shape_cast %reduce_min3A_62 : vector<512xf32> to vector<512x1xf32>
    %convert_element_type3A_64 = arith.fptosi %broadcast_in_dim3A_63 : vector<512x1xf32> to vector<512x1xi32>
    %eq3A_65 = vector.broadcast %broadcast_in_dim3A_63 : vector<512x1xf32> to vector<512x512xf32>
    %eq3A_66 = arith.cmpf oeq, %convert_element_type3A, %eq3A_65 : vector<512x512xf32>
    %jit3A_67 = arith.constant 0x7F800000 : f32
    %broadcast_in_dim3A_68 = vector.broadcast %jit3A_67 : f32 to vector<512x512xf32>
    %select_n3A_69 = arith.select %eq3A_66, %broadcast_in_dim3A_68, %select_n3A_52 : vector<512x512xi1>, vector<512x512xf32>
    %reduce_min3A_70 = arith.constant dense<0x7F800000> : vector<512xf32>
    %reduce_min3A_71 = vector.multi_reduction <minimumf>, %select_n3A_69, %reduce_min3A_70 [1] : vector<512x512xf32> to vector<512xf32>
    %broadcast_in_dim3A_72 = vector.shape_cast %reduce_min3A_71 : vector<512xf32> to vector<512x1xf32>
    %eq3A_73 = vector.broadcast %broadcast_in_dim3A_72 : vector<512x1xf32> to vector<512x512xf32>
    %eq3A_74 = arith.cmpf oeq, %select_n3A_69, %eq3A_73 : vector<512x512xf32>
    %jit3A_75 = arith.constant 5.120000e+02 : f32
    %broadcast_in_dim3A_76 = vector.broadcast %jit3A_75 : f32 to vector<512x512xf32>
    %select_n3A_77 = arith.select %eq3A_74, %convert_element_type3A, %broadcast_in_dim3A_76 : vector<512x512xi1>, vector<512x512xf32>
    %reduce_min3A_78 = arith.constant dense<0x7F800000> : vector<512xf32>
    %reduce_min3A_79 = vector.multi_reduction <minimumf>, %select_n3A_77, %reduce_min3A_78 [1] : vector<512x512xf32> to vector<512xf32>
    %broadcast_in_dim3A_80 = vector.shape_cast %reduce_min3A_79 : vector<512xf32> to vector<512x1xf32>
    %convert_element_type3A_81 = arith.fptosi %broadcast_in_dim3A_80 : vector<512x1xf32> to vector<512x1xi32>
    %eq3A_82 = vector.broadcast %broadcast_in_dim3A_80 : vector<512x1xf32> to vector<512x512xf32>
    %eq3A_83 = arith.cmpf oeq, %convert_element_type3A, %eq3A_82 : vector<512x512xf32>
    %jit3A_84 = arith.constant 0x7F800000 : f32
    %broadcast_in_dim3A_85 = vector.broadcast %jit3A_84 : f32 to vector<512x512xf32>
    %select_n3A_86 = arith.select %eq3A_83, %broadcast_in_dim3A_85, %select_n3A_69 : vector<512x512xi1>, vector<512x512xf32>
    %reduce_min3A_87 = arith.constant dense<0x7F800000> : vector<512xf32>
    %reduce_min3A_88 = vector.multi_reduction <minimumf>, %select_n3A_86, %reduce_min3A_87 [1] : vector<512x512xf32> to vector<512xf32>
    %broadcast_in_dim3A_89 = vector.shape_cast %reduce_min3A_88 : vector<512xf32> to vector<512x1xf32>
    %eq3A_90 = vector.broadcast %broadcast_in_dim3A_89 : vector<512x1xf32> to vector<512x512xf32>
    %eq3A_91 = arith.cmpf oeq, %select_n3A_86, %eq3A_90 : vector<512x512xf32>
    %jit3A_92 = arith.constant 5.120000e+02 : f32
    %broadcast_in_dim3A_93 = vector.broadcast %jit3A_92 : f32 to vector<512x512xf32>
    %select_n3A_94 = arith.select %eq3A_91, %convert_element_type3A, %broadcast_in_dim3A_93 : vector<512x512xi1>, vector<512x512xf32>
    %reduce_min3A_95 = arith.constant dense<0x7F800000> : vector<512xf32>
    %reduce_min3A_96 = vector.multi_reduction <minimumf>, %select_n3A_94, %reduce_min3A_95 [1] : vector<512x512xf32> to vector<512xf32>
    %broadcast_in_dim3A_97 = vector.shape_cast %reduce_min3A_96 : vector<512xf32> to vector<512x1xf32>
    %convert_element_type3A_98 = arith.fptosi %broadcast_in_dim3A_97 : vector<512x1xf32> to vector<512x1xi32>
    %eq3A_99 = vector.broadcast %broadcast_in_dim3A_97 : vector<512x1xf32> to vector<512x512xf32>
    %eq3A_100 = arith.cmpf oeq, %convert_element_type3A, %eq3A_99 : vector<512x512xf32>
    %jit3A_101 = arith.constant 0x7F800000 : f32
    %broadcast_in_dim3A_102 = vector.broadcast %jit3A_101 : f32 to vector<512x512xf32>
    %select_n3A_103 = arith.select %eq3A_100, %broadcast_in_dim3A_102, %select_n3A_86 : vector<512x512xi1>, vector<512x512xf32>
    %reduce_min3A_104 = arith.constant dense<0x7F800000> : vector<512xf32>
    %reduce_min3A_105 = vector.multi_reduction <minimumf>, %select_n3A_103, %reduce_min3A_104 [1] : vector<512x512xf32> to vector<512xf32>
    %broadcast_in_dim3A_106 = vector.shape_cast %reduce_min3A_105 : vector<512xf32> to vector<512x1xf32>
    %eq3A_107 = vector.broadcast %broadcast_in_dim3A_106 : vector<512x1xf32> to vector<512x512xf32>
    %eq3A_108 = arith.cmpf oeq, %select_n3A_103, %eq3A_107 : vector<512x512xf32>
    %jit3A_109 = arith.constant 5.120000e+02 : f32
    %broadcast_in_dim3A_110 = vector.broadcast %jit3A_109 : f32 to vector<512x512xf32>
    %select_n3A_111 = arith.select %eq3A_108, %convert_element_type3A, %broadcast_in_dim3A_110 : vector<512x512xi1>, vector<512x512xf32>
    %reduce_min3A_112 = arith.constant dense<0x7F800000> : vector<512xf32>
    %reduce_min3A_113 = vector.multi_reduction <minimumf>, %select_n3A_111, %reduce_min3A_112 [1] : vector<512x512xf32> to vector<512xf32>
    %broadcast_in_dim3A_114 = vector.shape_cast %reduce_min3A_113 : vector<512xf32> to vector<512x1xf32>
    %convert_element_type3A_115 = arith.fptosi %broadcast_in_dim3A_114 : vector<512x1xf32> to vector<512x1xi32>
    %eq3A_116 = vector.broadcast %broadcast_in_dim3A_114 : vector<512x1xf32> to vector<512x512xf32>
    %eq3A_117 = arith.cmpf oeq, %convert_element_type3A, %eq3A_116 : vector<512x512xf32>
    %jit3A_118 = arith.constant 0x7F800000 : f32
    %broadcast_in_dim3A_119 = vector.broadcast %jit3A_118 : f32 to vector<512x512xf32>
    %select_n3A_120 = arith.select %eq3A_117, %broadcast_in_dim3A_119, %select_n3A_103 : vector<512x512xi1>, vector<512x512xf32>
    %reduce_min3A_121 = arith.constant dense<0x7F800000> : vector<512xf32>
    %reduce_min3A_122 = vector.multi_reduction <minimumf>, %select_n3A_120, %reduce_min3A_121 [1] : vector<512x512xf32> to vector<512xf32>
    %broadcast_in_dim3A_123 = vector.shape_cast %reduce_min3A_122 : vector<512xf32> to vector<512x1xf32>
    %eq3A_124 = vector.broadcast %broadcast_in_dim3A_123 : vector<512x1xf32> to vector<512x512xf32>
    %eq3A_125 = arith.cmpf oeq, %select_n3A_120, %eq3A_124 : vector<512x512xf32>
    %jit3A_126 = arith.constant 5.120000e+02 : f32
    %broadcast_in_dim3A_127 = vector.broadcast %jit3A_126 : f32 to vector<512x512xf32>
    %select_n3A_128 = arith.select %eq3A_125, %convert_element_type3A, %broadcast_in_dim3A_127 : vector<512x512xi1>, vector<512x512xf32>
    %reduce_min3A_129 = arith.constant dense<0x7F800000> : vector<512xf32>
    %reduce_min3A_130 = vector.multi_reduction <minimumf>, %select_n3A_128, %reduce_min3A_129 [1] : vector<512x512xf32> to vector<512xf32>
    %broadcast_in_dim3A_131 = vector.shape_cast %reduce_min3A_130 : vector<512xf32> to vector<512x1xf32>
    %convert_element_type3A_132 = arith.fptosi %broadcast_in_dim3A_131 : vector<512x1xf32> to vector<512x1xi32>
    %eq3A_133 = vector.broadcast %broadcast_in_dim3A_131 : vector<512x1xf32> to vector<512x512xf32>
    %eq3A_134 = arith.cmpf oeq, %convert_element_type3A, %eq3A_133 : vector<512x512xf32>
    %jit3A_135 = arith.constant 0x7F800000 : f32
    %broadcast_in_dim3A_136 = vector.broadcast %jit3A_135 : f32 to vector<512x512xf32>
    %select_n3A_137 = arith.select %eq3A_134, %broadcast_in_dim3A_136, %select_n3A_120 : vector<512x512xi1>, vector<512x512xf32>
    %reduce_min3A_138 = arith.constant dense<0x7F800000> : vector<512xf32>
    %reduce_min3A_139 = vector.multi_reduction <minimumf>, %select_n3A_137, %reduce_min3A_138 [1] : vector<512x512xf32> to vector<512xf32>
    %broadcast_in_dim3A_140 = vector.shape_cast %reduce_min3A_139 : vector<512xf32> to vector<512x1xf32>
    %eq3A_141 = vector.broadcast %broadcast_in_dim3A_140 : vector<512x1xf32> to vector<512x512xf32>
    %eq3A_142 = arith.cmpf oeq, %select_n3A_137, %eq3A_141 : vector<512x512xf32>
    %jit3A_143 = arith.constant 5.120000e+02 : f32
    %broadcast_in_dim3A_144 = vector.broadcast %jit3A_143 : f32 to vector<512x512xf32>
    %select_n3A_145 = arith.select %eq3A_142, %convert_element_type3A, %broadcast_in_dim3A_144 : vector<512x512xi1>, vector<512x512xf32>
    %reduce_min3A_146 = arith.constant dense<0x7F800000> : vector<512xf32>
    %reduce_min3A_147 = vector.multi_reduction <minimumf>, %select_n3A_145, %reduce_min3A_146 [1] : vector<512x512xf32> to vector<512xf32>
    %broadcast_in_dim3A_148 = vector.shape_cast %reduce_min3A_147 : vector<512xf32> to vector<512x1xf32>
    %convert_element_type3A_149 = arith.fptosi %broadcast_in_dim3A_148 : vector<512x1xf32> to vector<512x1xi32>
    %eq3A_150 = vector.broadcast %broadcast_in_dim3A_148 : vector<512x1xf32> to vector<512x512xf32>
    %eq3A_151 = arith.cmpf oeq, %convert_element_type3A, %eq3A_150 : vector<512x512xf32>
    %jit3A_152 = arith.constant 0x7F800000 : f32
    %broadcast_in_dim3A_153 = vector.broadcast %jit3A_152 : f32 to vector<512x512xf32>
    %select_n3A_154 = arith.select %eq3A_151, %broadcast_in_dim3A_153, %select_n3A_137 : vector<512x512xi1>, vector<512x512xf32>
    %reduce_min3A_155 = arith.constant dense<0x7F800000> : vector<512xf32>
    %reduce_min3A_156 = vector.multi_reduction <minimumf>, %select_n3A_154, %reduce_min3A_155 [1] : vector<512x512xf32> to vector<512xf32>
    %broadcast_in_dim3A_157 = vector.shape_cast %reduce_min3A_156 : vector<512xf32> to vector<512x1xf32>
    %eq3A_158 = vector.broadcast %broadcast_in_dim3A_157 : vector<512x1xf32> to vector<512x512xf32>
    %eq3A_159 = arith.cmpf oeq, %select_n3A_154, %eq3A_158 : vector<512x512xf32>
    %jit3A_160 = arith.constant 5.120000e+02 : f32
    %broadcast_in_dim3A_161 = vector.broadcast %jit3A_160 : f32 to vector<512x512xf32>
    %select_n3A_162 = arith.select %eq3A_159, %convert_element_type3A, %broadcast_in_dim3A_161 : vector<512x512xi1>, vector<512x512xf32>
    %reduce_min3A_163 = arith.constant dense<0x7F800000> : vector<512xf32>
    %reduce_min3A_164 = vector.multi_reduction <minimumf>, %select_n3A_162, %reduce_min3A_163 [1] : vector<512x512xf32> to vector<512xf32>
    %broadcast_in_dim3A_165 = vector.shape_cast %reduce_min3A_164 : vector<512xf32> to vector<512x1xf32>
    %convert_element_type3A_166 = arith.fptosi %broadcast_in_dim3A_165 : vector<512x1xf32> to vector<512x1xi32>
    %eq3A_167 = vector.broadcast %broadcast_in_dim3A_165 : vector<512x1xf32> to vector<512x512xf32>
    %eq3A_168 = arith.cmpf oeq, %convert_element_type3A, %eq3A_167 : vector<512x512xf32>
    %jit3A_169 = arith.constant 0x7F800000 : f32
    %broadcast_in_dim3A_170 = vector.broadcast %jit3A_169 : f32 to vector<512x512xf32>
    %select_n3A_171 = arith.select %eq3A_168, %broadcast_in_dim3A_170, %select_n3A_154 : vector<512x512xi1>, vector<512x512xf32>
    %reduce_min3A_172 = arith.constant dense<0x7F800000> : vector<512xf32>
    %reduce_min3A_173 = vector.multi_reduction <minimumf>, %select_n3A_171, %reduce_min3A_172 [1] : vector<512x512xf32> to vector<512xf32>
    %broadcast_in_dim3A_174 = vector.shape_cast %reduce_min3A_173 : vector<512xf32> to vector<512x1xf32>
    %eq3A_175 = vector.broadcast %broadcast_in_dim3A_174 : vector<512x1xf32> to vector<512x512xf32>
    %eq3A_176 = arith.cmpf oeq, %select_n3A_171, %eq3A_175 : vector<512x512xf32>
    %jit3A_177 = arith.constant 5.120000e+02 : f32
    %broadcast_in_dim3A_178 = vector.broadcast %jit3A_177 : f32 to vector<512x512xf32>
    %select_n3A_179 = arith.select %eq3A_176, %convert_element_type3A, %broadcast_in_dim3A_178 : vector<512x512xi1>, vector<512x512xf32>
    %reduce_min3A_180 = arith.constant dense<0x7F800000> : vector<512xf32>
    %reduce_min3A_181 = vector.multi_reduction <minimumf>, %select_n3A_179, %reduce_min3A_180 [1] : vector<512x512xf32> to vector<512xf32>
    %broadcast_in_dim3A_182 = vector.shape_cast %reduce_min3A_181 : vector<512xf32> to vector<512x1xf32>
    %convert_element_type3A_183 = arith.fptosi %broadcast_in_dim3A_182 : vector<512x1xf32> to vector<512x1xi32>
    %eq3A_184 = vector.broadcast %broadcast_in_dim3A_182 : vector<512x1xf32> to vector<512x512xf32>
    %eq3A_185 = arith.cmpf oeq, %convert_element_type3A, %eq3A_184 : vector<512x512xf32>
    %jit3A_186 = arith.constant 0x7F800000 : f32
    %broadcast_in_dim3A_187 = vector.broadcast %jit3A_186 : f32 to vector<512x512xf32>
    %select_n3A_188 = arith.select %eq3A_185, %broadcast_in_dim3A_187, %select_n3A_171 : vector<512x512xi1>, vector<512x512xf32>
    %reduce_min3A_189 = arith.constant dense<0x7F800000> : vector<512xf32>
    %reduce_min3A_190 = vector.multi_reduction <minimumf>, %select_n3A_188, %reduce_min3A_189 [1] : vector<512x512xf32> to vector<512xf32>
    %broadcast_in_dim3A_191 = vector.shape_cast %reduce_min3A_190 : vector<512xf32> to vector<512x1xf32>
    %eq3A_192 = vector.broadcast %broadcast_in_dim3A_191 : vector<512x1xf32> to vector<512x512xf32>
    %eq3A_193 = arith.cmpf oeq, %select_n3A_188, %eq3A_192 : vector<512x512xf32>
    %jit3A_194 = arith.constant 5.120000e+02 : f32
    %broadcast_in_dim3A_195 = vector.broadcast %jit3A_194 : f32 to vector<512x512xf32>
    %select_n3A_196 = arith.select %eq3A_193, %convert_element_type3A, %broadcast_in_dim3A_195 : vector<512x512xi1>, vector<512x512xf32>
    %reduce_min3A_197 = arith.constant dense<0x7F800000> : vector<512xf32>
    %reduce_min3A_198 = vector.multi_reduction <minimumf>, %select_n3A_196, %reduce_min3A_197 [1] : vector<512x512xf32> to vector<512xf32>
    %broadcast_in_dim3A_199 = vector.shape_cast %reduce_min3A_198 : vector<512xf32> to vector<512x1xf32>
    %convert_element_type3A_200 = arith.fptosi %broadcast_in_dim3A_199 : vector<512x1xf32> to vector<512x1xi32>
    %eq3A_201 = vector.broadcast %broadcast_in_dim3A_199 : vector<512x1xf32> to vector<512x512xf32>
    %eq3A_202 = arith.cmpf oeq, %convert_element_type3A, %eq3A_201 : vector<512x512xf32>
    %jit3A_203 = arith.constant 0x7F800000 : f32
    %broadcast_in_dim3A_204 = vector.broadcast %jit3A_203 : f32 to vector<512x512xf32>
    %select_n3A_205 = arith.select %eq3A_202, %broadcast_in_dim3A_204, %select_n3A_188 : vector<512x512xi1>, vector<512x512xf32>
    %reduce_min3A_206 = arith.constant dense<0x7F800000> : vector<512xf32>
    %reduce_min3A_207 = vector.multi_reduction <minimumf>, %select_n3A_205, %reduce_min3A_206 [1] : vector<512x512xf32> to vector<512xf32>
    %broadcast_in_dim3A_208 = vector.shape_cast %reduce_min3A_207 : vector<512xf32> to vector<512x1xf32>
    %eq3A_209 = vector.broadcast %broadcast_in_dim3A_208 : vector<512x1xf32> to vector<512x512xf32>
    %eq3A_210 = arith.cmpf oeq, %select_n3A_205, %eq3A_209 : vector<512x512xf32>
    %jit3A_211 = arith.constant 5.120000e+02 : f32
    %broadcast_in_dim3A_212 = vector.broadcast %jit3A_211 : f32 to vector<512x512xf32>
    %select_n3A_213 = arith.select %eq3A_210, %convert_element_type3A, %broadcast_in_dim3A_212 : vector<512x512xi1>, vector<512x512xf32>
    %reduce_min3A_214 = arith.constant dense<0x7F800000> : vector<512xf32>
    %reduce_min3A_215 = vector.multi_reduction <minimumf>, %select_n3A_213, %reduce_min3A_214 [1] : vector<512x512xf32> to vector<512xf32>
    %broadcast_in_dim3A_216 = vector.shape_cast %reduce_min3A_215 : vector<512xf32> to vector<512x1xf32>
    %convert_element_type3A_217 = arith.fptosi %broadcast_in_dim3A_216 : vector<512x1xf32> to vector<512x1xi32>
    %eq3A_218 = vector.broadcast %broadcast_in_dim3A_216 : vector<512x1xf32> to vector<512x512xf32>
    %eq3A_219 = arith.cmpf oeq, %convert_element_type3A, %eq3A_218 : vector<512x512xf32>
    %jit3A_220 = arith.constant 0x7F800000 : f32
    %broadcast_in_dim3A_221 = vector.broadcast %jit3A_220 : f32 to vector<512x512xf32>
    %select_n3A_222 = arith.select %eq3A_219, %broadcast_in_dim3A_221, %select_n3A_205 : vector<512x512xi1>, vector<512x512xf32>
    %reduce_min3A_223 = arith.constant dense<0x7F800000> : vector<512xf32>
    %reduce_min3A_224 = vector.multi_reduction <minimumf>, %select_n3A_222, %reduce_min3A_223 [1] : vector<512x512xf32> to vector<512xf32>
    %broadcast_in_dim3A_225 = vector.shape_cast %reduce_min3A_224 : vector<512xf32> to vector<512x1xf32>
    %eq3A_226 = vector.broadcast %broadcast_in_dim3A_225 : vector<512x1xf32> to vector<512x512xf32>
    %eq3A_227 = arith.cmpf oeq, %select_n3A_222, %eq3A_226 : vector<512x512xf32>
    %jit3A_228 = arith.constant 5.120000e+02 : f32
    %broadcast_in_dim3A_229 = vector.broadcast %jit3A_228 : f32 to vector<512x512xf32>
    %select_n3A_230 = arith.select %eq3A_227, %convert_element_type3A, %broadcast_in_dim3A_229 : vector<512x512xi1>, vector<512x512xf32>
    %reduce_min3A_231 = arith.constant dense<0x7F800000> : vector<512xf32>
    %reduce_min3A_232 = vector.multi_reduction <minimumf>, %select_n3A_230, %reduce_min3A_231 [1] : vector<512x512xf32> to vector<512xf32>
    %broadcast_in_dim3A_233 = vector.shape_cast %reduce_min3A_232 : vector<512xf32> to vector<512x1xf32>
    %convert_element_type3A_234 = arith.fptosi %broadcast_in_dim3A_233 : vector<512x1xf32> to vector<512x1xi32>
    %eq3A_235 = vector.broadcast %broadcast_in_dim3A_233 : vector<512x1xf32> to vector<512x512xf32>
    %eq3A_236 = arith.cmpf oeq, %convert_element_type3A, %eq3A_235 : vector<512x512xf32>
    %jit3A_237 = arith.constant 0x7F800000 : f32
    %broadcast_in_dim3A_238 = vector.broadcast %jit3A_237 : f32 to vector<512x512xf32>
    %select_n3A_239 = arith.select %eq3A_236, %broadcast_in_dim3A_238, %select_n3A_222 : vector<512x512xi1>, vector<512x512xf32>
    %reduce_min3A_240 = arith.constant dense<0x7F800000> : vector<512xf32>
    %reduce_min3A_241 = vector.multi_reduction <minimumf>, %select_n3A_239, %reduce_min3A_240 [1] : vector<512x512xf32> to vector<512xf32>
    %broadcast_in_dim3A_242 = vector.shape_cast %reduce_min3A_241 : vector<512xf32> to vector<512x1xf32>
    %eq3A_243 = vector.broadcast %broadcast_in_dim3A_242 : vector<512x1xf32> to vector<512x512xf32>
    %eq3A_244 = arith.cmpf oeq, %select_n3A_239, %eq3A_243 : vector<512x512xf32>
    %jit3A_245 = arith.constant 5.120000e+02 : f32
    %broadcast_in_dim3A_246 = vector.broadcast %jit3A_245 : f32 to vector<512x512xf32>
    %select_n3A_247 = arith.select %eq3A_244, %convert_element_type3A, %broadcast_in_dim3A_246 : vector<512x512xi1>, vector<512x512xf32>
    %reduce_min3A_248 = arith.constant dense<0x7F800000> : vector<512xf32>
    %reduce_min3A_249 = vector.multi_reduction <minimumf>, %select_n3A_247, %reduce_min3A_248 [1] : vector<512x512xf32> to vector<512xf32>
    %broadcast_in_dim3A_250 = vector.shape_cast %reduce_min3A_249 : vector<512xf32> to vector<512x1xf32>
    %convert_element_type3A_251 = arith.fptosi %broadcast_in_dim3A_250 : vector<512x1xf32> to vector<512x1xi32>
    %eq3A_252 = vector.broadcast %broadcast_in_dim3A_250 : vector<512x1xf32> to vector<512x512xf32>
    %eq3A_253 = arith.cmpf oeq, %convert_element_type3A, %eq3A_252 : vector<512x512xf32>
    %jit3A_254 = arith.constant 0x7F800000 : f32
    %broadcast_in_dim3A_255 = vector.broadcast %jit3A_254 : f32 to vector<512x512xf32>
    %select_n3A_256 = arith.select %eq3A_253, %broadcast_in_dim3A_255, %select_n3A_239 : vector<512x512xi1>, vector<512x512xf32>
    %reduce_min3A_257 = arith.constant dense<0x7F800000> : vector<512xf32>
    %reduce_min3A_258 = vector.multi_reduction <minimumf>, %select_n3A_256, %reduce_min3A_257 [1] : vector<512x512xf32> to vector<512xf32>
    %broadcast_in_dim3A_259 = vector.shape_cast %reduce_min3A_258 : vector<512xf32> to vector<512x1xf32>
    %eq3A_260 = vector.broadcast %broadcast_in_dim3A_259 : vector<512x1xf32> to vector<512x512xf32>
    %eq3A_261 = arith.cmpf oeq, %select_n3A_256, %eq3A_260 : vector<512x512xf32>
    %jit3A_262 = arith.constant 5.120000e+02 : f32
    %broadcast_in_dim3A_263 = vector.broadcast %jit3A_262 : f32 to vector<512x512xf32>
    %select_n3A_264 = arith.select %eq3A_261, %convert_element_type3A, %broadcast_in_dim3A_263 : vector<512x512xi1>, vector<512x512xf32>
    %reduce_min3A_265 = arith.constant dense<0x7F800000> : vector<512xf32>
    %reduce_min3A_266 = vector.multi_reduction <minimumf>, %select_n3A_264, %reduce_min3A_265 [1] : vector<512x512xf32> to vector<512xf32>
    %broadcast_in_dim3A_267 = vector.shape_cast %reduce_min3A_266 : vector<512xf32> to vector<512x1xf32>
    %convert_element_type3A_268 = arith.fptosi %broadcast_in_dim3A_267 : vector<512x1xf32> to vector<512x1xi32>
    %eq3A_269 = vector.broadcast %broadcast_in_dim3A_267 : vector<512x1xf32> to vector<512x512xf32>
    %eq3A_270 = arith.cmpf oeq, %convert_element_type3A, %eq3A_269 : vector<512x512xf32>
    %jit3A_271 = arith.constant 0x7F800000 : f32
    %broadcast_in_dim3A_272 = vector.broadcast %jit3A_271 : f32 to vector<512x512xf32>
    %select_n3A_273 = arith.select %eq3A_270, %broadcast_in_dim3A_272, %select_n3A_256 : vector<512x512xi1>, vector<512x512xf32>
    %reduce_min3A_274 = arith.constant dense<0x7F800000> : vector<512xf32>
    %reduce_min3A_275 = vector.multi_reduction <minimumf>, %select_n3A_273, %reduce_min3A_274 [1] : vector<512x512xf32> to vector<512xf32>
    %broadcast_in_dim3A_276 = vector.shape_cast %reduce_min3A_275 : vector<512xf32> to vector<512x1xf32>
    %eq3A_277 = vector.broadcast %broadcast_in_dim3A_276 : vector<512x1xf32> to vector<512x512xf32>
    %eq3A_278 = arith.cmpf oeq, %select_n3A_273, %eq3A_277 : vector<512x512xf32>
    %jit3A_279 = arith.constant 5.120000e+02 : f32
    %broadcast_in_dim3A_280 = vector.broadcast %jit3A_279 : f32 to vector<512x512xf32>
    %select_n3A_281 = arith.select %eq3A_278, %convert_element_type3A, %broadcast_in_dim3A_280 : vector<512x512xi1>, vector<512x512xf32>
    %reduce_min3A_282 = arith.constant dense<0x7F800000> : vector<512xf32>
    %reduce_min3A_283 = vector.multi_reduction <minimumf>, %select_n3A_281, %reduce_min3A_282 [1] : vector<512x512xf32> to vector<512xf32>
    %broadcast_in_dim3A_284 = vector.shape_cast %reduce_min3A_283 : vector<512xf32> to vector<512x1xf32>
    %convert_element_type3A_285 = arith.fptosi %broadcast_in_dim3A_284 : vector<512x1xf32> to vector<512x1xi32>
    %eq3A_286 = vector.broadcast %broadcast_in_dim3A_284 : vector<512x1xf32> to vector<512x512xf32>
    %eq3A_287 = arith.cmpf oeq, %convert_element_type3A, %eq3A_286 : vector<512x512xf32>
    %jit3A_288 = arith.constant 0x7F800000 : f32
    %broadcast_in_dim3A_289 = vector.broadcast %jit3A_288 : f32 to vector<512x512xf32>
    %select_n3A_290 = arith.select %eq3A_287, %broadcast_in_dim3A_289, %select_n3A_273 : vector<512x512xi1>, vector<512x512xf32>
    %reduce_min3A_291 = arith.constant dense<0x7F800000> : vector<512xf32>
    %reduce_min3A_292 = vector.multi_reduction <minimumf>, %select_n3A_290, %reduce_min3A_291 [1] : vector<512x512xf32> to vector<512xf32>
    %broadcast_in_dim3A_293 = vector.shape_cast %reduce_min3A_292 : vector<512xf32> to vector<512x1xf32>
    %eq3A_294 = vector.broadcast %broadcast_in_dim3A_293 : vector<512x1xf32> to vector<512x512xf32>
    %eq3A_295 = arith.cmpf oeq, %select_n3A_290, %eq3A_294 : vector<512x512xf32>
    %jit3A_296 = arith.constant 5.120000e+02 : f32
    %broadcast_in_dim3A_297 = vector.broadcast %jit3A_296 : f32 to vector<512x512xf32>
    %select_n3A_298 = arith.select %eq3A_295, %convert_element_type3A, %broadcast_in_dim3A_297 : vector<512x512xi1>, vector<512x512xf32>
    %reduce_min3A_299 = arith.constant dense<0x7F800000> : vector<512xf32>
    %reduce_min3A_300 = vector.multi_reduction <minimumf>, %select_n3A_298, %reduce_min3A_299 [1] : vector<512x512xf32> to vector<512xf32>
    %broadcast_in_dim3A_301 = vector.shape_cast %reduce_min3A_300 : vector<512xf32> to vector<512x1xf32>
    %convert_element_type3A_302 = arith.fptosi %broadcast_in_dim3A_301 : vector<512x1xf32> to vector<512x1xi32>
    %concatenate3A = tpu.concatenate %convert_element_type3A_47, %convert_element_type3A_64, %convert_element_type3A_81, %convert_element_type3A_98, %convert_element_type3A_115, %convert_element_type3A_132, %convert_element_type3A_149, %convert_element_type3A_166, %convert_element_type3A_183, %convert_element_type3A_200, %convert_element_type3A_217, %convert_element_type3A_234, %convert_element_type3A_251, %convert_element_type3A_268, %convert_element_type3A_285, %convert_element_type3A_302 in 1 : vector<512x1xi32>, vector<512x1xi32>, vector<512x1xi32>, vector<512x1xi32>, vector<512x1xi32>, vector<512x1xi32>, vector<512x1xi32>, vector<512x1xi32>, vector<512x1xi32>, vector<512x1xi32>, vector<512x1xi32>, vector<512x1xi32>, vector<512x1xi32>, vector<512x1xi32>, vector<512x1xi32>, vector<512x1xi32> -> vector<512x16xi32>
    %mul3A_303 = arith.constant 4096 : i32
    %mul3A_304 = arith.muli %arg0, %mul3A_303 : i32
    %mul3A_305 = arith.constant 512 : i32
    %mul3A_306 = arith.muli %arg1, %mul3A_305 : i32
    %add3A_307 = arith.addi %mul3A_304, %mul3A_306 : i32
    %iota3A_308 = tpu.iota {dimensions = array<i32: 0>} : vector<512x1xi32>
    %add3A_309 = vector.broadcast %add3A_307 : i32 to vector<512x1xi32>
    %add3A_310 = arith.addi %add3A_309, %iota3A_308 : vector<512x1xi32>
    %add3A_311 = arith.constant 0 : i32
    %add3A_312 = vector.broadcast %add3A_311 : i32 to vector<512x16xi32>
    %add3A_313 = arith.addi %concatenate3A, %add3A_312 : vector<512x16xi32>
    %add3A_314 = arith.constant 512 : i32
    %add3A_315 = vector.broadcast %add3A_314 : i32 to vector<512x16xi32>
    %add3A_316 = arith.addi %concatenate3A, %add3A_315 : vector<512x16xi32>
    %add3A_317 = arith.constant 1024 : i32
    %add3A_318 = vector.broadcast %add3A_317 : i32 to vector<512x16xi32>
    %add3A_319 = arith.addi %concatenate3A, %add3A_318 : vector<512x16xi32>
    %add3A_320 = arith.constant 1536 : i32
    %add3A_321 = vector.broadcast %add3A_320 : i32 to vector<512x16xi32>
    %add3A_322 = arith.addi %concatenate3A, %add3A_321 : vector<512x16xi32>
    %add3A_323 = arith.constant 2048 : i32
    %add3A_324 = vector.broadcast %add3A_323 : i32 to vector<512x16xi32>
    %add3A_325 = arith.addi %concatenate3A, %add3A_324 : vector<512x16xi32>
    %add3A_326 = arith.constant 2560 : i32
    %add3A_327 = vector.broadcast %add3A_326 : i32 to vector<512x16xi32>
    %add3A_328 = arith.addi %concatenate3A, %add3A_327 : vector<512x16xi32>
    %add3A_329 = arith.constant 3072 : i32
    %add3A_330 = vector.broadcast %add3A_329 : i32 to vector<512x16xi32>
    %add3A_331 = arith.addi %concatenate3A, %add3A_330 : vector<512x16xi32>
    %add3A_332 = arith.constant 3584 : i32
    %add3A_333 = vector.broadcast %add3A_332 : i32 to vector<512x16xi32>
    %add3A_334 = arith.addi %concatenate3A, %add3A_333 : vector<512x16xi32>
    %concatenate3A_335 = tpu.concatenate %add3A_313, %add3A_316, %add3A_319, %add3A_322, %add3A_325, %add3A_328, %add3A_331, %add3A_334 in 1 : vector<512x16xi32>, vector<512x16xi32>, vector<512x16xi32>, vector<512x16xi32>, vector<512x16xi32>, vector<512x16xi32>, vector<512x16xi32>, vector<512x16xi32> -> vector<512x128xi32>
    %mul3A_336 = arith.constant 4096 : i32
    %mul3A_337 = vector.broadcast %mul3A_336 : i32 to vector<512x1xi32>
    %mul3A_338 = arith.muli %add3A_310, %mul3A_337 : vector<512x1xi32>
    %add3A_339 = vector.broadcast %mul3A_338 : vector<512x1xi32> to vector<512x128xi32>
    %add3A_340 = arith.addi %add3A_339, %concatenate3A_335 : vector<512x128xi32>
    %swap3A_341 = arith.constant 0 : index
    %swap3A_342 = arith.constant 0 : index
    %swap3A_343 = arith.constant 0 : index
    %swap3A_344 = vector.load %arg6[%swap3A_341, %swap3A_342, %swap3A_343] : memref<1x512x128xi32, #tpu.memory_space<vmem>>, vector<1x512x128xi32>
    %swap3A_345 = vector.shape_cast %swap3A_344 : vector<1x512x128xi32> to vector<512x128xi32>
    %swap3A_346 = vector.shape_cast %add3A_340 : vector<512x128xi32> to vector<1x512x128xi32>
    tpu.vector_store %arg6[%swap3A_341, %swap3A_342, %swap3A_343], %swap3A_346 {strides = array<i32>} : memref<1x512x128xi32, #tpu.memory_space<vmem>>, vector<1x512x128xi32>,
    return
  }
  func.func @transform_0(%arg0: i32, %arg1: i32) -> (i32, i32, i32) {
    %c0_i32 = arith.constant 0 : i32
    %c0_i32_0 = arith.constant 0 : i32
    return %arg0, %arg1, %c0_i32 : i32, i32, i32
  }
  func.func @transform_1(%arg0: i32, %arg1: i32) -> (i32, i32, i32) {
    %c0_i32 = arith.constant 0 : i32
    %c0_i32_0 = arith.constant 0 : i32
    %c0_i32_1 = arith.constant 0 : i32
    return %arg0, %c0_i32, %c0_i32_0 : i32, i32, i32
  }
  func.func @transform_2(%arg0: i32, %arg1: i32) -> (i32, i32, i32) {
    %c0_i32 = arith.constant 0 : i32
    %c0_i32_0 = arith.constant 0 : i32
    %c0_i32_1 = arith.constant 0 : i32
    return %arg0, %c0_i32, %c0_i32_0 : i32, i32, i32
  }
  func.func @transform_3(%arg0: i32, %arg1: i32) -> i32 {
    %mul3A = arith.constant 8 : i32
    %mul3A_0 = arith.muli %arg0, %mul3A : i32
    %add3A = arith.addi %mul3A_0, %arg1 : i32
    %c0_i32 = arith.constant 0 : i32
    return %add3A : i32
  }
  func.func @transform_4(%arg0: i32, %arg1: i32) -> (i32, i32, i32) {
    %c0_i32 = arith.constant 0 : i32
    %c0_i32_0 = arith.constant 0 : i32
    return %arg0, %arg1, %c0_i32 : i32, i32, i32
  }
}

module attributes {stable_mosaic.version = 14 : i64} {
  func.func @_tc_c_body(%arg0: i32, %arg1: memref<2048x128xf32, #tpu.memory_space<vmem>>, %arg2: memref<2048x128xi32, #tpu.memory_space<vmem>>, %arg3: memref<2048x16xi32, #tpu.memory_space<vmem>>, %arg4: memref<2048x16xf32, #tpu.memory_space<vmem>>) attributes {dimension_semantics = [#tpu.dimension_semantics<arbitrary>], iteration_bounds = array<i64: 4>, scalar_prefetch = 0 : i64, scratch_operands = 0 : i64, tpu.core_type = #tpu.core_type<tc>, window_params = [{transform_indices = @transform_0, window_bounds = array<i64: 2048, 128>}, {transform_indices = @transform_1, window_bounds = array<i64: 2048, 128>}, {transform_indices = @transform_2, window_bounds = array<i64: 2048, 16>}, {transform_indices = @transform_3, window_bounds = array<i64: 2048, 16>}]} {
    %get3A = arith.constant 0 : index
    %get3A_0 = arith.constant 0 : index
    %get3A_1 = vector.load %arg1[%get3A, %get3A_0] : memref<2048x128xf32, #tpu.memory_space<vmem>>, vector<2048x128xf32>
    %get3A_2 = arith.constant 0 : index
    %get3A_3 = arith.constant 0 : index
    %get3A_4 = vector.load %arg2[%get3A_2, %get3A_3] : memref<2048x128xi32, #tpu.memory_space<vmem>>, vector<2048x128xi32>
    %and3A = arith.constant 4095 : i32
    %and3A_5 = vector.broadcast %and3A : i32 to vector<2048x128xi32>
    %and3A_6 = arith.andi %get3A_4, %and3A_5 : vector<2048x128xi32>
    %convert_element_type3A = arith.sitofp %and3A_6 : vector<2048x128xi32> to vector<2048x128xf32>
    %reduce_min3A = arith.constant dense<0x7F800000> : vector<2048xf32>
    %reduce_min3A_7 = vector.multi_reduction <minimumf>, %get3A_1, %reduce_min3A [1] : vector<2048x128xf32> to vector<2048xf32>
    %broadcast_in_dim3A = vector.shape_cast %reduce_min3A_7 : vector<2048xf32> to vector<2048x1xf32>
    %eq3A = vector.broadcast %broadcast_in_dim3A : vector<2048x1xf32> to vector<2048x128xf32>
    %eq3A_8 = arith.cmpf oeq, %get3A_1, %eq3A : vector<2048x128xf32>
    %jit3A = arith.constant 4.096000e+03 : f32
    %broadcast_in_dim3A_9 = vector.broadcast %jit3A : f32 to vector<2048x128xf32>
    %select_n3A = arith.select %eq3A_8, %convert_element_type3A, %broadcast_in_dim3A_9 : vector<2048x128xi1>, vector<2048x128xf32>
    %reduce_min3A_10 = arith.constant dense<0x7F800000> : vector<2048xf32>
    %reduce_min3A_11 = vector.multi_reduction <minimumf>, %select_n3A, %reduce_min3A_10 [1] : vector<2048x128xf32> to vector<2048xf32>
    %broadcast_in_dim3A_12 = vector.shape_cast %reduce_min3A_11 : vector<2048xf32> to vector<2048x1xf32>
    %convert_element_type3A_13 = arith.fptosi %broadcast_in_dim3A_12 : vector<2048x1xf32> to vector<2048x1xi32>
    %swap3A = arith.constant 0 : index
    %swap3A_14 = arith.constant 0 : index
    %swap3A_15 = vector.load %arg3[%swap3A, %swap3A_14] : memref<2048x16xi32, #tpu.memory_space<vmem>>, vector<2048x1xi32>
    tpu.vector_store %arg3[%swap3A, %swap3A_14], %convert_element_type3A_13 {strides = array<i32>} : memref<2048x16xi32, #tpu.memory_space<vmem>>, vector<2048x1xi32>,
    %swap3A_16 = arith.constant 0 : index
    %swap3A_17 = arith.constant 0 : index
    %swap3A_18 = vector.load %arg4[%swap3A_16, %swap3A_17] : memref<2048x16xf32, #tpu.memory_space<vmem>>, vector<2048x1xf32>
    tpu.vector_store %arg4[%swap3A_16, %swap3A_17], %broadcast_in_dim3A {strides = array<i32>} : memref<2048x16xf32, #tpu.memory_space<vmem>>, vector<2048x1xf32>,
    %eq3A_19 = vector.broadcast %broadcast_in_dim3A : vector<2048x1xf32> to vector<2048x128xf32>
    %eq3A_20 = arith.cmpf oeq, %get3A_1, %eq3A_19 : vector<2048x128xf32>
    %eq3A_21 = vector.broadcast %broadcast_in_dim3A_12 : vector<2048x1xf32> to vector<2048x128xf32>
    %eq3A_22 = arith.cmpf oeq, %convert_element_type3A, %eq3A_21 : vector<2048x128xf32>
    %and3A_23 = arith.andi %eq3A_20, %eq3A_22 : vector<2048x128xi1>
    %jit3A_24 = arith.constant 0x7F800000 : f32
    %broadcast_in_dim3A_25 = vector.broadcast %jit3A_24 : f32 to vector<2048x128xf32>
    %select_n3A_26 = arith.select %and3A_23, %broadcast_in_dim3A_25, %get3A_1 : vector<2048x128xi1>, vector<2048x128xf32>
    %reduce_min3A_27 = arith.constant dense<0x7F800000> : vector<2048xf32>
    %reduce_min3A_28 = vector.multi_reduction <minimumf>, %select_n3A_26, %reduce_min3A_27 [1] : vector<2048x128xf32> to vector<2048xf32>
    %broadcast_in_dim3A_29 = vector.shape_cast %reduce_min3A_28 : vector<2048xf32> to vector<2048x1xf32>
    %eq3A_30 = vector.broadcast %broadcast_in_dim3A_29 : vector<2048x1xf32> to vector<2048x128xf32>
    %eq3A_31 = arith.cmpf oeq, %select_n3A_26, %eq3A_30 : vector<2048x128xf32>
    %jit3A_32 = arith.constant 4.096000e+03 : f32
    %broadcast_in_dim3A_33 = vector.broadcast %jit3A_32 : f32 to vector<2048x128xf32>
    %select_n3A_34 = arith.select %eq3A_31, %convert_element_type3A, %broadcast_in_dim3A_33 : vector<2048x128xi1>, vector<2048x128xf32>
    %reduce_min3A_35 = arith.constant dense<0x7F800000> : vector<2048xf32>
    %reduce_min3A_36 = vector.multi_reduction <minimumf>, %select_n3A_34, %reduce_min3A_35 [1] : vector<2048x128xf32> to vector<2048xf32>
    %broadcast_in_dim3A_37 = vector.shape_cast %reduce_min3A_36 : vector<2048xf32> to vector<2048x1xf32>
    %convert_element_type3A_38 = arith.fptosi %broadcast_in_dim3A_37 : vector<2048x1xf32> to vector<2048x1xi32>
    %swap3A_39 = arith.constant 0 : index
    %swap3A_40 = arith.constant 1 : index
    %swap3A_41 = vector.load %arg3[%swap3A_39, %swap3A_40] : memref<2048x16xi32, #tpu.memory_space<vmem>>, vector<2048x1xi32>
    tpu.vector_store %arg3[%swap3A_39, %swap3A_40], %convert_element_type3A_38 {strides = array<i32>} : memref<2048x16xi32, #tpu.memory_space<vmem>>, vector<2048x1xi32>,
    %swap3A_42 = arith.constant 0 : index
    %swap3A_43 = arith.constant 1 : index
    %swap3A_44 = vector.load %arg4[%swap3A_42, %swap3A_43] : memref<2048x16xf32, #tpu.memory_space<vmem>>, vector<2048x1xf32>
    tpu.vector_store %arg4[%swap3A_42, %swap3A_43], %broadcast_in_dim3A_29 {strides = array<i32>} : memref<2048x16xf32, #tpu.memory_space<vmem>>, vector<2048x1xf32>,
    %eq3A_45 = vector.broadcast %broadcast_in_dim3A_29 : vector<2048x1xf32> to vector<2048x128xf32>
    %eq3A_46 = arith.cmpf oeq, %select_n3A_26, %eq3A_45 : vector<2048x128xf32>
    %eq3A_47 = vector.broadcast %broadcast_in_dim3A_37 : vector<2048x1xf32> to vector<2048x128xf32>
    %eq3A_48 = arith.cmpf oeq, %convert_element_type3A, %eq3A_47 : vector<2048x128xf32>
    %and3A_49 = arith.andi %eq3A_46, %eq3A_48 : vector<2048x128xi1>
    %jit3A_50 = arith.constant 0x7F800000 : f32
    %broadcast_in_dim3A_51 = vector.broadcast %jit3A_50 : f32 to vector<2048x128xf32>
    %select_n3A_52 = arith.select %and3A_49, %broadcast_in_dim3A_51, %select_n3A_26 : vector<2048x128xi1>, vector<2048x128xf32>
    %reduce_min3A_53 = arith.constant dense<0x7F800000> : vector<2048xf32>
    %reduce_min3A_54 = vector.multi_reduction <minimumf>, %select_n3A_52, %reduce_min3A_53 [1] : vector<2048x128xf32> to vector<2048xf32>
    %broadcast_in_dim3A_55 = vector.shape_cast %reduce_min3A_54 : vector<2048xf32> to vector<2048x1xf32>
    %eq3A_56 = vector.broadcast %broadcast_in_dim3A_55 : vector<2048x1xf32> to vector<2048x128xf32>
    %eq3A_57 = arith.cmpf oeq, %select_n3A_52, %eq3A_56 : vector<2048x128xf32>
    %jit3A_58 = arith.constant 4.096000e+03 : f32
    %broadcast_in_dim3A_59 = vector.broadcast %jit3A_58 : f32 to vector<2048x128xf32>
    %select_n3A_60 = arith.select %eq3A_57, %convert_element_type3A, %broadcast_in_dim3A_59 : vector<2048x128xi1>, vector<2048x128xf32>
    %reduce_min3A_61 = arith.constant dense<0x7F800000> : vector<2048xf32>
    %reduce_min3A_62 = vector.multi_reduction <minimumf>, %select_n3A_60, %reduce_min3A_61 [1] : vector<2048x128xf32> to vector<2048xf32>
    %broadcast_in_dim3A_63 = vector.shape_cast %reduce_min3A_62 : vector<2048xf32> to vector<2048x1xf32>
    %convert_element_type3A_64 = arith.fptosi %broadcast_in_dim3A_63 : vector<2048x1xf32> to vector<2048x1xi32>
    %swap3A_65 = arith.constant 0 : index
    %swap3A_66 = arith.constant 2 : index
    %swap3A_67 = vector.load %arg3[%swap3A_65, %swap3A_66] : memref<2048x16xi32, #tpu.memory_space<vmem>>, vector<2048x1xi32>
    tpu.vector_store %arg3[%swap3A_65, %swap3A_66], %convert_element_type3A_64 {strides = array<i32>} : memref<2048x16xi32, #tpu.memory_space<vmem>>, vector<2048x1xi32>,
    %swap3A_68 = arith.constant 0 : index
    %swap3A_69 = arith.constant 2 : index
    %swap3A_70 = vector.load %arg4[%swap3A_68, %swap3A_69] : memref<2048x16xf32, #tpu.memory_space<vmem>>, vector<2048x1xf32>
    tpu.vector_store %arg4[%swap3A_68, %swap3A_69], %broadcast_in_dim3A_55 {strides = array<i32>} : memref<2048x16xf32, #tpu.memory_space<vmem>>, vector<2048x1xf32>,
    %eq3A_71 = vector.broadcast %broadcast_in_dim3A_55 : vector<2048x1xf32> to vector<2048x128xf32>
    %eq3A_72 = arith.cmpf oeq, %select_n3A_52, %eq3A_71 : vector<2048x128xf32>
    %eq3A_73 = vector.broadcast %broadcast_in_dim3A_63 : vector<2048x1xf32> to vector<2048x128xf32>
    %eq3A_74 = arith.cmpf oeq, %convert_element_type3A, %eq3A_73 : vector<2048x128xf32>
    %and3A_75 = arith.andi %eq3A_72, %eq3A_74 : vector<2048x128xi1>
    %jit3A_76 = arith.constant 0x7F800000 : f32
    %broadcast_in_dim3A_77 = vector.broadcast %jit3A_76 : f32 to vector<2048x128xf32>
    %select_n3A_78 = arith.select %and3A_75, %broadcast_in_dim3A_77, %select_n3A_52 : vector<2048x128xi1>, vector<2048x128xf32>
    %reduce_min3A_79 = arith.constant dense<0x7F800000> : vector<2048xf32>
    %reduce_min3A_80 = vector.multi_reduction <minimumf>, %select_n3A_78, %reduce_min3A_79 [1] : vector<2048x128xf32> to vector<2048xf32>
    %broadcast_in_dim3A_81 = vector.shape_cast %reduce_min3A_80 : vector<2048xf32> to vector<2048x1xf32>
    %eq3A_82 = vector.broadcast %broadcast_in_dim3A_81 : vector<2048x1xf32> to vector<2048x128xf32>
    %eq3A_83 = arith.cmpf oeq, %select_n3A_78, %eq3A_82 : vector<2048x128xf32>
    %jit3A_84 = arith.constant 4.096000e+03 : f32
    %broadcast_in_dim3A_85 = vector.broadcast %jit3A_84 : f32 to vector<2048x128xf32>
    %select_n3A_86 = arith.select %eq3A_83, %convert_element_type3A, %broadcast_in_dim3A_85 : vector<2048x128xi1>, vector<2048x128xf32>
    %reduce_min3A_87 = arith.constant dense<0x7F800000> : vector<2048xf32>
    %reduce_min3A_88 = vector.multi_reduction <minimumf>, %select_n3A_86, %reduce_min3A_87 [1] : vector<2048x128xf32> to vector<2048xf32>
    %broadcast_in_dim3A_89 = vector.shape_cast %reduce_min3A_88 : vector<2048xf32> to vector<2048x1xf32>
    %convert_element_type3A_90 = arith.fptosi %broadcast_in_dim3A_89 : vector<2048x1xf32> to vector<2048x1xi32>
    %swap3A_91 = arith.constant 0 : index
    %swap3A_92 = arith.constant 3 : index
    %swap3A_93 = vector.load %arg3[%swap3A_91, %swap3A_92] : memref<2048x16xi32, #tpu.memory_space<vmem>>, vector<2048x1xi32>
    tpu.vector_store %arg3[%swap3A_91, %swap3A_92], %convert_element_type3A_90 {strides = array<i32>} : memref<2048x16xi32, #tpu.memory_space<vmem>>, vector<2048x1xi32>,
    %swap3A_94 = arith.constant 0 : index
    %swap3A_95 = arith.constant 3 : index
    %swap3A_96 = vector.load %arg4[%swap3A_94, %swap3A_95] : memref<2048x16xf32, #tpu.memory_space<vmem>>, vector<2048x1xf32>
    tpu.vector_store %arg4[%swap3A_94, %swap3A_95], %broadcast_in_dim3A_81 {strides = array<i32>} : memref<2048x16xf32, #tpu.memory_space<vmem>>, vector<2048x1xf32>,
    %eq3A_97 = vector.broadcast %broadcast_in_dim3A_81 : vector<2048x1xf32> to vector<2048x128xf32>
    %eq3A_98 = arith.cmpf oeq, %select_n3A_78, %eq3A_97 : vector<2048x128xf32>
    %eq3A_99 = vector.broadcast %broadcast_in_dim3A_89 : vector<2048x1xf32> to vector<2048x128xf32>
    %eq3A_100 = arith.cmpf oeq, %convert_element_type3A, %eq3A_99 : vector<2048x128xf32>
    %and3A_101 = arith.andi %eq3A_98, %eq3A_100 : vector<2048x128xi1>
    %jit3A_102 = arith.constant 0x7F800000 : f32
    %broadcast_in_dim3A_103 = vector.broadcast %jit3A_102 : f32 to vector<2048x128xf32>
    %select_n3A_104 = arith.select %and3A_101, %broadcast_in_dim3A_103, %select_n3A_78 : vector<2048x128xi1>, vector<2048x128xf32>
    %reduce_min3A_105 = arith.constant dense<0x7F800000> : vector<2048xf32>
    %reduce_min3A_106 = vector.multi_reduction <minimumf>, %select_n3A_104, %reduce_min3A_105 [1] : vector<2048x128xf32> to vector<2048xf32>
    %broadcast_in_dim3A_107 = vector.shape_cast %reduce_min3A_106 : vector<2048xf32> to vector<2048x1xf32>
    %eq3A_108 = vector.broadcast %broadcast_in_dim3A_107 : vector<2048x1xf32> to vector<2048x128xf32>
    %eq3A_109 = arith.cmpf oeq, %select_n3A_104, %eq3A_108 : vector<2048x128xf32>
    %jit3A_110 = arith.constant 4.096000e+03 : f32
    %broadcast_in_dim3A_111 = vector.broadcast %jit3A_110 : f32 to vector<2048x128xf32>
    %select_n3A_112 = arith.select %eq3A_109, %convert_element_type3A, %broadcast_in_dim3A_111 : vector<2048x128xi1>, vector<2048x128xf32>
    %reduce_min3A_113 = arith.constant dense<0x7F800000> : vector<2048xf32>
    %reduce_min3A_114 = vector.multi_reduction <minimumf>, %select_n3A_112, %reduce_min3A_113 [1] : vector<2048x128xf32> to vector<2048xf32>
    %broadcast_in_dim3A_115 = vector.shape_cast %reduce_min3A_114 : vector<2048xf32> to vector<2048x1xf32>
    %convert_element_type3A_116 = arith.fptosi %broadcast_in_dim3A_115 : vector<2048x1xf32> to vector<2048x1xi32>
    %swap3A_117 = arith.constant 0 : index
    %swap3A_118 = arith.constant 4 : index
    %swap3A_119 = vector.load %arg3[%swap3A_117, %swap3A_118] : memref<2048x16xi32, #tpu.memory_space<vmem>>, vector<2048x1xi32>
    tpu.vector_store %arg3[%swap3A_117, %swap3A_118], %convert_element_type3A_116 {strides = array<i32>} : memref<2048x16xi32, #tpu.memory_space<vmem>>, vector<2048x1xi32>,
    %swap3A_120 = arith.constant 0 : index
    %swap3A_121 = arith.constant 4 : index
    %swap3A_122 = vector.load %arg4[%swap3A_120, %swap3A_121] : memref<2048x16xf32, #tpu.memory_space<vmem>>, vector<2048x1xf32>
    tpu.vector_store %arg4[%swap3A_120, %swap3A_121], %broadcast_in_dim3A_107 {strides = array<i32>} : memref<2048x16xf32, #tpu.memory_space<vmem>>, vector<2048x1xf32>,
    %eq3A_123 = vector.broadcast %broadcast_in_dim3A_107 : vector<2048x1xf32> to vector<2048x128xf32>
    %eq3A_124 = arith.cmpf oeq, %select_n3A_104, %eq3A_123 : vector<2048x128xf32>
    %eq3A_125 = vector.broadcast %broadcast_in_dim3A_115 : vector<2048x1xf32> to vector<2048x128xf32>
    %eq3A_126 = arith.cmpf oeq, %convert_element_type3A, %eq3A_125 : vector<2048x128xf32>
    %and3A_127 = arith.andi %eq3A_124, %eq3A_126 : vector<2048x128xi1>
    %jit3A_128 = arith.constant 0x7F800000 : f32
    %broadcast_in_dim3A_129 = vector.broadcast %jit3A_128 : f32 to vector<2048x128xf32>
    %select_n3A_130 = arith.select %and3A_127, %broadcast_in_dim3A_129, %select_n3A_104 : vector<2048x128xi1>, vector<2048x128xf32>
    %reduce_min3A_131 = arith.constant dense<0x7F800000> : vector<2048xf32>
    %reduce_min3A_132 = vector.multi_reduction <minimumf>, %select_n3A_130, %reduce_min3A_131 [1] : vector<2048x128xf32> to vector<2048xf32>
    %broadcast_in_dim3A_133 = vector.shape_cast %reduce_min3A_132 : vector<2048xf32> to vector<2048x1xf32>
    %eq3A_134 = vector.broadcast %broadcast_in_dim3A_133 : vector<2048x1xf32> to vector<2048x128xf32>
    %eq3A_135 = arith.cmpf oeq, %select_n3A_130, %eq3A_134 : vector<2048x128xf32>
    %jit3A_136 = arith.constant 4.096000e+03 : f32
    %broadcast_in_dim3A_137 = vector.broadcast %jit3A_136 : f32 to vector<2048x128xf32>
    %select_n3A_138 = arith.select %eq3A_135, %convert_element_type3A, %broadcast_in_dim3A_137 : vector<2048x128xi1>, vector<2048x128xf32>
    %reduce_min3A_139 = arith.constant dense<0x7F800000> : vector<2048xf32>
    %reduce_min3A_140 = vector.multi_reduction <minimumf>, %select_n3A_138, %reduce_min3A_139 [1] : vector<2048x128xf32> to vector<2048xf32>
    %broadcast_in_dim3A_141 = vector.shape_cast %reduce_min3A_140 : vector<2048xf32> to vector<2048x1xf32>
    %convert_element_type3A_142 = arith.fptosi %broadcast_in_dim3A_141 : vector<2048x1xf32> to vector<2048x1xi32>
    %swap3A_143 = arith.constant 0 : index
    %swap3A_144 = arith.constant 5 : index
    %swap3A_145 = vector.load %arg3[%swap3A_143, %swap3A_144] : memref<2048x16xi32, #tpu.memory_space<vmem>>, vector<2048x1xi32>
    tpu.vector_store %arg3[%swap3A_143, %swap3A_144], %convert_element_type3A_142 {strides = array<i32>} : memref<2048x16xi32, #tpu.memory_space<vmem>>, vector<2048x1xi32>,
    %swap3A_146 = arith.constant 0 : index
    %swap3A_147 = arith.constant 5 : index
    %swap3A_148 = vector.load %arg4[%swap3A_146, %swap3A_147] : memref<2048x16xf32, #tpu.memory_space<vmem>>, vector<2048x1xf32>
    tpu.vector_store %arg4[%swap3A_146, %swap3A_147], %broadcast_in_dim3A_133 {strides = array<i32>} : memref<2048x16xf32, #tpu.memory_space<vmem>>, vector<2048x1xf32>,
    %eq3A_149 = vector.broadcast %broadcast_in_dim3A_133 : vector<2048x1xf32> to vector<2048x128xf32>
    %eq3A_150 = arith.cmpf oeq, %select_n3A_130, %eq3A_149 : vector<2048x128xf32>
    %eq3A_151 = vector.broadcast %broadcast_in_dim3A_141 : vector<2048x1xf32> to vector<2048x128xf32>
    %eq3A_152 = arith.cmpf oeq, %convert_element_type3A, %eq3A_151 : vector<2048x128xf32>
    %and3A_153 = arith.andi %eq3A_150, %eq3A_152 : vector<2048x128xi1>
    %jit3A_154 = arith.constant 0x7F800000 : f32
    %broadcast_in_dim3A_155 = vector.broadcast %jit3A_154 : f32 to vector<2048x128xf32>
    %select_n3A_156 = arith.select %and3A_153, %broadcast_in_dim3A_155, %select_n3A_130 : vector<2048x128xi1>, vector<2048x128xf32>
    %reduce_min3A_157 = arith.constant dense<0x7F800000> : vector<2048xf32>
    %reduce_min3A_158 = vector.multi_reduction <minimumf>, %select_n3A_156, %reduce_min3A_157 [1] : vector<2048x128xf32> to vector<2048xf32>
    %broadcast_in_dim3A_159 = vector.shape_cast %reduce_min3A_158 : vector<2048xf32> to vector<2048x1xf32>
    %eq3A_160 = vector.broadcast %broadcast_in_dim3A_159 : vector<2048x1xf32> to vector<2048x128xf32>
    %eq3A_161 = arith.cmpf oeq, %select_n3A_156, %eq3A_160 : vector<2048x128xf32>
    %jit3A_162 = arith.constant 4.096000e+03 : f32
    %broadcast_in_dim3A_163 = vector.broadcast %jit3A_162 : f32 to vector<2048x128xf32>
    %select_n3A_164 = arith.select %eq3A_161, %convert_element_type3A, %broadcast_in_dim3A_163 : vector<2048x128xi1>, vector<2048x128xf32>
    %reduce_min3A_165 = arith.constant dense<0x7F800000> : vector<2048xf32>
    %reduce_min3A_166 = vector.multi_reduction <minimumf>, %select_n3A_164, %reduce_min3A_165 [1] : vector<2048x128xf32> to vector<2048xf32>
    %broadcast_in_dim3A_167 = vector.shape_cast %reduce_min3A_166 : vector<2048xf32> to vector<2048x1xf32>
    %convert_element_type3A_168 = arith.fptosi %broadcast_in_dim3A_167 : vector<2048x1xf32> to vector<2048x1xi32>
    %swap3A_169 = arith.constant 0 : index
    %swap3A_170 = arith.constant 6 : index
    %swap3A_171 = vector.load %arg3[%swap3A_169, %swap3A_170] : memref<2048x16xi32, #tpu.memory_space<vmem>>, vector<2048x1xi32>
    tpu.vector_store %arg3[%swap3A_169, %swap3A_170], %convert_element_type3A_168 {strides = array<i32>} : memref<2048x16xi32, #tpu.memory_space<vmem>>, vector<2048x1xi32>,
    %swap3A_172 = arith.constant 0 : index
    %swap3A_173 = arith.constant 6 : index
    %swap3A_174 = vector.load %arg4[%swap3A_172, %swap3A_173] : memref<2048x16xf32, #tpu.memory_space<vmem>>, vector<2048x1xf32>
    tpu.vector_store %arg4[%swap3A_172, %swap3A_173], %broadcast_in_dim3A_159 {strides = array<i32>} : memref<2048x16xf32, #tpu.memory_space<vmem>>, vector<2048x1xf32>,
    %eq3A_175 = vector.broadcast %broadcast_in_dim3A_159 : vector<2048x1xf32> to vector<2048x128xf32>
    %eq3A_176 = arith.cmpf oeq, %select_n3A_156, %eq3A_175 : vector<2048x128xf32>
    %eq3A_177 = vector.broadcast %broadcast_in_dim3A_167 : vector<2048x1xf32> to vector<2048x128xf32>
    %eq3A_178 = arith.cmpf oeq, %convert_element_type3A, %eq3A_177 : vector<2048x128xf32>
    %and3A_179 = arith.andi %eq3A_176, %eq3A_178 : vector<2048x128xi1>
    %jit3A_180 = arith.constant 0x7F800000 : f32
    %broadcast_in_dim3A_181 = vector.broadcast %jit3A_180 : f32 to vector<2048x128xf32>
    %select_n3A_182 = arith.select %and3A_179, %broadcast_in_dim3A_181, %select_n3A_156 : vector<2048x128xi1>, vector<2048x128xf32>
    %reduce_min3A_183 = arith.constant dense<0x7F800000> : vector<2048xf32>
    %reduce_min3A_184 = vector.multi_reduction <minimumf>, %select_n3A_182, %reduce_min3A_183 [1] : vector<2048x128xf32> to vector<2048xf32>
    %broadcast_in_dim3A_185 = vector.shape_cast %reduce_min3A_184 : vector<2048xf32> to vector<2048x1xf32>
    %eq3A_186 = vector.broadcast %broadcast_in_dim3A_185 : vector<2048x1xf32> to vector<2048x128xf32>
    %eq3A_187 = arith.cmpf oeq, %select_n3A_182, %eq3A_186 : vector<2048x128xf32>
    %jit3A_188 = arith.constant 4.096000e+03 : f32
    %broadcast_in_dim3A_189 = vector.broadcast %jit3A_188 : f32 to vector<2048x128xf32>
    %select_n3A_190 = arith.select %eq3A_187, %convert_element_type3A, %broadcast_in_dim3A_189 : vector<2048x128xi1>, vector<2048x128xf32>
    %reduce_min3A_191 = arith.constant dense<0x7F800000> : vector<2048xf32>
    %reduce_min3A_192 = vector.multi_reduction <minimumf>, %select_n3A_190, %reduce_min3A_191 [1] : vector<2048x128xf32> to vector<2048xf32>
    %broadcast_in_dim3A_193 = vector.shape_cast %reduce_min3A_192 : vector<2048xf32> to vector<2048x1xf32>
    %convert_element_type3A_194 = arith.fptosi %broadcast_in_dim3A_193 : vector<2048x1xf32> to vector<2048x1xi32>
    %swap3A_195 = arith.constant 0 : index
    %swap3A_196 = arith.constant 7 : index
    %swap3A_197 = vector.load %arg3[%swap3A_195, %swap3A_196] : memref<2048x16xi32, #tpu.memory_space<vmem>>, vector<2048x1xi32>
    tpu.vector_store %arg3[%swap3A_195, %swap3A_196], %convert_element_type3A_194 {strides = array<i32>} : memref<2048x16xi32, #tpu.memory_space<vmem>>, vector<2048x1xi32>,
    %swap3A_198 = arith.constant 0 : index
    %swap3A_199 = arith.constant 7 : index
    %swap3A_200 = vector.load %arg4[%swap3A_198, %swap3A_199] : memref<2048x16xf32, #tpu.memory_space<vmem>>, vector<2048x1xf32>
    tpu.vector_store %arg4[%swap3A_198, %swap3A_199], %broadcast_in_dim3A_185 {strides = array<i32>} : memref<2048x16xf32, #tpu.memory_space<vmem>>, vector<2048x1xf32>,
    %eq3A_201 = vector.broadcast %broadcast_in_dim3A_185 : vector<2048x1xf32> to vector<2048x128xf32>
    %eq3A_202 = arith.cmpf oeq, %select_n3A_182, %eq3A_201 : vector<2048x128xf32>
    %eq3A_203 = vector.broadcast %broadcast_in_dim3A_193 : vector<2048x1xf32> to vector<2048x128xf32>
    %eq3A_204 = arith.cmpf oeq, %convert_element_type3A, %eq3A_203 : vector<2048x128xf32>
    %and3A_205 = arith.andi %eq3A_202, %eq3A_204 : vector<2048x128xi1>
    %jit3A_206 = arith.constant 0x7F800000 : f32
    %broadcast_in_dim3A_207 = vector.broadcast %jit3A_206 : f32 to vector<2048x128xf32>
    %select_n3A_208 = arith.select %and3A_205, %broadcast_in_dim3A_207, %select_n3A_182 : vector<2048x128xi1>, vector<2048x128xf32>
    %reduce_min3A_209 = arith.constant dense<0x7F800000> : vector<2048xf32>
    %reduce_min3A_210 = vector.multi_reduction <minimumf>, %select_n3A_208, %reduce_min3A_209 [1] : vector<2048x128xf32> to vector<2048xf32>
    %broadcast_in_dim3A_211 = vector.shape_cast %reduce_min3A_210 : vector<2048xf32> to vector<2048x1xf32>
    %eq3A_212 = vector.broadcast %broadcast_in_dim3A_211 : vector<2048x1xf32> to vector<2048x128xf32>
    %eq3A_213 = arith.cmpf oeq, %select_n3A_208, %eq3A_212 : vector<2048x128xf32>
    %jit3A_214 = arith.constant 4.096000e+03 : f32
    %broadcast_in_dim3A_215 = vector.broadcast %jit3A_214 : f32 to vector<2048x128xf32>
    %select_n3A_216 = arith.select %eq3A_213, %convert_element_type3A, %broadcast_in_dim3A_215 : vector<2048x128xi1>, vector<2048x128xf32>
    %reduce_min3A_217 = arith.constant dense<0x7F800000> : vector<2048xf32>
    %reduce_min3A_218 = vector.multi_reduction <minimumf>, %select_n3A_216, %reduce_min3A_217 [1] : vector<2048x128xf32> to vector<2048xf32>
    %broadcast_in_dim3A_219 = vector.shape_cast %reduce_min3A_218 : vector<2048xf32> to vector<2048x1xf32>
    %convert_element_type3A_220 = arith.fptosi %broadcast_in_dim3A_219 : vector<2048x1xf32> to vector<2048x1xi32>
    %swap3A_221 = arith.constant 0 : index
    %swap3A_222 = arith.constant 8 : index
    %swap3A_223 = vector.load %arg3[%swap3A_221, %swap3A_222] : memref<2048x16xi32, #tpu.memory_space<vmem>>, vector<2048x1xi32>
    tpu.vector_store %arg3[%swap3A_221, %swap3A_222], %convert_element_type3A_220 {strides = array<i32>} : memref<2048x16xi32, #tpu.memory_space<vmem>>, vector<2048x1xi32>,
    %swap3A_224 = arith.constant 0 : index
    %swap3A_225 = arith.constant 8 : index
    %swap3A_226 = vector.load %arg4[%swap3A_224, %swap3A_225] : memref<2048x16xf32, #tpu.memory_space<vmem>>, vector<2048x1xf32>
    tpu.vector_store %arg4[%swap3A_224, %swap3A_225], %broadcast_in_dim3A_211 {strides = array<i32>} : memref<2048x16xf32, #tpu.memory_space<vmem>>, vector<2048x1xf32>,
    %eq3A_227 = vector.broadcast %broadcast_in_dim3A_211 : vector<2048x1xf32> to vector<2048x128xf32>
    %eq3A_228 = arith.cmpf oeq, %select_n3A_208, %eq3A_227 : vector<2048x128xf32>
    %eq3A_229 = vector.broadcast %broadcast_in_dim3A_219 : vector<2048x1xf32> to vector<2048x128xf32>
    %eq3A_230 = arith.cmpf oeq, %convert_element_type3A, %eq3A_229 : vector<2048x128xf32>
    %and3A_231 = arith.andi %eq3A_228, %eq3A_230 : vector<2048x128xi1>
    %jit3A_232 = arith.constant 0x7F800000 : f32
    %broadcast_in_dim3A_233 = vector.broadcast %jit3A_232 : f32 to vector<2048x128xf32>
    %select_n3A_234 = arith.select %and3A_231, %broadcast_in_dim3A_233, %select_n3A_208 : vector<2048x128xi1>, vector<2048x128xf32>
    %reduce_min3A_235 = arith.constant dense<0x7F800000> : vector<2048xf32>
    %reduce_min3A_236 = vector.multi_reduction <minimumf>, %select_n3A_234, %reduce_min3A_235 [1] : vector<2048x128xf32> to vector<2048xf32>
    %broadcast_in_dim3A_237 = vector.shape_cast %reduce_min3A_236 : vector<2048xf32> to vector<2048x1xf32>
    %eq3A_238 = vector.broadcast %broadcast_in_dim3A_237 : vector<2048x1xf32> to vector<2048x128xf32>
    %eq3A_239 = arith.cmpf oeq, %select_n3A_234, %eq3A_238 : vector<2048x128xf32>
    %jit3A_240 = arith.constant 4.096000e+03 : f32
    %broadcast_in_dim3A_241 = vector.broadcast %jit3A_240 : f32 to vector<2048x128xf32>
    %select_n3A_242 = arith.select %eq3A_239, %convert_element_type3A, %broadcast_in_dim3A_241 : vector<2048x128xi1>, vector<2048x128xf32>
    %reduce_min3A_243 = arith.constant dense<0x7F800000> : vector<2048xf32>
    %reduce_min3A_244 = vector.multi_reduction <minimumf>, %select_n3A_242, %reduce_min3A_243 [1] : vector<2048x128xf32> to vector<2048xf32>
    %broadcast_in_dim3A_245 = vector.shape_cast %reduce_min3A_244 : vector<2048xf32> to vector<2048x1xf32>
    %convert_element_type3A_246 = arith.fptosi %broadcast_in_dim3A_245 : vector<2048x1xf32> to vector<2048x1xi32>
    %swap3A_247 = arith.constant 0 : index
    %swap3A_248 = arith.constant 9 : index
    %swap3A_249 = vector.load %arg3[%swap3A_247, %swap3A_248] : memref<2048x16xi32, #tpu.memory_space<vmem>>, vector<2048x1xi32>
    tpu.vector_store %arg3[%swap3A_247, %swap3A_248], %convert_element_type3A_246 {strides = array<i32>} : memref<2048x16xi32, #tpu.memory_space<vmem>>, vector<2048x1xi32>,
    %swap3A_250 = arith.constant 0 : index
    %swap3A_251 = arith.constant 9 : index
    %swap3A_252 = vector.load %arg4[%swap3A_250, %swap3A_251] : memref<2048x16xf32, #tpu.memory_space<vmem>>, vector<2048x1xf32>
    tpu.vector_store %arg4[%swap3A_250, %swap3A_251], %broadcast_in_dim3A_237 {strides = array<i32>} : memref<2048x16xf32, #tpu.memory_space<vmem>>, vector<2048x1xf32>,
    %eq3A_253 = vector.broadcast %broadcast_in_dim3A_237 : vector<2048x1xf32> to vector<2048x128xf32>
    %eq3A_254 = arith.cmpf oeq, %select_n3A_234, %eq3A_253 : vector<2048x128xf32>
    %eq3A_255 = vector.broadcast %broadcast_in_dim3A_245 : vector<2048x1xf32> to vector<2048x128xf32>
    %eq3A_256 = arith.cmpf oeq, %convert_element_type3A, %eq3A_255 : vector<2048x128xf32>
    %and3A_257 = arith.andi %eq3A_254, %eq3A_256 : vector<2048x128xi1>
    %jit3A_258 = arith.constant 0x7F800000 : f32
    %broadcast_in_dim3A_259 = vector.broadcast %jit3A_258 : f32 to vector<2048x128xf32>
    %select_n3A_260 = arith.select %and3A_257, %broadcast_in_dim3A_259, %select_n3A_234 : vector<2048x128xi1>, vector<2048x128xf32>
    %reduce_min3A_261 = arith.constant dense<0x7F800000> : vector<2048xf32>
    %reduce_min3A_262 = vector.multi_reduction <minimumf>, %select_n3A_260, %reduce_min3A_261 [1] : vector<2048x128xf32> to vector<2048xf32>
    %broadcast_in_dim3A_263 = vector.shape_cast %reduce_min3A_262 : vector<2048xf32> to vector<2048x1xf32>
    %eq3A_264 = vector.broadcast %broadcast_in_dim3A_263 : vector<2048x1xf32> to vector<2048x128xf32>
    %eq3A_265 = arith.cmpf oeq, %select_n3A_260, %eq3A_264 : vector<2048x128xf32>
    %jit3A_266 = arith.constant 4.096000e+03 : f32
    %broadcast_in_dim3A_267 = vector.broadcast %jit3A_266 : f32 to vector<2048x128xf32>
    %select_n3A_268 = arith.select %eq3A_265, %convert_element_type3A, %broadcast_in_dim3A_267 : vector<2048x128xi1>, vector<2048x128xf32>
    %reduce_min3A_269 = arith.constant dense<0x7F800000> : vector<2048xf32>
    %reduce_min3A_270 = vector.multi_reduction <minimumf>, %select_n3A_268, %reduce_min3A_269 [1] : vector<2048x128xf32> to vector<2048xf32>
    %broadcast_in_dim3A_271 = vector.shape_cast %reduce_min3A_270 : vector<2048xf32> to vector<2048x1xf32>
    %convert_element_type3A_272 = arith.fptosi %broadcast_in_dim3A_271 : vector<2048x1xf32> to vector<2048x1xi32>
    %swap3A_273 = arith.constant 0 : index
    %swap3A_274 = arith.constant 10 : index
    %swap3A_275 = vector.load %arg3[%swap3A_273, %swap3A_274] : memref<2048x16xi32, #tpu.memory_space<vmem>>, vector<2048x1xi32>
    tpu.vector_store %arg3[%swap3A_273, %swap3A_274], %convert_element_type3A_272 {strides = array<i32>} : memref<2048x16xi32, #tpu.memory_space<vmem>>, vector<2048x1xi32>,
    %swap3A_276 = arith.constant 0 : index
    %swap3A_277 = arith.constant 10 : index
    %swap3A_278 = vector.load %arg4[%swap3A_276, %swap3A_277] : memref<2048x16xf32, #tpu.memory_space<vmem>>, vector<2048x1xf32>
    tpu.vector_store %arg4[%swap3A_276, %swap3A_277], %broadcast_in_dim3A_263 {strides = array<i32>} : memref<2048x16xf32, #tpu.memory_space<vmem>>, vector<2048x1xf32>,
    %eq3A_279 = vector.broadcast %broadcast_in_dim3A_263 : vector<2048x1xf32> to vector<2048x128xf32>
    %eq3A_280 = arith.cmpf oeq, %select_n3A_260, %eq3A_279 : vector<2048x128xf32>
    %eq3A_281 = vector.broadcast %broadcast_in_dim3A_271 : vector<2048x1xf32> to vector<2048x128xf32>
    %eq3A_282 = arith.cmpf oeq, %convert_element_type3A, %eq3A_281 : vector<2048x128xf32>
    %and3A_283 = arith.andi %eq3A_280, %eq3A_282 : vector<2048x128xi1>
    %jit3A_284 = arith.constant 0x7F800000 : f32
    %broadcast_in_dim3A_285 = vector.broadcast %jit3A_284 : f32 to vector<2048x128xf32>
    %select_n3A_286 = arith.select %and3A_283, %broadcast_in_dim3A_285, %select_n3A_260 : vector<2048x128xi1>, vector<2048x128xf32>
    %reduce_min3A_287 = arith.constant dense<0x7F800000> : vector<2048xf32>
    %reduce_min3A_288 = vector.multi_reduction <minimumf>, %select_n3A_286, %reduce_min3A_287 [1] : vector<2048x128xf32> to vector<2048xf32>
    %broadcast_in_dim3A_289 = vector.shape_cast %reduce_min3A_288 : vector<2048xf32> to vector<2048x1xf32>
    %eq3A_290 = vector.broadcast %broadcast_in_dim3A_289 : vector<2048x1xf32> to vector<2048x128xf32>
    %eq3A_291 = arith.cmpf oeq, %select_n3A_286, %eq3A_290 : vector<2048x128xf32>
    %jit3A_292 = arith.constant 4.096000e+03 : f32
    %broadcast_in_dim3A_293 = vector.broadcast %jit3A_292 : f32 to vector<2048x128xf32>
    %select_n3A_294 = arith.select %eq3A_291, %convert_element_type3A, %broadcast_in_dim3A_293 : vector<2048x128xi1>, vector<2048x128xf32>
    %reduce_min3A_295 = arith.constant dense<0x7F800000> : vector<2048xf32>
    %reduce_min3A_296 = vector.multi_reduction <minimumf>, %select_n3A_294, %reduce_min3A_295 [1] : vector<2048x128xf32> to vector<2048xf32>
    %broadcast_in_dim3A_297 = vector.shape_cast %reduce_min3A_296 : vector<2048xf32> to vector<2048x1xf32>
    %convert_element_type3A_298 = arith.fptosi %broadcast_in_dim3A_297 : vector<2048x1xf32> to vector<2048x1xi32>
    %swap3A_299 = arith.constant 0 : index
    %swap3A_300 = arith.constant 11 : index
    %swap3A_301 = vector.load %arg3[%swap3A_299, %swap3A_300] : memref<2048x16xi32, #tpu.memory_space<vmem>>, vector<2048x1xi32>
    tpu.vector_store %arg3[%swap3A_299, %swap3A_300], %convert_element_type3A_298 {strides = array<i32>} : memref<2048x16xi32, #tpu.memory_space<vmem>>, vector<2048x1xi32>,
    %swap3A_302 = arith.constant 0 : index
    %swap3A_303 = arith.constant 11 : index
    %swap3A_304 = vector.load %arg4[%swap3A_302, %swap3A_303] : memref<2048x16xf32, #tpu.memory_space<vmem>>, vector<2048x1xf32>
    tpu.vector_store %arg4[%swap3A_302, %swap3A_303], %broadcast_in_dim3A_289 {strides = array<i32>} : memref<2048x16xf32, #tpu.memory_space<vmem>>, vector<2048x1xf32>,
    %eq3A_305 = vector.broadcast %broadcast_in_dim3A_289 : vector<2048x1xf32> to vector<2048x128xf32>
    %eq3A_306 = arith.cmpf oeq, %select_n3A_286, %eq3A_305 : vector<2048x128xf32>
    %eq3A_307 = vector.broadcast %broadcast_in_dim3A_297 : vector<2048x1xf32> to vector<2048x128xf32>
    %eq3A_308 = arith.cmpf oeq, %convert_element_type3A, %eq3A_307 : vector<2048x128xf32>
    %and3A_309 = arith.andi %eq3A_306, %eq3A_308 : vector<2048x128xi1>
    %jit3A_310 = arith.constant 0x7F800000 : f32
    %broadcast_in_dim3A_311 = vector.broadcast %jit3A_310 : f32 to vector<2048x128xf32>
    %select_n3A_312 = arith.select %and3A_309, %broadcast_in_dim3A_311, %select_n3A_286 : vector<2048x128xi1>, vector<2048x128xf32>
    %reduce_min3A_313 = arith.constant dense<0x7F800000> : vector<2048xf32>
    %reduce_min3A_314 = vector.multi_reduction <minimumf>, %select_n3A_312, %reduce_min3A_313 [1] : vector<2048x128xf32> to vector<2048xf32>
    %broadcast_in_dim3A_315 = vector.shape_cast %reduce_min3A_314 : vector<2048xf32> to vector<2048x1xf32>
    %eq3A_316 = vector.broadcast %broadcast_in_dim3A_315 : vector<2048x1xf32> to vector<2048x128xf32>
    %eq3A_317 = arith.cmpf oeq, %select_n3A_312, %eq3A_316 : vector<2048x128xf32>
    %jit3A_318 = arith.constant 4.096000e+03 : f32
    %broadcast_in_dim3A_319 = vector.broadcast %jit3A_318 : f32 to vector<2048x128xf32>
    %select_n3A_320 = arith.select %eq3A_317, %convert_element_type3A, %broadcast_in_dim3A_319 : vector<2048x128xi1>, vector<2048x128xf32>
    %reduce_min3A_321 = arith.constant dense<0x7F800000> : vector<2048xf32>
    %reduce_min3A_322 = vector.multi_reduction <minimumf>, %select_n3A_320, %reduce_min3A_321 [1] : vector<2048x128xf32> to vector<2048xf32>
    %broadcast_in_dim3A_323 = vector.shape_cast %reduce_min3A_322 : vector<2048xf32> to vector<2048x1xf32>
    %convert_element_type3A_324 = arith.fptosi %broadcast_in_dim3A_323 : vector<2048x1xf32> to vector<2048x1xi32>
    %swap3A_325 = arith.constant 0 : index
    %swap3A_326 = arith.constant 12 : index
    %swap3A_327 = vector.load %arg3[%swap3A_325, %swap3A_326] : memref<2048x16xi32, #tpu.memory_space<vmem>>, vector<2048x1xi32>
    tpu.vector_store %arg3[%swap3A_325, %swap3A_326], %convert_element_type3A_324 {strides = array<i32>} : memref<2048x16xi32, #tpu.memory_space<vmem>>, vector<2048x1xi32>,
    %swap3A_328 = arith.constant 0 : index
    %swap3A_329 = arith.constant 12 : index
    %swap3A_330 = vector.load %arg4[%swap3A_328, %swap3A_329] : memref<2048x16xf32, #tpu.memory_space<vmem>>, vector<2048x1xf32>
    tpu.vector_store %arg4[%swap3A_328, %swap3A_329], %broadcast_in_dim3A_315 {strides = array<i32>} : memref<2048x16xf32, #tpu.memory_space<vmem>>, vector<2048x1xf32>,
    %eq3A_331 = vector.broadcast %broadcast_in_dim3A_315 : vector<2048x1xf32> to vector<2048x128xf32>
    %eq3A_332 = arith.cmpf oeq, %select_n3A_312, %eq3A_331 : vector<2048x128xf32>
    %eq3A_333 = vector.broadcast %broadcast_in_dim3A_323 : vector<2048x1xf32> to vector<2048x128xf32>
    %eq3A_334 = arith.cmpf oeq, %convert_element_type3A, %eq3A_333 : vector<2048x128xf32>
    %and3A_335 = arith.andi %eq3A_332, %eq3A_334 : vector<2048x128xi1>
    %jit3A_336 = arith.constant 0x7F800000 : f32
    %broadcast_in_dim3A_337 = vector.broadcast %jit3A_336 : f32 to vector<2048x128xf32>
    %select_n3A_338 = arith.select %and3A_335, %broadcast_in_dim3A_337, %select_n3A_312 : vector<2048x128xi1>, vector<2048x128xf32>
    %reduce_min3A_339 = arith.constant dense<0x7F800000> : vector<2048xf32>
    %reduce_min3A_340 = vector.multi_reduction <minimumf>, %select_n3A_338, %reduce_min3A_339 [1] : vector<2048x128xf32> to vector<2048xf32>
    %broadcast_in_dim3A_341 = vector.shape_cast %reduce_min3A_340 : vector<2048xf32> to vector<2048x1xf32>
    %eq3A_342 = vector.broadcast %broadcast_in_dim3A_341 : vector<2048x1xf32> to vector<2048x128xf32>
    %eq3A_343 = arith.cmpf oeq, %select_n3A_338, %eq3A_342 : vector<2048x128xf32>
    %jit3A_344 = arith.constant 4.096000e+03 : f32
    %broadcast_in_dim3A_345 = vector.broadcast %jit3A_344 : f32 to vector<2048x128xf32>
    %select_n3A_346 = arith.select %eq3A_343, %convert_element_type3A, %broadcast_in_dim3A_345 : vector<2048x128xi1>, vector<2048x128xf32>
    %reduce_min3A_347 = arith.constant dense<0x7F800000> : vector<2048xf32>
    %reduce_min3A_348 = vector.multi_reduction <minimumf>, %select_n3A_346, %reduce_min3A_347 [1] : vector<2048x128xf32> to vector<2048xf32>
    %broadcast_in_dim3A_349 = vector.shape_cast %reduce_min3A_348 : vector<2048xf32> to vector<2048x1xf32>
    %convert_element_type3A_350 = arith.fptosi %broadcast_in_dim3A_349 : vector<2048x1xf32> to vector<2048x1xi32>
    %swap3A_351 = arith.constant 0 : index
    %swap3A_352 = arith.constant 13 : index
    %swap3A_353 = vector.load %arg3[%swap3A_351, %swap3A_352] : memref<2048x16xi32, #tpu.memory_space<vmem>>, vector<2048x1xi32>
    tpu.vector_store %arg3[%swap3A_351, %swap3A_352], %convert_element_type3A_350 {strides = array<i32>} : memref<2048x16xi32, #tpu.memory_space<vmem>>, vector<2048x1xi32>,
    %swap3A_354 = arith.constant 0 : index
    %swap3A_355 = arith.constant 13 : index
    %swap3A_356 = vector.load %arg4[%swap3A_354, %swap3A_355] : memref<2048x16xf32, #tpu.memory_space<vmem>>, vector<2048x1xf32>
    tpu.vector_store %arg4[%swap3A_354, %swap3A_355], %broadcast_in_dim3A_341 {strides = array<i32>} : memref<2048x16xf32, #tpu.memory_space<vmem>>, vector<2048x1xf32>,
    %eq3A_357 = vector.broadcast %broadcast_in_dim3A_341 : vector<2048x1xf32> to vector<2048x128xf32>
    %eq3A_358 = arith.cmpf oeq, %select_n3A_338, %eq3A_357 : vector<2048x128xf32>
    %eq3A_359 = vector.broadcast %broadcast_in_dim3A_349 : vector<2048x1xf32> to vector<2048x128xf32>
    %eq3A_360 = arith.cmpf oeq, %convert_element_type3A, %eq3A_359 : vector<2048x128xf32>
    %and3A_361 = arith.andi %eq3A_358, %eq3A_360 : vector<2048x128xi1>
    %jit3A_362 = arith.constant 0x7F800000 : f32
    %broadcast_in_dim3A_363 = vector.broadcast %jit3A_362 : f32 to vector<2048x128xf32>
    %select_n3A_364 = arith.select %and3A_361, %broadcast_in_dim3A_363, %select_n3A_338 : vector<2048x128xi1>, vector<2048x128xf32>
    %reduce_min3A_365 = arith.constant dense<0x7F800000> : vector<2048xf32>
    %reduce_min3A_366 = vector.multi_reduction <minimumf>, %select_n3A_364, %reduce_min3A_365 [1] : vector<2048x128xf32> to vector<2048xf32>
    %broadcast_in_dim3A_367 = vector.shape_cast %reduce_min3A_366 : vector<2048xf32> to vector<2048x1xf32>
    %eq3A_368 = vector.broadcast %broadcast_in_dim3A_367 : vector<2048x1xf32> to vector<2048x128xf32>
    %eq3A_369 = arith.cmpf oeq, %select_n3A_364, %eq3A_368 : vector<2048x128xf32>
    %jit3A_370 = arith.constant 4.096000e+03 : f32
    %broadcast_in_dim3A_371 = vector.broadcast %jit3A_370 : f32 to vector<2048x128xf32>
    %select_n3A_372 = arith.select %eq3A_369, %convert_element_type3A, %broadcast_in_dim3A_371 : vector<2048x128xi1>, vector<2048x128xf32>
    %reduce_min3A_373 = arith.constant dense<0x7F800000> : vector<2048xf32>
    %reduce_min3A_374 = vector.multi_reduction <minimumf>, %select_n3A_372, %reduce_min3A_373 [1] : vector<2048x128xf32> to vector<2048xf32>
    %broadcast_in_dim3A_375 = vector.shape_cast %reduce_min3A_374 : vector<2048xf32> to vector<2048x1xf32>
    %convert_element_type3A_376 = arith.fptosi %broadcast_in_dim3A_375 : vector<2048x1xf32> to vector<2048x1xi32>
    %swap3A_377 = arith.constant 0 : index
    %swap3A_378 = arith.constant 14 : index
    %swap3A_379 = vector.load %arg3[%swap3A_377, %swap3A_378] : memref<2048x16xi32, #tpu.memory_space<vmem>>, vector<2048x1xi32>
    tpu.vector_store %arg3[%swap3A_377, %swap3A_378], %convert_element_type3A_376 {strides = array<i32>} : memref<2048x16xi32, #tpu.memory_space<vmem>>, vector<2048x1xi32>,
    %swap3A_380 = arith.constant 0 : index
    %swap3A_381 = arith.constant 14 : index
    %swap3A_382 = vector.load %arg4[%swap3A_380, %swap3A_381] : memref<2048x16xf32, #tpu.memory_space<vmem>>, vector<2048x1xf32>
    tpu.vector_store %arg4[%swap3A_380, %swap3A_381], %broadcast_in_dim3A_367 {strides = array<i32>} : memref<2048x16xf32, #tpu.memory_space<vmem>>, vector<2048x1xf32>,
    %eq3A_383 = vector.broadcast %broadcast_in_dim3A_367 : vector<2048x1xf32> to vector<2048x128xf32>
    %eq3A_384 = arith.cmpf oeq, %select_n3A_364, %eq3A_383 : vector<2048x128xf32>
    %eq3A_385 = vector.broadcast %broadcast_in_dim3A_375 : vector<2048x1xf32> to vector<2048x128xf32>
    %eq3A_386 = arith.cmpf oeq, %convert_element_type3A, %eq3A_385 : vector<2048x128xf32>
    %and3A_387 = arith.andi %eq3A_384, %eq3A_386 : vector<2048x128xi1>
    %jit3A_388 = arith.constant 0x7F800000 : f32
    %broadcast_in_dim3A_389 = vector.broadcast %jit3A_388 : f32 to vector<2048x128xf32>
    %select_n3A_390 = arith.select %and3A_387, %broadcast_in_dim3A_389, %select_n3A_364 : vector<2048x128xi1>, vector<2048x128xf32>
    %reduce_min3A_391 = arith.constant dense<0x7F800000> : vector<2048xf32>
    %reduce_min3A_392 = vector.multi_reduction <minimumf>, %select_n3A_390, %reduce_min3A_391 [1] : vector<2048x128xf32> to vector<2048xf32>
    %broadcast_in_dim3A_393 = vector.shape_cast %reduce_min3A_392 : vector<2048xf32> to vector<2048x1xf32>
    %eq3A_394 = vector.broadcast %broadcast_in_dim3A_393 : vector<2048x1xf32> to vector<2048x128xf32>
    %eq3A_395 = arith.cmpf oeq, %select_n3A_390, %eq3A_394 : vector<2048x128xf32>
    %jit3A_396 = arith.constant 4.096000e+03 : f32
    %broadcast_in_dim3A_397 = vector.broadcast %jit3A_396 : f32 to vector<2048x128xf32>
    %select_n3A_398 = arith.select %eq3A_395, %convert_element_type3A, %broadcast_in_dim3A_397 : vector<2048x128xi1>, vector<2048x128xf32>
    %reduce_min3A_399 = arith.constant dense<0x7F800000> : vector<2048xf32>
    %reduce_min3A_400 = vector.multi_reduction <minimumf>, %select_n3A_398, %reduce_min3A_399 [1] : vector<2048x128xf32> to vector<2048xf32>
    %broadcast_in_dim3A_401 = vector.shape_cast %reduce_min3A_400 : vector<2048xf32> to vector<2048x1xf32>
    %convert_element_type3A_402 = arith.fptosi %broadcast_in_dim3A_401 : vector<2048x1xf32> to vector<2048x1xi32>
    %swap3A_403 = arith.constant 0 : index
    %swap3A_404 = arith.constant 15 : index
    %swap3A_405 = vector.load %arg3[%swap3A_403, %swap3A_404] : memref<2048x16xi32, #tpu.memory_space<vmem>>, vector<2048x1xi32>
    tpu.vector_store %arg3[%swap3A_403, %swap3A_404], %convert_element_type3A_402 {strides = array<i32>} : memref<2048x16xi32, #tpu.memory_space<vmem>>, vector<2048x1xi32>,
    %swap3A_406 = arith.constant 0 : index
    %swap3A_407 = arith.constant 15 : index
    %swap3A_408 = vector.load %arg4[%swap3A_406, %swap3A_407] : memref<2048x16xf32, #tpu.memory_space<vmem>>, vector<2048x1xf32>
    tpu.vector_store %arg4[%swap3A_406, %swap3A_407], %broadcast_in_dim3A_393 {strides = array<i32>} : memref<2048x16xf32, #tpu.memory_space<vmem>>, vector<2048x1xf32>,
    return
  }
  func.func @transform_0(%arg0: i32) -> (i32, i32) {
    %c0_i32 = arith.constant 0 : i32
    %c0_i32_0 = arith.constant 0 : i32
    return %arg0, %c0_i32 : i32, i32
  }
  func.func @transform_1(%arg0: i32) -> (i32, i32) {
    %c0_i32 = arith.constant 0 : i32
    %c0_i32_0 = arith.constant 0 : i32
    return %arg0, %c0_i32 : i32, i32
  }
  func.func @transform_2(%arg0: i32) -> (i32, i32) {
    %c0_i32 = arith.constant 0 : i32
    %c0_i32_0 = arith.constant 0 : i32
    return %arg0, %c0_i32 : i32, i32
  }
  func.func @transform_3(%arg0: i32) -> (i32, i32) {
    %c0_i32 = arith.constant 0 : i32
    %c0_i32_0 = arith.constant 0 : i32
    return %arg0, %c0_i32 : i32, i32
  }
}

</mosaic_0001>

<sc_bundles>
// kernel: kernel.10.cloned.1.call-start
scs
__scs_entry_jumppad:
0x0: {  	(pc) =	sbr.rel $0x88, $3  }
0x1: {  	(tag) =	ssettag $0x0;
	lr =	simm.s32 $0x1  }
0x2: {  	[smem:$0x3F9F] =	sst lr;
	_ =	strace $0xD0000000  }
0x3: {  	_ = 	snop  }
0x4: {  	_ = 	snop  }
0x5: {  	_ = 	snop  }
0x6: {  	_ = 	snop  }
0x7: {  	_ = 	snop  }
__scs_overlays_trampoline_lowered:
0x8: {  	[smem:$0x3FAE] =	sst s0  }
0x9: {  	[smem:$0x3FAF] =	sst s1  }
0xa: {  	[smem:$0x3FB0] =	sst s2  }
0xb: {  	[smem:$0x3FB1] =	sst s3  }
0xc: {  	[smem:$0x3FB2] =	sst s4  }
0xd: {  	[smem:$0x3FB3] =	sst s5  }
0xe: {  	[smem:$0x3FB4] =	sst s6  }
0xf: {  	[smem:$0x3FB5] =	sst s7  }
0x10: {  	[smem:$0x3FB6] =	sst s8  }
0x11: {  	[smem:$0x3FB7] =	sst s9;
	s0 =	simm.s32 @!p0 $0x0  }
0x12: {  	s1 =	sld [smem:$0x3F9D];
	s0 =	simm.s32 @p0 $0x1  }
0x13: {  	[smem:$0x3FB8] =	sst s0;
	s0 =	simm.s32 @!p1 $0x0  }
0x14: {  	s2 =	sld [smem:$0x3F9C];
	s0 =	simm.s32 @p1 $0x1  }
0x15: {  	[smem:$0x3FB9] =	sst s0;
	s0 =	simm.s32 @!p2 $0x0  }
0x16: {  	s3 =	sld [smem:$0x3FDB];
	s0 =	simm.s32 @p2 $0x1  }
0x17: {  	s4 =	simm.s32 $0x1BF5;
	[smem:$0x3FBB] =	sst s0  }
0x18: {  	s0 =	sld [smem:$0x3F9E];
	_ =	swait.ge [sflag:s4], $0x0  }
0x19: {  	s7 =	sld [smem:$0x3F9F]  }
0x1a: {  	s8 =	sadd.s32 $0xFFFFE003, lr  }
0x1b: {  	s9 =	sadd.s32 $0xFFFFFEF7, lr;
	s5 =	simm.s32 $0xFFFFFFFF;
	p2 =	slt.u32 s8, $0xFFFFF086  }
0x1c: {  	p1 =	slt.u32 s9, $0xF7A;
	s5 =	simm.s32 @!p2 $0x0  }
0x1d: {  	s5 =	simm.s32 @p1 $0x1;
	p0 =	seq.s32 s7, s2  }
0x1e: {  	s7 =	smul.u32 @!p0 $0xF7A, s2;
	p2 =	seq.s32 @!p0 s5, $0x0  }
0x1f: {  	s9 =	smul.u32 $0xF7A, s1;
	s8 =	simm.s32 @!p0 $0x1BF5;
	p2 =	por !p2, p0  }
0x20: {  	[sflag:s8] =	ssyncset.s32 @!p0 $0xFFFFF086;
	s6 =	sadd.s32 @!p0 s3, s7;
	s7 =	simm.s32 @!p0 $0x108  }
0x21: {  	s3 =	sadd.s32 s3, s9;
	s6 =	sadd.s32 @!p0 $0x88, s6;
	s7 =	simm.s32 @p2 $0x1082  }
0x22: {  	[simem:s7], [sflag:s8] =	dma.local @!p0 [hbm:s6], $0xF7A  }
0x23: {  	s9 =	sor.u32 $0xD0000000, s2;
	s6 =	simm.s32 $0x108;
	_ =	swait.ge @!p0 [sflag:s8], $0x0  }
0x24: {  	s3 =	sadd.s32 $0x88, s3;
	s6 =	simm.s32 @!p1 $0x1082;
	[sflag:s4] =	ssyncset.s32 $0xFFFFF086  }
0x25: {  	[simem:s6], [sflag:s4] =	dma.local [hbm:s3], $0xF7A  }
0x26: {  	[smem:$0x3F9F] =	sst s1;
	(tag) =	ssettag s2;
	_ =	strace s9  }
0x27: {  	s1 =	sld [smem:$0x3FAF]  }
0x28: {  	s2 =	sld [smem:$0x3FB0]  }
0x29: {  	s4 =	sld [smem:$0x3FB2]  }
0x2a: {  	p0 =	seq.s32 s5, $0x0;
	s5 =	sld [smem:$0x3FB3]  }
0x2b: {  	s6 =	sld [smem:$0x3FB4]  }
0x2c: {  	s7 =	sld [smem:$0x3FB5]  }
0x2d: {  	s3 =	simm.s32 $0x108;
	s8 =	sld [smem:$0x3FB6]  }
0x2e: {  	s3 =	simm.s32 @!p0 $0x1082;
	s9 =	sld [smem:$0x3FB7]  }
0x2f: {  	lr =	sadd.s32 s0, s3;
	s0 =	sld [smem:$0x3FAE]  }
0x30: {  	s3 =	sld [smem:$0x3FB1]  }
0x31: {  	[smem:$0x3FBA] =	sst s10  }
0x32: {  	s10 =	sld [smem:$0x3FB8];
	_ =	sdelay $0x3  }
0x33: {  	p0 =	seq.s32 s10, $0x1;
	s10 =	sld [smem:$0x3FBA];
	_ =	sdelay $0x3  }
0x34: {  	[smem:$0x3FBA] =	sst s10  }
0x35: {  	s10 =	sld [smem:$0x3FB9];
	_ =	sdelay $0x3  }
0x36: {  	p1 =	seq.s32 s10, $0x1;
	s10 =	sld [smem:$0x3FBA];
	_ =	sdelay $0x3  }
0x37: {  	[smem:$0x3FBA] =	sst s10  }
0x38: {  	s10 =	sld [smem:$0x3FBB]  }
0x39: {  	_ = 	snop;
	(pc) =	sbr.ind lr, $3  }
0x3a: {  	_ = 	snop  }
0x3b: {  	_ = 	snop  }
0x3c: {  	p2 =	seq.s32 s10, $0x1;
	s10 =	sld [smem:$0x3FBA]  }
0x3d: {  	_ =	shalt  }
0x3e: {  	_ =	shalt  }
0x3f: {  	_ =	shalt  }
0x40: {  	_ =	shalt  }
0x41: {  	_ =	shalt  }
0x42: {  	_ =	shalt  }
0x43: {  	_ =	shalt  }
0x44: {  	_ =	shalt  }
0x45: {  	_ =	shalt  }
0x46: {  	_ =	shalt  }
0x47: {  	_ =	shalt  }
0x48: {  	_ =	shalt  }
0x49: {  	_ =	shalt  }
0x4a: {  	_ =	shalt  }
0x4b: {  	_ =	shalt  }
0x4c: {  	_ =	shalt  }
0x4d: {  	_ =	shalt  }
0x4e: {  	_ =	shalt  }
0x4f: {  	_ =	shalt  }
0x50: {  	_ =	shalt  }
0x51: {  	_ =	shalt  }
0x52: {  	_ =	shalt  }
0x53: {  	_ =	shalt  }
0x54: {  	_ =	shalt  }
0x55: {  	_ =	shalt  }
0x56: {  	_ =	shalt  }
0x57: {  	_ =	shalt  }
0x58: {  	_ =	shalt  }
0x59: {  	_ =	shalt  }
0x5a: {  	_ =	shalt  }
0x5b: {  	_ =	shalt  }
0x5c: {  	_ =	shalt  }
0x5d: {  	_ =	shalt  }
0x5e: {  	_ =	shalt  }
0x5f: {  	_ =	shalt  }
0x60: {  	_ =	shalt  }
0x61: {  	_ =	shalt  }
0x62: {  	_ =	shalt  }
0x63: {  	_ =	shalt  }
0x64: {  	_ =	shalt  }
0x65: {  	_ =	shalt  }
0x66: {  	_ =	shalt  }
0x67: {  	_ =	shalt  }
0x68: {  	_ =	shalt  }
0x69: {  	_ =	shalt  }
0x6a: {  	_ =	shalt  }
0x6b: {  	_ =	shalt  }
0x6c: {  	_ =	shalt  }
0x6d: {  	_ =	shalt  }
0x6e: {  	_ =	shalt  }
0x6f: {  	_ =	shalt  }
0x70: {  	_ =	shalt  }
0x71: {  	_ =	shalt  }
0x72: {  	_ =	shalt  }
0x73: {  	_ =	shalt  }
0x74: {  	_ =	shalt  }
0x75: {  	_ =	shalt  }
0x76: {  	_ =	shalt  }
0x77: {  	_ =	shalt  }
0x78: {  	_ =	shalt  }
0x79: {  	_ =	shalt  }
0x7a: {  	_ =	shalt  }
0x7b: {  	_ =	shalt  }
0x7c: {  	_ =	shalt  }
0x7d: {  	_ =	shalt  }
0x7e: {  	_ =	shalt  }
0x7f: {  	_ =	shalt  }
0x80: {  	_ =	shalt  }
0x81: {  	_ =	shalt  }
0x82: {  	_ =	shalt  }
0x83: {  	_ =	shalt  }
0x84: {  	_ =	shalt  }
0x85: {  	_ =	shalt  }
0x86: {  	_ =	shalt  }
0x87: {  	_ =	shalt  }
.Lfunc_end0:
.L_simem_size_0:
called_computation.1_lowered:
.L_overlay_start_0:
0x88: {  	s2 =	sld [smem:$0x3FD9]  }
0x89: {  	s3 =	sld [smem:$0x3FFE];
	_ =	sdelay $0x1  }
0x8a: {  	s1 =	srdreg.scid  }
0x8b: {  	s0 =	sand.u32 $0x1, s1  }
0x8c: {  	s16 =	sshll.u32 s0, $0xA;
	s2 =	sadd.s32 s3, s2  }
0x8d: {  	s2 =	sadd.s32 s2, s16  }
0x8e: {  	[smem:$0x3FC6] =	sst s2  }
0x8f: {  	_ = 	snop  }
0x90: {  	(tm) =	ssettm $0x1  }
0x91: {  	s17 =	sld [smem:$0x3FFB];
	_ =	sdelay $0x3  }
0x92: {  	_ =	strace s17  }
0x93: {  	s2 =	sld [smem:$0x3FFC];
	_ =	sdelay $0x3  }
0x94: {  	_ =	strace s2  }
0x95: {  	s2 =	sld [smem:$0x3FFD];
	_ =	sdelay $0x3  }
0x96: {  	_ =	strace s2  }
0x97: {  	_ =	strace $0x8FFFFFFF  }
0x98: {  	s18 =	sld [smem:$0x3FDB];
	_ =	sdelay $0x1  }
0x99: {  	s19 =	simm.s32 $_scs_section_size  }
0x9a: {  	s4 =	simm.s32 $_size__tile_overlayer_lowered;
	s5 =	simm.s32 $_tile_overlayer_lowered  }
0x9b: {  	s22 =	simm.s32 $0x1BFF;
	s21 =	sshll.u32 s5, $0x1;
	s2 =	sadd.s32 s19, s18  }
0x9c: {  	s6 =	simm.s32 $0x0;
	s20 =	sshll.u32 s4, $0x1;
	s4 =	sadd.s32 s21, s2  }
0x9d: {  	[timem:s6], [sflag:s22] =	dma.local [hbm:s4], s20  }
0x9e: {  	_ =	swait.ge [sflag:s22], s20  }
0x9f: {  	s3 =	ssub.s32 $0x0, s20;
	[sflag:s22] =	ssyncset.done $0x0  }
0xa0: {  	[sflag:s22] =	ssyncadd.s32 s3;
	_ =	sdelay $0x1  }
0xa1: {  	s23 =	simm.s32 $0x1B8B  }
0xa2: {  	_ =	swait.ge [sflag:s23], $0x1  }
0xa3: {  	[sflag:s23] =	ssyncset.done $0x0  }
0xa4: {  	s25 =	simm.s32 $0x1B8E;
	s24 =	sld [smem:$0x3FFE];
	[sflag:s23] =	ssyncadd.s32 $0xFFFFFFFF  }
0xa5: {  	s26 =	simm.s32 $execute0_lowered;
	[smem:$0x3FD2] =	sst s25  }
0xa6: {  	s4 =	sshll.u32 s26, $0x1;
	_ =	strace $0x80000046;
	[dreg:$0x1] =	wrdreg $0xFFFFFFFF  }
0xa7: {  	s28 =	simm.s32 $_size_execute0_lowered;
	s2 =	sadd.s32 s2, s4;
	[dreg:$0x0] =	wrdreg $0x0  }
0xa8: {  	s4 =	sshll.u32 s28, $0x1;
	[dreg:$0x2] =	wrdreg s2  }
0xa9: {  	[dreg:$0x3] =	wrdreg s4  }
0xaa: {  	[dreg:$0x4] =	wrdreg $0xC0  }
0xab: {  	_ =	task [dreg:s6], $0x5FFFF  }
0xac: {  	[dreg:$0x1] =	wrdreg $0xFFFFFFFF  }
0xad: {  	[dreg:$0x0] =	wrdreg $0x60  }
0xae: {  	[dreg:$0x2] =	wrdreg s24  }
0xaf: {  	[dreg:$0x3] =	wrdreg $0xA  }
0xb0: {  	_ =	task.clear_ibuf [dreg:s6], $0x4FFFF;
	_ =	strace $0x90000046  }
0xb1: {  	s29 =	simm.s32 $0xA;
	_ =	strace $0x80000048  }
0xb2: {  	_ =	swait.ge [sflag:s29], $0x1  }
0xb3: {  	[sflag:s29] =	ssyncadd.s32 $0xFFFFFFFF  }
0xb4: {  	_ =	strace $0x90000048  }
0xb5: {  	_ =	sfence  }
0xb6: {  	s30 =	sld [smem:$0x0];
	_ =	sdelay $0x2  }
0xb7: {  	s31 =	sshll.u32 s1, $0xD;
	s1 =	sshrl.u32 s1, $0x2  }
0xb8: {  	s3 =	sand.u32 $0x4000, s31;
	s1 =	sadd.s32 s1, s30  }
0xb9: {  	s0 =	sor.u32 s3, s0;
	s1 =	sshll.u32 s1, $0x11  }
0xba: {  	s0 =	sor.u32 s1, s0  }
0xbb: {  	s0 =	sadd.s32 $0x8F2B, s0  }
0xbc: {  	[sflag:s0] =	ssyncadd.remote.s32 $0x1  }
0xbd: {  	_ =	sfence.sel $0xFFFF  }
0xbe: {  	[dreg:$0x0] =	wrdreg $0xFFFFFFFF;
	(pc) =	sbr.abs _section_cstart, $3  }
0xbf: {  	[dreg:$0x1] =	wrdreg $0xFFFFFFFF  }
0xc0: {  	_ =	task.clear_ibuf [dreg:s6], $0x2FFFF;
	_ =	strace $0x9FFFFFFF  }
0xc1: {  	(tm) =	ssettm $0x7FFFFFFF  }
tec
execute0_lowered:
.L_overlay_start_1:
0x0: {  	(tag) =	ssettag $0x1  }
0x1: {  	s1 =	rddreg [dreg:$0x0];
	s2 =	simm.s32 $0x0  }
0x2: {  	s9 =	simm.s32 $0x1080;
	[smem:$0x7FF] =	sst s2  }
0x3: {  	s10 =	simm.s32 $0x100;
	_ =	strace $0x80000047;
	[dreg:$0x4] =	wrdreg s9  }
0x4: {  	s11 =	simm.s32 $0x1100;
	[dreg:$0x5] =	wrdreg s10  }
0x5: {  	s12 =	simm.s32 $0x180;
	[dreg:$0x6] =	wrdreg s11  }
0x6: {  	s13 =	simm.s32 $0x1180;
	[dreg:$0x7] =	wrdreg s12  }
0x7: {  	s14 =	simm.s32 $0x200;
	[dreg:$0x8] =	wrdreg s13  }
0x8: {  	s15 =	simm.s32 $0x1200;
	[dreg:$0x9] =	wrdreg s14  }
0x9: {  	s16 =	simm.s32 $0x280;
	[dreg:$0xa] =	wrdreg s15  }
0xa: {  	s17 =	simm.s32 $0x1280;
	[dreg:$0xb] =	wrdreg s16  }
0xb: {  	s18 =	simm.s32 $0x300;
	[dreg:$0xc] =	wrdreg s17  }
0xc: {  	s19 =	simm.s32 $0x1300;
	[dreg:$0xd] =	wrdreg s18  }
0xd: {  	s20 =	simm.s32 $0x380;
	[dreg:$0xe] =	wrdreg s19  }
0xe: {  	s21 =	simm.s32 $0x1380;
	[dreg:$0xf] =	wrdreg s20  }
0xf: {  	s22 =	simm.s32 $0x400;
	[dreg:$0x10] =	wrdreg s21  }
0x10: {  	s23 =	simm.s32 $0x1400;
	[dreg:$0x11] =	wrdreg s22  }
0x11: {  	s24 =	simm.s32 $0x480;
	[dreg:$0x12] =	wrdreg s23  }
0x12: {  	s25 =	simm.s32 $0x1480;
	[dreg:$0x13] =	wrdreg s24  }
0x13: {  	s26 =	simm.s32 $0x500;
	[dreg:$0x14] =	wrdreg s25  }
0x14: {  	s5 =	simm.s32 $0x580;
	[dreg:$0x15] =	wrdreg s26  }
0x15: {  	s6 =	simm.s32 $0x1580;
	[dreg:$0x17] =	wrdreg s5  }
0x16: {  	s7 =	simm.s32 $0x600;
	[dreg:$0x18] =	wrdreg s6  }
0x17: {  	s8 =	simm.s32 $0x1600;
	[dreg:$0x19] =	wrdreg s7  }
0x18: {  	[dreg:$0x1a] =	wrdreg s8;
	s9 =	simm.s32 $0x680  }
0x19: {  	s10 =	simm.s32 $0x1680;
	[dreg:$0x1b] =	wrdreg s9  }
0x1a: {  	s11 =	simm.s32 $0x700;
	[dreg:$0x1c] =	wrdreg s10  }
0x1b: {  	s12 =	simm.s32 $0x1700;
	[dreg:$0x1d] =	wrdreg s11  }
0x1c: {  	s0 =	srdreg.scid;
	s13 =	simm.s32 $0x780;
	[dreg:$0x1e] =	wrdreg s12  }
0x1d: {  	s4 =	stileid.u32;
	s14 =	simm.s32 $0x1780;
	[dreg:$0x1f] =	wrdreg s13  }
0x1e: {  	s28 =	simm.s32 $0x1F00;
	s15 =	simm.s32 $0x800;
	[smem:$0x7F1] =	sst s14  }
0x1f: {  	s31 =	simm.s32 $0xF80;
	s16 =	simm.s32 $0x1800;
	[smem:$0x7F2] =	sst s15  }
0x20: {  	s29 =	simm.s32 $0x1F80;
	s17 =	simm.s32 $0x880;
	[smem:$0x7F3] =	sst s16  }
0x21: {  	s30 =	simm.s32 $0x1;
	s18 =	simm.s32 $0x1880;
	[smem:$0x7F4] =	sst s17  }
0x22: {  	s0 =	sand.u32 $0x1, s0;
	s19 =	simm.s32 $0x900;
	[smem:$0x7F5] =	sst s18  }
0x23: {  	s4 =	sshll.u32 s4, $0xC;
	s21 =	simm.s32 $0x1900;
	[smem:$0x7F6] =	sst s19  }
0x24: {  	s3 =	sshll.u32 s0, $0x10;
	s22 =	simm.s32 $0x980;
	[smem:$0x7F7] =	sst s21  }
0x25: {  	s0 =	ssub.s32 $0x2, s0;
	s23 =	simm.s32 $0x1980;
	[smem:$0x7F9] =	sst s22  }
0x26: {  	s5 =	simm.s32 $0x2;
	s24 =	simm.s32 $0xA00;
	[smem:$0x7FA] =	sst s23  }
0x27: {  	s6 =	simm.s32 $0x80;
	s25 =	simm.s32 $0x1A00;
	[smem:$0x7FB] =	sst s24  }
0x28: {  	s7 =	simm.s32 $0x1000;
	s26 =	simm.s32 $0xA80;
	[smem:$0x7FC] =	sst s25  }
0x29: {  	s3 =	sadd.s32 s3, s1;
	s20 =	sshrl.u32 s0, $0x1;
	[smem:$0x7FD] =	sst s26  }
0x2a: {  	s9 =	simm.s32 $0x1A80;
	s10 =	simm.s32 $0xB00;
	s11 =	simm.s32 $0x1B00  }
0x2b: {  	s12 =	simm.s32 $0xB80;
	s13 =	simm.s32 $0x1B80;
	s14 =	simm.s32 $0xC00  }
0x2c: {  	s15 =	simm.s32 $0x1C00;
	s16 =	simm.s32 $0xC80;
	s17 =	simm.s32 $0x1C80  }
0x2d: {  	s18 =	simm.s32 $0xD00;
	s19 =	simm.s32 $0x1D00;
	s21 =	simm.s32 $0x1D80  }
0x2e: {  	s22 =	simm.s32 $0xE00;
	s23 =	simm.s32 $0x1E00;
	s3 =	sadd.s32 s4, s3  }
0x2f: {  	s24 =	simm.s32 $0xE80;
	s25 =	simm.s32 $0x1E80;
	s4 =	sadd.s32 $0x861C00, s3  }
0x30: {  	s0 =	ssub.s32 s0, s20;
	s3 =	sadd.s32 $0x841C00, s3;
	[dreg:$0x2] =	wrdreg s4  }
0x31: {  	s26 =	simm.s32 $0xF00;
	s0 =	smax.u32 s0, $0x1;
	[dreg:$0x3] =	wrdreg s3  }
0x32: {  	s20 =	simm.s32 $0xD80;
	s4 =	simm.s32 $0x1500;
	[smem:$0x7F8] =	sst s0  }
0x33: {  	s3 =	sadd.s32 $0x41C00, s1;
	s1 =	simm.s32 $0x0;
	[dreg:$0x16] =	wrdreg s4  }
.LBB2_1:
0x34: {  	s0 =	rddreg [dreg:$0x3]  }
0x35: {  	[smem:$0x7F0] =	sst s1;
	s0 =	sadd.s32 $0x0, s0  }
0x36: {  	[tilespmem:s2], [sflag:$0x2] =	stream.linear.gather [hbm4b:s0+s2], $0x1000, $0x38;
	[tilespmem:$0x2000] =	vst v63  }
0x37: {  	_ =	swait.ge [sflag:s5], $0x1000  }
0x38: {  	s0 =	rddreg [dreg:$0x5]  }
0x39: {  	[sflag:s5] =	ssyncset.done $0x0;
	s1 =	rddreg [dreg:$0x4]  }
0x3a: {  	s4 =	rddreg [dreg:$0x6];
	[sflag:s5] =	ssyncadd.s32 $0xFFFFF000  }
0x3b: {  	[tilespmem:s7], [sflag:$0x1] =	stream.indirect.gather [hbm4b:s3+s6], $0x1, s2, s6, $0xb8;
	[tilespmem:$0x2000] =	vst v63  }
0x3c: {  	s8 =	rddreg [dreg:$0x8]  }
0x3d: {  	[tilespmem:s1], [sflag:$0x1] =	stream.indirect.gather [hbm4b:s3+s6], $0x1, s6, s6, $0xb8;
	[tilespmem:$0x2000] =	vst v63  }
0x3e: {  	s1 =	rddreg [dreg:$0x7]  }
0x3f: {  	[tilespmem:s4], [sflag:$0x1] =	stream.indirect.gather [hbm4b:s3+s6], $0x1, s0, s6, $0xb8;
	[tilespmem:$0x2000] =	vst v63  }
0x40: {  	s0 =	rddreg [dreg:$0xa]  }
0x41: {  	s4 =	rddreg [dreg:$0x9]  }
0x42: {  	[tilespmem:s8], [sflag:$0x1] =	stream.indirect.gather [hbm4b:s3+s6], $0x1, s1, s6, $0xb8;
	[tilespmem:$0x2000] =	vst v63  }
0x43: {  	s1 =	rddreg [dreg:$0xc]  }
0x44: {  	s8 =	rddreg [dreg:$0xb]  }
0x45: {  	[tilespmem:s0], [sflag:$0x1] =	stream.indirect.gather [hbm4b:s3+s6], $0x1, s4, s6, $0xb8;
	[tilespmem:$0x2000] =	vst v63  }
0x46: {  	s0 =	rddreg [dreg:$0xe]  }
0x47: {  	s4 =	rddreg [dreg:$0xd]  }
0x48: {  	[tilespmem:s1], [sflag:$0x1] =	stream.indirect.gather [hbm4b:s3+s6], $0x1, s8, s6, $0xb8;
	[tilespmem:$0x2000] =	vst v63  }
0x49: {  	s1 =	rddreg [dreg:$0x10]  }
0x4a: {  	s8 =	rddreg [dreg:$0xf]  }
0x4b: {  	[tilespmem:s0], [sflag:$0x1] =	stream.indirect.gather [hbm4b:s3+s6], $0x1, s4, s6, $0xb8;
	[tilespmem:$0x2000] =	vst v63  }
0x4c: {  	s0 =	rddreg [dreg:$0x12]  }
0x4d: {  	s4 =	rddreg [dreg:$0x11]  }
0x4e: {  	[tilespmem:s1], [sflag:$0x1] =	stream.indirect.gather [hbm4b:s3+s6], $0x1, s8, s6, $0xb8;
	[tilespmem:$0x2000] =	vst v63  }
0x4f: {  	s1 =	rddreg [dreg:$0x14]  }
0x50: {  	s8 =	rddreg [dreg:$0x13]  }
0x51: {  	[tilespmem:s0], [sflag:$0x1] =	stream.indirect.gather [hbm4b:s3+s6], $0x1, s4, s6, $0xb8;
	[tilespmem:$0x2000] =	vst v63  }
0x52: {  	s0 =	rddreg [dreg:$0x16]  }
0x53: {  	s4 =	rddreg [dreg:$0x15]  }
0x54: {  	[tilespmem:s1], [sflag:$0x1] =	stream.indirect.gather [hbm4b:s3+s6], $0x1, s8, s6, $0xb8;
	[tilespmem:$0x2000] =	vst v63  }
0x55: {  	s1 =	rddreg [dreg:$0x18]  }
0x56: {  	s8 =	rddreg [dreg:$0x17]  }
0x57: {  	[tilespmem:s0], [sflag:$0x1] =	stream.indirect.gather [hbm4b:s3+s6], $0x1, s4, s6, $0xb8;
	[tilespmem:$0x2000] =	vst v63  }
0x58: {  	s0 =	rddreg [dreg:$0x1a]  }
0x59: {  	s4 =	rddreg [dreg:$0x19]  }
0x5a: {  	[tilespmem:s1], [sflag:$0x1] =	stream.indirect.gather [hbm4b:s3+s6], $0x1, s8, s6, $0xb8;
	[tilespmem:$0x2000] =	vst v63  }
0x5b: {  	s1 =	rddreg [dreg:$0x1c]  }
0x5c: {  	s8 =	rddreg [dreg:$0x1b]  }
0x5d: {  	[tilespmem:s0], [sflag:$0x1] =	stream.indirect.gather [hbm4b:s3+s6], $0x1, s4, s6, $0xb8;
	[tilespmem:$0x2000] =	vst v63  }
0x5e: {  	s0 =	rddreg [dreg:$0x1e]  }
0x5f: {  	s4 =	rddreg [dreg:$0x1d]  }
0x60: {  	[tilespmem:s1], [sflag:$0x1] =	stream.indirect.gather [hbm4b:s3+s6], $0x1, s8, s6, $0xb8;
	[tilespmem:$0x2000] =	vst v63  }
0x61: {  	s1 =	sld [smem:$0x7F1]  }
0x62: {  	s8 =	rddreg [dreg:$0x1f]  }
0x63: {  	[tilespmem:s0], [sflag:$0x1] =	stream.indirect.gather [hbm4b:s3+s6], $0x1, s4, s6, $0xb8;
	[tilespmem:$0x2000] =	vst v63  }
0x64: {  	s0 =	sld [smem:$0x7F3]  }
0x65: {  	s4 =	sld [smem:$0x7F2]  }
0x66: {  	[tilespmem:s1], [sflag:$0x1] =	stream.indirect.gather [hbm4b:s3+s6], $0x1, s8, s6, $0xb8;
	[tilespmem:$0x2000] =	vst v63  }
0x67: {  	s1 =	sld [smem:$0x7F5]  }
0x68: {  	s8 =	sld [smem:$0x7F4]  }
0x69: {  	[tilespmem:s0], [sflag:$0x1] =	stream.indirect.gather [hbm4b:s3+s6], $0x1, s4, s6, $0xb8;
	[tilespmem:$0x2000] =	vst v63  }
0x6a: {  	s0 =	sld [smem:$0x7F7]  }
0x6b: {  	s4 =	sld [smem:$0x7F6]  }
0x6c: {  	[tilespmem:s1], [sflag:$0x1] =	stream.indirect.gather [hbm4b:s3+s6], $0x1, s8, s6, $0xb8;
	[tilespmem:$0x2000] =	vst v63  }
0x6d: {  	s1 =	sld [smem:$0x7FA]  }
0x6e: {  	s8 =	sld [smem:$0x7F9]  }
0x6f: {  	[tilespmem:s0], [sflag:$0x1] =	stream.indirect.gather [hbm4b:s3+s6], $0x1, s4, s6, $0xb8;
	[tilespmem:$0x2000] =	vst v63  }
0x70: {  	s0 =	sld [smem:$0x7FC]  }
0x71: {  	s4 =	sld [smem:$0x7FB]  }
0x72: {  	[tilespmem:s1], [sflag:$0x1] =	stream.indirect.gather [hbm4b:s3+s6], $0x1, s8, s6, $0xb8;
	[tilespmem:$0x2000] =	vst v63  }
0x73: {  	s8 =	sld [smem:$0x7FD]  }
0x74: {  	[tilespmem:s0], [sflag:$0x1] =	stream.indirect.gather [hbm4b:s3+s6], $0x1, s4, s6, $0xb8;
	[tilespmem:$0x2000] =	vst v63  }
0x75: {  	_ = 	snop  }
0x76: {  	[tilespmem:s9], [sflag:$0x1] =	stream.indirect.gather [hbm4b:s3+s6], $0x1, s8, s6, $0xb8;
	[tilespmem:$0x2000] =	vst v63  }
0x77: {  	_ = 	snop  }
0x78: {  	[tilespmem:s11], [sflag:$0x1] =	stream.indirect.gather [hbm4b:s3+s6], $0x1, s10, s6, $0xb8;
	[tilespmem:$0x2000] =	vst v63  }
0x79: {  	_ = 	snop  }
0x7a: {  	[tilespmem:s13], [sflag:$0x1] =	stream.indirect.gather [hbm4b:s3+s6], $0x1, s12, s6, $0xb8;
	[tilespmem:$0x2000] =	vst v63  }
0x7b: {  	_ = 	snop  }
0x7c: {  	[tilespmem:s15], [sflag:$0x1] =	stream.indirect.gather [hbm4b:s3+s6], $0x1, s14, s6, $0xb8;
	[tilespmem:$0x2000] =	vst v63  }
0x7d: {  	_ = 	snop  }
0x7e: {  	[tilespmem:s17], [sflag:$0x1] =	stream.indirect.gather [hbm4b:s3+s6], $0x1, s16, s6, $0xb8;
	[tilespmem:$0x2000] =	vst v63  }
0x7f: {  	_ = 	snop  }
0x80: {  	[tilespmem:s19], [sflag:$0x1] =	stream.indirect.gather [hbm4b:s3+s6], $0x1, s18, s6, $0xb8;
	[tilespmem:$0x2000] =	vst v63  }
0x81: {  	_ = 	snop  }
0x82: {  	[tilespmem:s21], [sflag:$0x1] =	stream.indirect.gather [hbm4b:s3+s6], $0x1, s20, s6, $0xb8;
	[tilespmem:$0x2000] =	vst v63  }
0x83: {  	_ = 	snop  }
0x84: {  	[tilespmem:s23], [sflag:$0x1] =	stream.indirect.gather [hbm4b:s3+s6], $0x1, s22, s6, $0xb8;
	[tilespmem:$0x2000] =	vst v63  }
0x85: {  	_ = 	snop  }
0x86: {  	[tilespmem:s25], [sflag:$0x1] =	stream.indirect.gather [hbm4b:s3+s6], $0x1, s24, s6, $0xb8;
	[tilespmem:$0x2000] =	vst v63  }
0x87: {  	_ = 	snop  }
0x88: {  	[tilespmem:s28], [sflag:$0x1] =	stream.indirect.gather [hbm4b:s3+s6], $0x1, s26, s6, $0xb8;
	[tilespmem:$0x2000] =	vst v63  }
0x89: {  	_ = 	snop  }
0x8a: {  	[tilespmem:s29], [sflag:$0x1] =	stream.indirect.gather [hbm4b:s3+s6], $0x1, s31, s6, $0xb8;
	[tilespmem:$0x2000] =	vst v63  }
0x8b: {  	_ =	swait.ge [sflag:s30], $0x80  }
0x8c: {  	[sflag:s30] =	ssyncset.done $0x0  }
0x8d: {  	[sflag:s30] =	ssyncadd.s32 $0xFFFFFF80  }
0x8e: {  	_ =	swait.ge [sflag:s30], $0x80  }
0x8f: {  	[sflag:s30] =	ssyncset.done $0x0  }
0x90: {  	[sflag:s30] =	ssyncadd.s32 $0xFFFFFF80  }
0x91: {  	_ =	swait.ge [sflag:s30], $0x80  }
0x92: {  	[sflag:s30] =	ssyncset.done $0x0  }
0x93: {  	[sflag:s30] =	ssyncadd.s32 $0xFFFFFF80  }
0x94: {  	_ =	swait.ge [sflag:s30], $0x80  }
0x95: {  	[sflag:s30] =	ssyncset.done $0x0  }
0x96: {  	[sflag:s30] =	ssyncadd.s32 $0xFFFFFF80  }
0x97: {  	_ =	swait.ge [sflag:s30], $0x80  }
0x98: {  	[sflag:s30] =	ssyncset.done $0x0  }
0x99: {  	[sflag:s30] =	ssyncadd.s32 $0xFFFFFF80  }
0x9a: {  	_ =	swait.ge [sflag:s30], $0x80  }
0x9b: {  	[sflag:s30] =	ssyncset.done $0x0  }
0x9c: {  	[sflag:s30] =	ssyncadd.s32 $0xFFFFFF80  }
0x9d: {  	_ =	swait.ge [sflag:s30], $0x80  }
0x9e: {  	[sflag:s30] =	ssyncset.done $0x0  }
0x9f: {  	[sflag:s30] =	ssyncadd.s32 $0xFFFFFF80  }
0xa0: {  	_ =	swait.ge [sflag:s30], $0x80  }
0xa1: {  	[sflag:s30] =	ssyncset.done $0x0  }
0xa2: {  	[sflag:s30] =	ssyncadd.s32 $0xFFFFFF80  }
0xa3: {  	_ =	swait.ge [sflag:s30], $0x80  }
0xa4: {  	[sflag:s30] =	ssyncset.done $0x0  }
0xa5: {  	[sflag:s30] =	ssyncadd.s32 $0xFFFFFF80  }
0xa6: {  	_ =	swait.ge [sflag:s30], $0x80  }
0xa7: {  	[sflag:s30] =	ssyncset.done $0x0  }
0xa8: {  	[sflag:s30] =	ssyncadd.s32 $0xFFFFFF80  }
0xa9: {  	_ =	swait.ge [sflag:s30], $0x80  }
0xaa: {  	[sflag:s30] =	ssyncset.done $0x0  }
0xab: {  	[sflag:s30] =	ssyncadd.s32 $0xFFFFFF80  }
0xac: {  	_ =	swait.ge [sflag:s30], $0x80  }
0xad: {  	[sflag:s30] =	ssyncset.done $0x0  }
0xae: {  	[sflag:s30] =	ssyncadd.s32 $0xFFFFFF80  }
0xaf: {  	_ =	swait.ge [sflag:s30], $0x80  }
0xb0: {  	[sflag:s30] =	ssyncset.done $0x0  }
0xb1: {  	[sflag:s30] =	ssyncadd.s32 $0xFFFFFF80  }
0xb2: {  	_ =	swait.ge [sflag:s30], $0x80  }
0xb3: {  	[sflag:s30] =	ssyncset.done $0x0  }
0xb4: {  	[sflag:s30] =	ssyncadd.s32 $0xFFFFFF80  }
0xb5: {  	_ =	swait.ge [sflag:s30], $0x80  }
0xb6: {  	[sflag:s30] =	ssyncset.done $0x0  }
0xb7: {  	[sflag:s30] =	ssyncadd.s32 $0xFFFFFF80  }
0xb8: {  	_ =	swait.ge [sflag:s30], $0x80  }
0xb9: {  	[sflag:s30] =	ssyncset.done $0x0  }
0xba: {  	[sflag:s30] =	ssyncadd.s32 $0xFFFFFF80  }
0xbb: {  	_ =	swait.ge [sflag:s30], $0x80  }
0xbc: {  	[sflag:s30] =	ssyncset.done $0x0  }
0xbd: {  	[sflag:s30] =	ssyncadd.s32 $0xFFFFFF80  }
0xbe: {  	_ =	swait.ge [sflag:s30], $0x80  }
0xbf: {  	[sflag:s30] =	ssyncset.done $0x0  }
0xc0: {  	[sflag:s30] =	ssyncadd.s32 $0xFFFFFF80  }
0xc1: {  	_ =	swait.ge [sflag:s30], $0x80  }
0xc2: {  	[sflag:s30] =	ssyncset.done $0x0  }
0xc3: {  	[sflag:s30] =	ssyncadd.s32 $0xFFFFFF80  }
0xc4: {  	_ =	swait.ge [sflag:s30], $0x80  }
0xc5: {  	[sflag:s30] =	ssyncset.done $0x0  }
0xc6: {  	[sflag:s30] =	ssyncadd.s32 $0xFFFFFF80  }
0xc7: {  	_ =	swait.ge [sflag:s30], $0x80  }
0xc8: {  	[sflag:s30] =	ssyncset.done $0x0  }
0xc9: {  	[sflag:s30] =	ssyncadd.s32 $0xFFFFFF80  }
0xca: {  	_ =	swait.ge [sflag:s30], $0x80  }
0xcb: {  	[sflag:s30] =	ssyncset.done $0x0  }
0xcc: {  	[sflag:s30] =	ssyncadd.s32 $0xFFFFFF80  }
0xcd: {  	_ =	swait.ge [sflag:s30], $0x80  }
0xce: {  	[sflag:s30] =	ssyncset.done $0x0  }
0xcf: {  	[sflag:s30] =	ssyncadd.s32 $0xFFFFFF80  }
0xd0: {  	_ =	swait.ge [sflag:s30], $0x80  }
0xd1: {  	[sflag:s30] =	ssyncset.done $0x0  }
0xd2: {  	[sflag:s30] =	ssyncadd.s32 $0xFFFFFF80  }
0xd3: {  	_ =	swait.ge [sflag:s30], $0x80  }
0xd4: {  	[sflag:s30] =	ssyncset.done $0x0  }
0xd5: {  	[sflag:s30] =	ssyncadd.s32 $0xFFFFFF80  }
0xd6: {  	_ =	swait.ge [sflag:s30], $0x80  }
0xd7: {  	[sflag:s30] =	ssyncset.done $0x0  }
0xd8: {  	[sflag:s30] =	ssyncadd.s32 $0xFFFFFF80  }
0xd9: {  	_ =	swait.ge [sflag:s30], $0x80  }
0xda: {  	[sflag:s30] =	ssyncset.done $0x0  }
0xdb: {  	[sflag:s30] =	ssyncadd.s32 $0xFFFFFF80  }
0xdc: {  	s1 =	simm.s32 $0x200;
	s0 =	simm.s32 $0x0;
	_ =	swait.ge [sflag:s30], $0x80  }
.LBB2_2:
0xdd: {  	[sflag:s30] =	ssyncset.done $0x0  }
0xde: {  	[sflag:s30] =	ssyncadd.s32 $0xFFFFFF80  }
0xdf: {  	_ =	swait.ge [sflag:s30], $0x80  }
0xe0: {  	[sflag:s30] =	ssyncset.done $0x0  }
0xe1: {  	[sflag:s30] =	ssyncadd.s32 $0xFFFFFF80  }
0xe2: {  	_ =	swait.ge [sflag:s30], $0x80  }
0xe3: {  	[sflag:s30] =	ssyncset.done $0x0  }
0xe4: {  	[sflag:s30] =	ssyncadd.s32 $0xFFFFFF80  }
0xe5: {  	_ =	swait.ge [sflag:s30], $0x80  }
0xe6: {  	[sflag:s30] =	ssyncset.done $0x0  }
0xe7: {  	[sflag:s30] =	ssyncadd.s32 $0xFFFFFF80  }
0xe8: {  	_ =	swait.ge [sflag:s30], $0x80  }
0xe9: {  	s8 =	rddreg [dreg:$0x2];
	[sflag:s30] =	ssyncset.done $0x0  }
0xea: {  	[sflag:s30] =	ssyncadd.s32 $0xFFFFFF80;
	s8 =	sadd.s32 s0, s8  }
0xeb: {  	[hbm4b:s8+s2] =	stream.linear.scatter [tilespmem:s7], [sflag:$0x2], $0x1000, $0x38;
	[tilespmem:$0x2000] =	vst v63  }
0xec: {  	s4 =	smov.u32 s1;
	_ =	swait.ge [sflag:s5], $0x1000  }
0xed: {  	s0 =	smov.u32 s4;
	s26 =	rddreg [dreg:$0x3];
	[sflag:s5] =	ssyncset.done $0x0  }
0xee: {  	[sflag:s5] =	ssyncadd.s32 $0xFFFFF000;
	s4 =	sadd.s32 s0, s26  }
0xef: {  	[tilespmem:s2], [sflag:$0x2] =	stream.linear.gather [hbm4b:s4+s2], $0x1000, $0x38;
	[tilespmem:$0x2000] =	vst v63  }
0xf0: {  	_ =	swait.ge [sflag:s5], $0x1000  }
0xf1: {  	s4 =	sld [smem:$0x7FC]  }
0xf2: {  	s31 =	sld [smem:$0x7FA]  }
0xf3: {  	s8 =	sld [smem:$0x7F7]  }
0xf4: {  	s9 =	sld [smem:$0x7F5]  }
0xf5: {  	s10 =	sld [smem:$0x7F3]  }
0xf6: {  	s11 =	sld [smem:$0x7F1]  }
0xf7: {  	s12 =	rddreg [dreg:$0x1e]  }
0xf8: {  	s13 =	rddreg [dreg:$0x1c]  }
0xf9: {  	s14 =	rddreg [dreg:$0x1a]  }
0xfa: {  	s15 =	rddreg [dreg:$0x18]  }
0xfb: {  	s16 =	rddreg [dreg:$0x16]  }
0xfc: {  	s17 =	rddreg [dreg:$0x14]  }
0xfd: {  	s18 =	rddreg [dreg:$0x12]  }
0xfe: {  	s19 =	rddreg [dreg:$0x10]  }
0xff: {  	s20 =	rddreg [dreg:$0xe]  }
0x100: {  	s21 =	rddreg [dreg:$0xc]  }
0x101: {  	s22 =	rddreg [dreg:$0xa]  }
0x102: {  	s23 =	rddreg [dreg:$0x5]  }
0x103: {  	[sflag:s5] =	ssyncset.done $0x0;
	s24 =	rddreg [dreg:$0x4]  }
0x104: {  	s25 =	rddreg [dreg:$0x6];
	[sflag:s5] =	ssyncadd.s32 $0xFFFFF000  }
0x105: {  	[tilespmem:s7], [sflag:$0x1] =	stream.indirect.gather [hbm4b:s3+s6], $0x1, s2, s6, $0xb8;
	[tilespmem:$0x2000] =	vst v63  }
0x106: {  	s26 =	rddreg [dreg:$0x8]  }
0x107: {  	[tilespmem:s24], [sflag:$0x1] =	stream.indirect.gather [hbm4b:s3+s6], $0x1, s6, s6, $0xb8;
	[tilespmem:$0x2000] =	vst v63  }
0x108: {  	s24 =	rddreg [dreg:$0x7]  }
0x109: {  	[tilespmem:s25], [sflag:$0x1] =	stream.indirect.gather [hbm4b:s3+s6], $0x1, s23, s6, $0xb8;
	[tilespmem:$0x2000] =	vst v63  }
0x10a: {  	s23 =	rddreg [dreg:$0x9]  }
0x10b: {  	[tilespmem:s26], [sflag:$0x1] =	stream.indirect.gather [hbm4b:s3+s6], $0x1, s24, s6, $0xb8;
	[tilespmem:$0x2000] =	vst v63  }
0x10c: {  	s24 =	rddreg [dreg:$0xb]  }
0x10d: {  	[tilespmem:s22], [sflag:$0x1] =	stream.indirect.gather [hbm4b:s3+s6], $0x1, s23, s6, $0xb8;
	[tilespmem:$0x2000] =	vst v63  }
0x10e: {  	s22 =	rddreg [dreg:$0xd]  }
0x10f: {  	[tilespmem:s21], [sflag:$0x1] =	stream.indirect.gather [hbm4b:s3+s6], $0x1, s24, s6, $0xb8;
	[tilespmem:$0x2000] =	vst v63  }
0x110: {  	s21 =	rddreg [dreg:$0xf]  }
0x111: {  	[tilespmem:s20], [sflag:$0x1] =	stream.indirect.gather [hbm4b:s3+s6], $0x1, s22, s6, $0xb8;
	[tilespmem:$0x2000] =	vst v63  }
0x112: {  	s20 =	rddreg [dreg:$0x11]  }
0x113: {  	[tilespmem:s19], [sflag:$0x1] =	stream.indirect.gather [hbm4b:s3+s6], $0x1, s21, s6, $0xb8;
	[tilespmem:$0x2000] =	vst v63  }
0x114: {  	s19 =	rddreg [dreg:$0x13]  }
0x115: {  	[tilespmem:s18], [sflag:$0x1] =	stream.indirect.gather [hbm4b:s3+s6], $0x1, s20, s6, $0xb8;
	[tilespmem:$0x2000] =	vst v63  }
0x116: {  	s18 =	rddreg [dreg:$0x15]  }
0x117: {  	[tilespmem:s17], [sflag:$0x1] =	stream.indirect.gather [hbm4b:s3+s6], $0x1, s19, s6, $0xb8;
	[tilespmem:$0x2000] =	vst v63  }
0x118: {  	s17 =	rddreg [dreg:$0x17]  }
0x119: {  	[tilespmem:s16], [sflag:$0x1] =	stream.indirect.gather [hbm4b:s3+s6], $0x1, s18, s6, $0xb8;
	[tilespmem:$0x2000] =	vst v63  }
0x11a: {  	s16 =	rddreg [dreg:$0x19]  }
0x11b: {  	[tilespmem:s15], [sflag:$0x1] =	stream.indirect.gather [hbm4b:s3+s6], $0x1, s17, s6, $0xb8;
	[tilespmem:$0x2000] =	vst v63  }
0x11c: {  	s15 =	rddreg [dreg:$0x1b]  }
0x11d: {  	[tilespmem:s14], [sflag:$0x1] =	stream.indirect.gather [hbm4b:s3+s6], $0x1, s16, s6, $0xb8;
	[tilespmem:$0x2000] =	vst v63  }
0x11e: {  	s14 =	rddreg [dreg:$0x1d]  }
0x11f: {  	[tilespmem:s13], [sflag:$0x1] =	stream.indirect.gather [hbm4b:s3+s6], $0x1, s15, s6, $0xb8;
	[tilespmem:$0x2000] =	vst v63  }
0x120: {  	s13 =	rddreg [dreg:$0x1f]  }
0x121: {  	[tilespmem:s12], [sflag:$0x1] =	stream.indirect.gather [hbm4b:s3+s6], $0x1, s14, s6, $0xb8;
	[tilespmem:$0x2000] =	vst v63  }
0x122: {  	s12 =	sld [smem:$0x7F2]  }
0x123: {  	[tilespmem:s11], [sflag:$0x1] =	stream.indirect.gather [hbm4b:s3+s6], $0x1, s13, s6, $0xb8;
	[tilespmem:$0x2000] =	vst v63  }
0x124: {  	s11 =	sld [smem:$0x7F4]  }
0x125: {  	[tilespmem:s10], [sflag:$0x1] =	stream.indirect.gather [hbm4b:s3+s6], $0x1, s12, s6, $0xb8;
	[tilespmem:$0x2000] =	vst v63  }
0x126: {  	s10 =	sld [smem:$0x7F6]  }
0x127: {  	[tilespmem:s9], [sflag:$0x1] =	stream.indirect.gather [hbm4b:s3+s6], $0x1, s11, s6, $0xb8;
	[tilespmem:$0x2000] =	vst v63  }
0x128: {  	s9 =	sld [smem:$0x7F9]  }
0x129: {  	[tilespmem:s8], [sflag:$0x1] =	stream.indirect.gather [hbm4b:s3+s6], $0x1, s10, s6, $0xb8;
	[tilespmem:$0x2000] =	vst v63  }
0x12a: {  	s8 =	sld [smem:$0x7FB]  }
0x12b: {  	[tilespmem:s31], [sflag:$0x1] =	stream.indirect.gather [hbm4b:s3+s6], $0x1, s9, s6, $0xb8;
	[tilespmem:$0x2000] =	vst v63  }
0x12c: {  	s9 =	sld [smem:$0x7FD]  }
0x12d: {  	[tilespmem:s4], [sflag:$0x1] =	stream.indirect.gather [hbm4b:s3+s6], $0x1, s8, s6, $0xb8;
	[tilespmem:$0x2000] =	vst v63  }
0x12e: {  	s28 =	simm.s32 $0x1A80  }
0x12f: {  	[tilespmem:s28], [sflag:$0x1] =	stream.indirect.gather [hbm4b:s3+s6], $0x1, s9, s6, $0xb8;
	[tilespmem:$0x2000] =	vst v63  }
0x130: {  	s11 =	simm.s32 $0x1B00;
	s10 =	simm.s32 $0xB00  }
0x131: {  	[tilespmem:s11], [sflag:$0x1] =	stream.indirect.gather [hbm4b:s3+s6], $0x1, s10, s6, $0xb8;
	[tilespmem:$0x2000] =	vst v63  }
0x132: {  	s13 =	simm.s32 $0x1B80;
	s12 =	simm.s32 $0xB80  }
0x133: {  	[tilespmem:s13], [sflag:$0x1] =	stream.indirect.gather [hbm4b:s3+s6], $0x1, s12, s6, $0xb8;
	[tilespmem:$0x2000] =	vst v63  }
0x134: {  	s15 =	simm.s32 $0x1C00;
	s14 =	simm.s32 $0xC00  }
0x135: {  	[tilespmem:s15], [sflag:$0x1] =	stream.indirect.gather [hbm4b:s3+s6], $0x1, s14, s6, $0xb8;
	[tilespmem:$0x2000] =	vst v63  }
0x136: {  	s17 =	simm.s32 $0x1C80;
	s16 =	simm.s32 $0xC80  }
0x137: {  	[tilespmem:s17], [sflag:$0x1] =	stream.indirect.gather [hbm4b:s3+s6], $0x1, s16, s6, $0xb8;
	[tilespmem:$0x2000] =	vst v63  }
0x138: {  	s19 =	simm.s32 $0x1D00;
	s18 =	simm.s32 $0xD00  }
0x139: {  	[tilespmem:s19], [sflag:$0x1] =	stream.indirect.gather [hbm4b:s3+s6], $0x1, s18, s6, $0xb8;
	[tilespmem:$0x2000] =	vst v63  }
0x13a: {  	s21 =	simm.s32 $0x1D80;
	s20 =	simm.s32 $0xD80  }
0x13b: {  	[tilespmem:s21], [sflag:$0x1] =	stream.indirect.gather [hbm4b:s3+s6], $0x1, s20, s6, $0xb8;
	[tilespmem:$0x2000] =	vst v63  }
0x13c: {  	s23 =	simm.s32 $0x1E00;
	s22 =	simm.s32 $0xE00  }
0x13d: {  	[tilespmem:s23], [sflag:$0x1] =	stream.indirect.gather [hbm4b:s3+s6], $0x1, s22, s6, $0xb8;
	[tilespmem:$0x2000] =	vst v63  }
0x13e: {  	s25 =	simm.s32 $0x1E80;
	s24 =	simm.s32 $0xE80  }
0x13f: {  	[tilespmem:s25], [sflag:$0x1] =	stream.indirect.gather [hbm4b:s3+s6], $0x1, s24, s6, $0xb8;
	[tilespmem:$0x2000] =	vst v63  }
0x140: {  	s26 =	simm.s32 $0xF00;
	s28 =	simm.s32 $0x1F00  }
0x141: {  	[tilespmem:s28], [sflag:$0x1] =	stream.indirect.gather [hbm4b:s3+s6], $0x1, s26, s6, $0xb8;
	[tilespmem:$0x2000] =	vst v63  }
0x142: {  	s31 =	simm.s32 $0xF80  }
0x143: {  	[tilespmem:s29], [sflag:$0x1] =	stream.indirect.gather [hbm4b:s3+s6], $0x1, s31, s6, $0xb8;
	[tilespmem:$0x2000] =	vst v63  }
0x144: {  	_ =	swait.ge [sflag:s30], $0x80  }
0x145: {  	[sflag:s30] =	ssyncset.done $0x0  }
0x146: {  	[sflag:s30] =	ssyncadd.s32 $0xFFFFFF80  }
0x147: {  	_ =	swait.ge [sflag:s30], $0x80  }
0x148: {  	[sflag:s30] =	ssyncset.done $0x0  }
0x149: {  	[sflag:s30] =	ssyncadd.s32 $0xFFFFFF80  }
0x14a: {  	_ =	swait.ge [sflag:s30], $0x80  }
0x14b: {  	[sflag:s30] =	ssyncset.done $0x0  }
0x14c: {  	[sflag:s30] =	ssyncadd.s32 $0xFFFFFF80  }
0x14d: {  	_ =	swait.ge [sflag:s30], $0x80  }
0x14e: {  	[sflag:s30] =	ssyncset.done $0x0  }
0x14f: {  	[sflag:s30] =	ssyncadd.s32 $0xFFFFFF80  }
0x150: {  	_ =	swait.ge [sflag:s30], $0x80  }
0x151: {  	[sflag:s30] =	ssyncset.done $0x0  }
0x152: {  	[sflag:s30] =	ssyncadd.s32 $0xFFFFFF80  }
0x153: {  	_ =	swait.ge [sflag:s30], $0x80  }
0x154: {  	[sflag:s30] =	ssyncset.done $0x0  }
0x155: {  	[sflag:s30] =	ssyncadd.s32 $0xFFFFFF80  }
0x156: {  	_ =	swait.ge [sflag:s30], $0x80  }
0x157: {  	[sflag:s30] =	ssyncset.done $0x0  }
0x158: {  	[sflag:s30] =	ssyncadd.s32 $0xFFFFFF80  }
0x159: {  	_ =	swait.ge [sflag:s30], $0x80  }
0x15a: {  	[sflag:s30] =	ssyncset.done $0x0  }
0x15b: {  	[sflag:s30] =	ssyncadd.s32 $0xFFFFFF80  }
0x15c: {  	_ =	swait.ge [sflag:s30], $0x80  }
0x15d: {  	[sflag:s30] =	ssyncset.done $0x0  }
0x15e: {  	[sflag:s30] =	ssyncadd.s32 $0xFFFFFF80  }
0x15f: {  	_ =	swait.ge [sflag:s30], $0x80  }
0x160: {  	[sflag:s30] =	ssyncset.done $0x0  }
0x161: {  	[sflag:s30] =	ssyncadd.s32 $0xFFFFFF80  }
0x162: {  	_ =	swait.ge [sflag:s30], $0x80  }
0x163: {  	[sflag:s30] =	ssyncset.done $0x0  }
0x164: {  	[sflag:s30] =	ssyncadd.s32 $0xFFFFFF80  }
0x165: {  	_ =	swait.ge [sflag:s30], $0x80  }
0x166: {  	[sflag:s30] =	ssyncset.done $0x0  }
0x167: {  	[sflag:s30] =	ssyncadd.s32 $0xFFFFFF80  }
0x168: {  	_ =	swait.ge [sflag:s30], $0x80  }
0x169: {  	[sflag:s30] =	ssyncset.done $0x0  }
0x16a: {  	[sflag:s30] =	ssyncadd.s32 $0xFFFFFF80  }
0x16b: {  	_ =	swait.ge [sflag:s30], $0x80  }
0x16c: {  	[sflag:s30] =	ssyncset.done $0x0  }
0x16d: {  	[sflag:s30] =	ssyncadd.s32 $0xFFFFFF80  }
0x16e: {  	_ =	swait.ge [sflag:s30], $0x80  }
0x16f: {  	[sflag:s30] =	ssyncset.done $0x0  }
0x170: {  	[sflag:s30] =	ssyncadd.s32 $0xFFFFFF80  }
0x171: {  	_ =	swait.ge [sflag:s30], $0x80  }
0x172: {  	[sflag:s30] =	ssyncset.done $0x0  }
0x173: {  	[sflag:s30] =	ssyncadd.s32 $0xFFFFFF80  }
0x174: {  	_ =	swait.ge [sflag:s30], $0x80  }
0x175: {  	[sflag:s30] =	ssyncset.done $0x0  }
0x176: {  	[sflag:s30] =	ssyncadd.s32 $0xFFFFFF80  }
0x177: {  	_ =	swait.ge [sflag:s30], $0x80  }
0x178: {  	[sflag:s30] =	ssyncset.done $0x0  }
0x179: {  	[sflag:s30] =	ssyncadd.s32 $0xFFFFFF80  }
0x17a: {  	_ =	swait.ge [sflag:s30], $0x80  }
0x17b: {  	[sflag:s30] =	ssyncset.done $0x0  }
0x17c: {  	[sflag:s30] =	ssyncadd.s32 $0xFFFFFF80  }
0x17d: {  	_ =	swait.ge [sflag:s30], $0x80  }
0x17e: {  	[sflag:s30] =	ssyncset.done $0x0  }
0x17f: {  	[sflag:s30] =	ssyncadd.s32 $0xFFFFFF80  }
0x180: {  	_ =	swait.ge [sflag:s30], $0x80  }
0x181: {  	[sflag:s30] =	ssyncset.done $0x0  }
0x182: {  	[sflag:s30] =	ssyncadd.s32 $0xFFFFFF80  }
0x183: {  	_ =	swait.ge [sflag:s30], $0x80  }
0x184: {  	[sflag:s30] =	ssyncset.done $0x0  }
0x185: {  	[sflag:s30] =	ssyncadd.s32 $0xFFFFFF80  }
0x186: {  	_ =	swait.ge [sflag:s30], $0x80  }
0x187: {  	[sflag:s30] =	ssyncset.done $0x0  }
0x188: {  	[sflag:s30] =	ssyncadd.s32 $0xFFFFFF80  }
0x189: {  	_ =	swait.ge [sflag:s30], $0x80  }
0x18a: {  	[sflag:s30] =	ssyncset.done $0x0  }
0x18b: {  	[sflag:s30] =	ssyncadd.s32 $0xFFFFFF80  }
0x18c: {  	_ =	swait.ge [sflag:s30], $0x80  }
0x18d: {  	[sflag:s30] =	ssyncset.done $0x0  }
0x18e: {  	[sflag:s30] =	ssyncadd.s32 $0xFFFFFF80  }
0x18f: {  	_ =	swait.ge [sflag:s30], $0x80  }
0x190: {  	p0 =	sne.s32 s1, $0xE00;
	[sflag:s30] =	ssyncset.done $0x0  }
.Ltmp0:
0x191: {  	[sflag:s30] =	ssyncadd.s32 $0xFFFFFF80;
	(pc) =	sbr.rel @p0 .LBB2_2-.Ltmp0, $4  }
0x192: {  	_ =	swait.ge [sflag:s30], $0x80  }
0x193: {  	[sflag:s30] =	ssyncset.done $0x0  }
0x194: {  	[sflag:s30] =	ssyncadd.s32 $0xFFFFFF80  }
0x195: {  	s1 =	sadd.s32 $0x200, s1;
	s9 =	simm.s32 $0x1A80;
	_ =	swait.ge [sflag:s30], $0x80  }
0x196: {  	[sflag:s30] =	ssyncset.done $0x0  }
0x197: {  	[sflag:s30] =	ssyncadd.s32 $0xFFFFFF80  }
0x198: {  	_ =	swait.ge [sflag:s30], $0x80  }
0x199: {  	[sflag:s30] =	ssyncset.done $0x0  }
0x19a: {  	[sflag:s30] =	ssyncadd.s32 $0xFFFFFF80  }
0x19b: {  	_ =	swait.ge [sflag:s30], $0x80  }
0x19c: {  	[sflag:s30] =	ssyncset.done $0x0  }
0x19d: {  	[sflag:s30] =	ssyncadd.s32 $0xFFFFFF80  }
0x19e: {  	_ =	swait.ge [sflag:s30], $0x80  }
0x19f: {  	[sflag:s30] =	ssyncset.done $0x0  }
0x1a0: {  	[sflag:s30] =	ssyncadd.s32 $0xFFFFFF80  }
0x1a1: {  	_ =	swait.ge [sflag:s30], $0x80  }
0x1a2: {  	s1 =	rddreg [dreg:$0x2];
	[sflag:s30] =	ssyncset.done $0x0  }
0x1a3: {  	[sflag:s30] =	ssyncadd.s32 $0xFFFFFF80;
	s0 =	sadd.s32 s0, s1  }
0x1a4: {  	[hbm4b:s0+s2] =	stream.linear.scatter [tilespmem:s7], [sflag:$0x2], $0x1000, $0x38;
	[tilespmem:$0x2000] =	vst v63  }
0x1a5: {  	_ =	swait.ge [sflag:s5], $0x1000  }
0x1a6: {  	s4 =	sld [smem:$0x7F0]  }
0x1a7: {  	s8 =	sld [smem:$0x7F8];
	_ =	sdelay $0x1  }
0x1a8: {  	s1 =	sadd.s32 $0x1, s4  }
0x1a9: {  	p0 =	sne.s32 s1, s8  }
.Ltmp1:
0x1aa: {  	_ = 	snop;
	(pc) =	sbr.rel @p0 .LBB2_1-.Ltmp1, $3  }
0x1ab: {  	_ =	sdelay $0x1  }
0x1ac: {  	[sflag:s5] =	ssyncset.done $0x0  }
0x1ad: {  	[sflag:s5] =	ssyncadd.s32 $0xFFFFF000  }
0x1ae: {  	_ =	sfence.sel $0x180000  }
0x1af: {  	[bflag:$0x0] =	sbarrier.arrive $0xFFFF  }
0x1b0: {  	_ =	strace $0x90000047  }
0x1b1: {  	s0 =	stileid.u32;
	[bflag:$0x2] =	sbarrier.arrive $0xFFFF  }
0x1b2: {  	p0 =	sne.s32 s0, $0x0;
	s0 =	rddreg [dreg:$0x1]  }
0x1b3: {  	s0 =	sadd.s32 @!p0 $0x100000, s0  }
0x1b4: {  	[sflag:s0] =	ssyncadd.tile.s32 @!p0 $0x1;
	_ =	shalt  }
.Lfunc_end2:
_tile_overlayer_lowered:
.L_overlay_start_2:
0x1b5: {  	(tag) =	ssettag $0x2  }
0x1b6: {  	s0 =	rddreg [dreg:$0x0];
	s2 =	stileid.u32  }
0x1b7: {  	s1 =	rddreg [dreg:$0x1];
	p0 =	sne.s32 s2, $0x0  }
0x1b8: {  	s3 =	rddreg [dreg:$0x2];
	[bflag:$0x3] =	sbarrier.arrive $0xFFFF;
	s2 =	simm.s32 @!p0 $0x1C02  }
0x1b9: {  	[timem:s3], [sflag:s2] =	dma.local @!p0 [hbm:s0], s1  }
0x1ba: {  	s0 =	simm.s32 @!p0 $0x2  }
0x1bb: {  	_ =	swait.ge @!p0 [sflag:s0], s1  }
0x1bc: {  	s1 =	ssub.s32 @!p0 $0x0, s1;
	[sflag:s0] =	ssyncset.done @!p0 $0x0  }
0x1bd: {  	[sflag:s0] =	ssyncadd.s32 @!p0 s1  }
0x1be: {  	[bflag:$0x3] =	sbarrier.arrive $0xFFFF  }
0x1bf: {  	_ =	shalt  }

// kernel: kernel.7.cloned.1.call-start
scs
__scs_entry_jumppad:
0x0: {  	(pc) =	sbr.rel $0x88, $3  }
0x1: {  	(tag) =	ssettag $0x0;
	lr =	simm.s32 $0x1  }
0x2: {  	[smem:$0x3F9F] =	sst lr;
	_ =	strace $0xD0000000  }
0x3: {  	_ = 	snop  }
0x4: {  	_ = 	snop  }
0x5: {  	_ = 	snop  }
0x6: {  	_ = 	snop  }
0x7: {  	_ = 	snop  }
__scs_overlays_trampoline_lowered:
0x8: {  	[smem:$0x3FAE] =	sst s0  }
0x9: {  	[smem:$0x3FAF] =	sst s1  }
0xa: {  	[smem:$0x3FB0] =	sst s2  }
0xb: {  	[smem:$0x3FB1] =	sst s3  }
0xc: {  	[smem:$0x3FB2] =	sst s4  }
0xd: {  	[smem:$0x3FB3] =	sst s5  }
0xe: {  	[smem:$0x3FB4] =	sst s6  }
0xf: {  	[smem:$0x3FB5] =	sst s7  }
0x10: {  	[smem:$0x3FB6] =	sst s8  }
0x11: {  	[smem:$0x3FB7] =	sst s9;
	s0 =	simm.s32 @!p0 $0x0  }
0x12: {  	s1 =	sld [smem:$0x3F9D];
	s0 =	simm.s32 @p0 $0x1  }
0x13: {  	[smem:$0x3FB8] =	sst s0;
	s0 =	simm.s32 @!p1 $0x0  }
0x14: {  	s2 =	sld [smem:$0x3F9C];
	s0 =	simm.s32 @p1 $0x1  }
0x15: {  	[smem:$0x3FB9] =	sst s0;
	s0 =	simm.s32 @!p2 $0x0  }
0x16: {  	s3 =	sld [smem:$0x3FDB];
	s0 =	simm.s32 @p2 $0x1  }
0x17: {  	s4 =	simm.s32 $0x1BF5;
	[smem:$0x3FBB] =	sst s0  }
0x18: {  	s0 =	sld [smem:$0x3F9E];
	_ =	swait.ge [sflag:s4], $0x0  }
0x19: {  	s7 =	sld [smem:$0x3F9F]  }
0x1a: {  	s8 =	sadd.s32 $0xFFFFE003, lr  }
0x1b: {  	s9 =	sadd.s32 $0xFFFFFEF7, lr;
	s5 =	simm.s32 $0xFFFFFFFF;
	p2 =	slt.u32 s8, $0xFFFFF086  }
0x1c: {  	p1 =	slt.u32 s9, $0xF7A;
	s5 =	simm.s32 @!p2 $0x0  }
0x1d: {  	s5 =	simm.s32 @p1 $0x1;
	p0 =	seq.s32 s7, s2  }
0x1e: {  	s7 =	smul.u32 @!p0 $0xF7A, s2;
	p2 =	seq.s32 @!p0 s5, $0x0  }
0x1f: {  	s9 =	smul.u32 $0xF7A, s1;
	s8 =	simm.s32 @!p0 $0x1BF5;
	p2 =	por !p2, p0  }
0x20: {  	[sflag:s8] =	ssyncset.s32 @!p0 $0xFFFFF086;
	s6 =	sadd.s32 @!p0 s3, s7;
	s7 =	simm.s32 @!p0 $0x108  }
0x21: {  	s3 =	sadd.s32 s3, s9;
	s6 =	sadd.s32 @!p0 $0x88, s6;
	s7 =	simm.s32 @p2 $0x1082  }
0x22: {  	[simem:s7], [sflag:s8] =	dma.local @!p0 [hbm:s6], $0xF7A  }
0x23: {  	s9 =	sor.u32 $0xD0000000, s2;
	s6 =	simm.s32 $0x108;
	_ =	swait.ge @!p0 [sflag:s8], $0x0  }
0x24: {  	s3 =	sadd.s32 $0x88, s3;
	s6 =	simm.s32 @!p1 $0x1082;
	[sflag:s4] =	ssyncset.s32 $0xFFFFF086  }
0x25: {  	[simem:s6], [sflag:s4] =	dma.local [hbm:s3], $0xF7A  }
0x26: {  	[smem:$0x3F9F] =	sst s1;
	(tag) =	ssettag s2;
	_ =	strace s9  }
0x27: {  	s1 =	sld [smem:$0x3FAF]  }
0x28: {  	s2 =	sld [smem:$0x3FB0]  }
0x29: {  	s4 =	sld [smem:$0x3FB2]  }
0x2a: {  	p0 =	seq.s32 s5, $0x0;
	s5 =	sld [smem:$0x3FB3]  }
0x2b: {  	s6 =	sld [smem:$0x3FB4]  }
0x2c: {  	s7 =	sld [smem:$0x3FB5]  }
0x2d: {  	s3 =	simm.s32 $0x108;
	s8 =	sld [smem:$0x3FB6]  }
0x2e: {  	s3 =	simm.s32 @!p0 $0x1082;
	s9 =	sld [smem:$0x3FB7]  }
0x2f: {  	lr =	sadd.s32 s0, s3;
	s0 =	sld [smem:$0x3FAE]  }
0x30: {  	s3 =	sld [smem:$0x3FB1]  }
0x31: {  	[smem:$0x3FBA] =	sst s10  }
0x32: {  	s10 =	sld [smem:$0x3FB8];
	_ =	sdelay $0x3  }
0x33: {  	p0 =	seq.s32 s10, $0x1;
	s10 =	sld [smem:$0x3FBA];
	_ =	sdelay $0x3  }
0x34: {  	[smem:$0x3FBA] =	sst s10  }
0x35: {  	s10 =	sld [smem:$0x3FB9];
	_ =	sdelay $0x3  }
0x36: {  	p1 =	seq.s32 s10, $0x1;
	s10 =	sld [smem:$0x3FBA];
	_ =	sdelay $0x3  }
0x37: {  	[smem:$0x3FBA] =	sst s10  }
0x38: {  	s10 =	sld [smem:$0x3FBB]  }
0x39: {  	_ = 	snop;
	(pc) =	sbr.ind lr, $3  }
0x3a: {  	_ = 	snop  }
0x3b: {  	_ = 	snop  }
0x3c: {  	p2 =	seq.s32 s10, $0x1;
	s10 =	sld [smem:$0x3FBA]  }
0x3d: {  	_ =	shalt  }
0x3e: {  	_ =	shalt  }
0x3f: {  	_ =	shalt  }
0x40: {  	_ =	shalt  }
0x41: {  	_ =	shalt  }
0x42: {  	_ =	shalt  }
0x43: {  	_ =	shalt  }
0x44: {  	_ =	shalt  }
0x45: {  	_ =	shalt  }
0x46: {  	_ =	shalt  }
0x47: {  	_ =	shalt  }
0x48: {  	_ =	shalt  }
0x49: {  	_ =	shalt  }
0x4a: {  	_ =	shalt  }
0x4b: {  	_ =	shalt  }
0x4c: {  	_ =	shalt  }
0x4d: {  	_ =	shalt  }
0x4e: {  	_ =	shalt  }
0x4f: {  	_ =	shalt  }
0x50: {  	_ =	shalt  }
0x51: {  	_ =	shalt  }
0x52: {  	_ =	shalt  }
0x53: {  	_ =	shalt  }
0x54: {  	_ =	shalt  }
0x55: {  	_ =	shalt  }
0x56: {  	_ =	shalt  }
0x57: {  	_ =	shalt  }
0x58: {  	_ =	shalt  }
0x59: {  	_ =	shalt  }
0x5a: {  	_ =	shalt  }
0x5b: {  	_ =	shalt  }
0x5c: {  	_ =	shalt  }
0x5d: {  	_ =	shalt  }
0x5e: {  	_ =	shalt  }
0x5f: {  	_ =	shalt  }
0x60: {  	_ =	shalt  }
0x61: {  	_ =	shalt  }
0x62: {  	_ =	shalt  }
0x63: {  	_ =	shalt  }
0x64: {  	_ =	shalt  }
0x65: {  	_ =	shalt  }
0x66: {  	_ =	shalt  }
0x67: {  	_ =	shalt  }
0x68: {  	_ =	shalt  }
0x69: {  	_ =	shalt  }
0x6a: {  	_ =	shalt  }
0x6b: {  	_ =	shalt  }
0x6c: {  	_ =	shalt  }
0x6d: {  	_ =	shalt  }
0x6e: {  	_ =	shalt  }
0x6f: {  	_ =	shalt  }
0x70: {  	_ =	shalt  }
0x71: {  	_ =	shalt  }
0x72: {  	_ =	shalt  }
0x73: {  	_ =	shalt  }
0x74: {  	_ =	shalt  }
0x75: {  	_ =	shalt  }
0x76: {  	_ =	shalt  }
0x77: {  	_ =	shalt  }
0x78: {  	_ =	shalt  }
0x79: {  	_ =	shalt  }
0x7a: {  	_ =	shalt  }
0x7b: {  	_ =	shalt  }
0x7c: {  	_ =	shalt  }
0x7d: {  	_ =	shalt  }
0x7e: {  	_ =	shalt  }
0x7f: {  	_ =	shalt  }
0x80: {  	_ =	shalt  }
0x81: {  	_ =	shalt  }
0x82: {  	_ =	shalt  }
0x83: {  	_ =	shalt  }
0x84: {  	_ =	shalt  }
0x85: {  	_ =	shalt  }
0x86: {  	_ =	shalt  }
0x87: {  	_ =	shalt  }
.Lfunc_end0:
.L_simem_size_0:
called_computation_lowered:
.L_overlay_start_0:
0x88: {  	s2 =	sld [smem:$0x3FD9]  }
0x89: {  	s3 =	sld [smem:$0x3FFE];
	_ =	sdelay $0x1  }
0x8a: {  	s1 =	srdreg.scid  }
0x8b: {  	s0 =	sand.u32 $0x1, s1  }
0x8c: {  	s17 =	sshll.u32 s0, $0xA;
	s2 =	sadd.s32 s3, s2  }
0x8d: {  	s2 =	sadd.s32 s2, s17  }
0x8e: {  	[smem:$0x3FC6] =	sst s2  }
0x8f: {  	_ = 	snop  }
0x90: {  	(tm) =	ssettm $0x1  }
0x91: {  	s18 =	sld [smem:$0x3FFB];
	_ =	sdelay $0x3  }
0x92: {  	_ =	strace s18  }
0x93: {  	s2 =	sld [smem:$0x3FFC];
	_ =	sdelay $0x3  }
0x94: {  	_ =	strace s2  }
0x95: {  	s2 =	sld [smem:$0x3FFD];
	_ =	sdelay $0x3  }
0x96: {  	_ =	strace s2  }
0x97: {  	_ =	strace $0x8FFFFFFF  }
0x98: {  	s19 =	sld [smem:$0x3FDB];
	_ =	sdelay $0x1  }
0x99: {  	s20 =	simm.s32 $_scs_section_size  }
0x9a: {  	s4 =	simm.s32 $_size__tile_overlayer_lowered;
	s5 =	simm.s32 $_tile_overlayer_lowered  }
0x9b: {  	s6 =	simm.s32 $0x1BFF;
	s21 =	sshll.u32 s5, $0x1;
	s3 =	sadd.s32 s20, s19  }
0x9c: {  	s22 =	simm.s32 $0x0;
	s4 =	sshll.u32 s4, $0x1;
	s5 =	sadd.s32 s21, s3  }
0x9d: {  	[timem:s22], [sflag:s6] =	dma.local [hbm:s5], s4  }
0x9e: {  	_ =	swait.ge [sflag:s6], s4  }
0x9f: {  	s4 =	ssub.s32 $0x0, s4;
	[sflag:s6] =	ssyncset.done $0x0  }
0xa0: {  	[sflag:s6] =	ssyncadd.s32 s4;
	_ =	sdelay $0x1  }
0xa1: {  	s23 =	simm.s32 $0x1B8B  }
0xa2: {  	_ =	swait.ge [sflag:s23], $0x1  }
0xa3: {  	[sflag:s23] =	ssyncset.done $0x0  }
0xa4: {  	[sflag:s23] =	ssyncadd.s32 $0xFFFFFFFF  }
0xa5: {  	s4 =	sld [smem:$0x0]  }
0xa6: {  	s5 =	sand.u32 $0xFFFFFFFE, s1  }
0xa7: {  	p0 =	sne.s32 s1, s5  }
0xa8: {  	s5 =	sshll.u32 @p0 s5, $0xE  }
0xa9: {  	s5 =	sadd.s32 @p0 $0x11B8D, s5;
	s6 =	sshll.u32 @p0 s4, $0x11  }
0xaa: {  	s5 =	sor.u32 @p0 s6, s5  }
0xab: {  	[sflag:s5] =	ssyncadd.remote.s32 @p0 $0x1;
	_ =	sdelay $0x1  }
0xac: {  	s5 =	simm.s32 @p0 $0x1B8D  }
0xad: {  	_ =	swait.eq @p0 [sflag:s5], $0x1  }
0xae: {  	[sflag:s5] =	ssyncadd.s32 @p0 $0xFFFFFFFF  }
0xaf: {  	s6 =	sshll.u32 @!p0 s1, $0xE  }
0xb0: {  	s6 =	sor.u32 @!p0 $0x4000, s6;
	s5 =	simm.s32 @!p0 $0x1B8D  }
0xb1: {  	s4 =	sshll.u32 @!p0 s4, $0x11;
	s6 =	sadd.s32 @!p0 $0x11B8D, s6;
	_ =	swait.eq @!p0 [sflag:s5], $0x1  }
0xb2: {  	s4 =	sor.u32 @!p0 s4, s6;
	[sflag:s5] =	ssyncadd.s32 @!p0 $0xFFFFFFFF  }
0xb3: {  	s25 =	simm.s32 $0x1B8E;
	s24 =	sld [smem:$0x3FFE];
	[sflag:s4] =	ssyncadd.remote.s32 @!p0 $0x1  }
0xb4: {  	s26 =	simm.s32 $execute0_lowered;
	[smem:$0x3FD2] =	sst s25  }
0xb5: {  	s5 =	sshll.u32 s26, $0x1;
	_ =	strace $0x80000049;
	[dreg:$0x1] =	wrdreg $0xFFFFFFFF  }
0xb6: {  	s28 =	simm.s32 $_size_execute0_lowered;
	s3 =	sadd.s32 s3, s5;
	[dreg:$0x0] =	wrdreg $0x0  }
0xb7: {  	s5 =	sshll.u32 s28, $0x1;
	[dreg:$0x2] =	wrdreg s3  }
0xb8: {  	[dreg:$0x3] =	wrdreg s5  }
0xb9: {  	[dreg:$0x4] =	wrdreg $0xC0  }
0xba: {  	_ =	task [dreg:s22], $0x5FFFF  }
0xbb: {  	[dreg:$0x1] =	wrdreg $0xFFFFFFFF  }
0xbc: {  	[dreg:$0x0] =	wrdreg $0x60  }
0xbd: {  	[dreg:$0x2] =	wrdreg s24  }
0xbe: {  	[dreg:$0x3] =	wrdreg $0x9  }
0xbf: {  	_ =	task.clear_ibuf [dreg:s22], $0x4FFFF;
	_ =	strace $0x90000049  }
0xc0: {  	s29 =	simm.s32 $0x9;
	_ =	strace $0x8000004B  }
0xc1: {  	_ =	swait.ge [sflag:s29], $0x1  }
0xc2: {  	[sflag:s29] =	ssyncadd.s32 $0xFFFFFFFF  }
0xc3: {  	_ =	strace $0x9000004B  }
0xc4: {  	_ =	sfence  }
0xc5: {  	s30 =	sld [smem:$0x0];
	_ =	sdelay $0x2  }
0xc6: {  	s31 =	sshll.u32 s1, $0xD;
	s1 =	sshrl.u32 s1, $0x2  }
0xc7: {  	s4 =	sand.u32 $0x4000, s31;
	s1 =	sadd.s32 s1, s30  }
0xc8: {  	s0 =	sor.u32 s4, s0;
	s1 =	sshll.u32 s1, $0x11  }
0xc9: {  	s0 =	sor.u32 s1, s0  }
0xca: {  	s0 =	sadd.s32 $0x8F2B, s0  }
0xcb: {  	[sflag:s0] =	ssyncadd.remote.s32 $0x1  }
0xcc: {  	_ =	sfence.sel $0xFFFF  }
0xcd: {  	[dreg:$0x0] =	wrdreg $0xFFFFFFFF;
	(pc) =	sbr.abs _section_cstart, $3  }
0xce: {  	[dreg:$0x1] =	wrdreg $0xFFFFFFFF  }
0xcf: {  	_ =	task.clear_ibuf [dreg:s22], $0x2FFFF;
	_ =	strace $0x9FFFFFFF  }
0xd0: {  	(tm) =	ssettm $0x7FFFFFFF  }
0xd1: {  	_ =	shalt  }
tec
execute0_lowered:
.L_overlay_start_1:
0x0: {  	(tag) =	ssettag $0x1  }
0x1: {  	s1 =	rddreg [dreg:$0x0];
	s2 =	simm.s32 $0x0  }
0x2: {  	s9 =	simm.s32 $0x1080;
	[smem:$0x7FF] =	sst s2  }
0x3: {  	s10 =	simm.s32 $0x100;
	_ =	strace $0x8000004A;
	[dreg:$0x4] =	wrdreg s9  }
0x4: {  	s11 =	simm.s32 $0x1100;
	[dreg:$0x5] =	wrdreg s10  }
0x5: {  	s12 =	simm.s32 $0x180;
	[dreg:$0x6] =	wrdreg s11  }
0x6: {  	s13 =	simm.s32 $0x1180;
	[dreg:$0x7] =	wrdreg s12  }
0x7: {  	s14 =	simm.s32 $0x200;
	[dreg:$0x8] =	wrdreg s13  }
0x8: {  	s15 =	simm.s32 $0x1200;
	[dreg:$0x9] =	wrdreg s14  }
0x9: {  	s16 =	simm.s32 $0x280;
	[dreg:$0xa] =	wrdreg s15  }
0xa: {  	s17 =	simm.s32 $0x1280;
	[dreg:$0xb] =	wrdreg s16  }
0xb: {  	s18 =	simm.s32 $0x300;
	[dreg:$0xc] =	wrdreg s17  }
0xc: {  	s19 =	simm.s32 $0x1300;
	[dreg:$0xd] =	wrdreg s18  }
0xd: {  	s20 =	simm.s32 $0x380;
	[dreg:$0xe] =	wrdreg s19  }
0xe: {  	s21 =	simm.s32 $0x1380;
	[dreg:$0xf] =	wrdreg s20  }
0xf: {  	s22 =	simm.s32 $0x400;
	[dreg:$0x10] =	wrdreg s21  }
0x10: {  	s23 =	simm.s32 $0x1400;
	[dreg:$0x11] =	wrdreg s22  }
0x11: {  	s24 =	simm.s32 $0x480;
	[dreg:$0x12] =	wrdreg s23  }
0x12: {  	s25 =	simm.s32 $0x1480;
	[dreg:$0x13] =	wrdreg s24  }
0x13: {  	s26 =	simm.s32 $0x500;
	[dreg:$0x14] =	wrdreg s25  }
0x14: {  	s5 =	simm.s32 $0x580;
	[dreg:$0x15] =	wrdreg s26  }
0x15: {  	s6 =	simm.s32 $0x1580;
	[dreg:$0x17] =	wrdreg s5  }
0x16: {  	s7 =	simm.s32 $0x600;
	[dreg:$0x18] =	wrdreg s6  }
0x17: {  	s8 =	simm.s32 $0x1600;
	[dreg:$0x19] =	wrdreg s7  }
0x18: {  	[dreg:$0x1a] =	wrdreg s8;
	s9 =	simm.s32 $0x680  }
0x19: {  	s10 =	simm.s32 $0x1680;
	[dreg:$0x1b] =	wrdreg s9  }
0x1a: {  	s11 =	simm.s32 $0x700;
	[dreg:$0x1c] =	wrdreg s10  }
0x1b: {  	s12 =	simm.s32 $0x1700;
	[dreg:$0x1d] =	wrdreg s11  }
0x1c: {  	s0 =	srdreg.scid;
	s13 =	simm.s32 $0x780;
	[dreg:$0x1e] =	wrdreg s12  }
0x1d: {  	s4 =	stileid.u32;
	s14 =	simm.s32 $0x1780;
	[dreg:$0x1f] =	wrdreg s13  }
0x1e: {  	s28 =	simm.s32 $0x1F00;
	s15 =	simm.s32 $0x800;
	[smem:$0x7F1] =	sst s14  }
0x1f: {  	s31 =	simm.s32 $0xF80;
	s16 =	simm.s32 $0x1800;
	[smem:$0x7F2] =	sst s15  }
0x20: {  	s29 =	simm.s32 $0x1F80;
	s17 =	simm.s32 $0x880;
	[smem:$0x7F3] =	sst s16  }
0x21: {  	s30 =	simm.s32 $0x1;
	s18 =	simm.s32 $0x1880;
	[smem:$0x7F4] =	sst s17  }
0x22: {  	s0 =	sand.u32 $0x1, s0;
	s19 =	simm.s32 $0x900;
	[smem:$0x7F5] =	sst s18  }
0x23: {  	s4 =	sshll.u32 s4, $0xC;
	s21 =	simm.s32 $0x1900;
	[smem:$0x7F6] =	sst s19  }
0x24: {  	s3 =	sshll.u32 s0, $0x10;
	s22 =	simm.s32 $0x980;
	[smem:$0x7F7] =	sst s21  }
0x25: {  	s0 =	ssub.s32 $0x2, s0;
	s23 =	simm.s32 $0x1980;
	[smem:$0x7F9] =	sst s22  }
0x26: {  	s5 =	simm.s32 $0x2;
	s24 =	simm.s32 $0xA00;
	[smem:$0x7FA] =	sst s23  }
0x27: {  	s6 =	simm.s32 $0x80;
	s25 =	simm.s32 $0x1A00;
	[smem:$0x7FB] =	sst s24  }
0x28: {  	s7 =	simm.s32 $0x1000;
	s26 =	simm.s32 $0xA80;
	[smem:$0x7FC] =	sst s25  }
0x29: {  	s3 =	sadd.s32 s3, s1;
	s20 =	sshrl.u32 s0, $0x1;
	[smem:$0x7FD] =	sst s26  }
0x2a: {  	s9 =	simm.s32 $0x1A80;
	s10 =	simm.s32 $0xB00;
	s11 =	simm.s32 $0x1B00  }
0x2b: {  	s12 =	simm.s32 $0xB80;
	s13 =	simm.s32 $0x1B80;
	s14 =	simm.s32 $0xC00  }
0x2c: {  	s15 =	simm.s32 $0x1C00;
	s16 =	simm.s32 $0xC80;
	s17 =	simm.s32 $0x1C80  }
0x2d: {  	s18 =	simm.s32 $0xD00;
	s19 =	simm.s32 $0x1D00;
	s21 =	simm.s32 $0x1D80  }
0x2e: {  	s22 =	simm.s32 $0xE00;
	s23 =	simm.s32 $0x1E00;
	s3 =	sadd.s32 s4, s3  }
0x2f: {  	s24 =	simm.s32 $0xE80;
	s25 =	simm.s32 $0x1E80;
	s4 =	sadd.s32 $0x8A1C00, s3  }
0x30: {  	s0 =	ssub.s32 s0, s20;
	s3 =	sadd.s32 $0x881C00, s3;
	[dreg:$0x2] =	wrdreg s4  }
0x31: {  	s26 =	simm.s32 $0xF00;
	s0 =	smax.u32 s0, $0x1;
	[dreg:$0x3] =	wrdreg s3  }
0x32: {  	s20 =	simm.s32 $0xD80;
	s4 =	simm.s32 $0x1500;
	[smem:$0x7F8] =	sst s0  }
0x33: {  	s3 =	sadd.s32 $0x41C00, s1;
	s1 =	simm.s32 $0x0;
	[dreg:$0x16] =	wrdreg s4  }
.LBB2_1:
0x34: {  	s0 =	rddreg [dreg:$0x3]  }
0x35: {  	[smem:$0x7F0] =	sst s1;
	s0 =	sadd.s32 $0x0, s0  }
0x36: {  	[tilespmem:s2], [sflag:$0x2] =	stream.linear.gather [hbm4b:s0+s2], $0x1000, $0x38;
	[tilespmem:$0x2000] =	vst v63  }
0x37: {  	_ =	swait.ge [sflag:s5], $0x1000  }
0x38: {  	s0 =	rddreg [dreg:$0x5]  }
0x39: {  	[sflag:s5] =	ssyncset.done $0x0;
	s1 =	rddreg [dreg:$0x4]  }
0x3a: {  	s4 =	rddreg [dreg:$0x6];
	[sflag:s5] =	ssyncadd.s32 $0xFFFFF000  }
0x3b: {  	[tilespmem:s7], [sflag:$0x1] =	stream.indirect.gather [hbm4b:s3+s6], $0x1, s2, s6, $0xb8;
	[tilespmem:$0x2000] =	vst v63  }
0x3c: {  	s8 =	rddreg [dreg:$0x8]  }
0x3d: {  	[tilespmem:s1], [sflag:$0x1] =	stream.indirect.gather [hbm4b:s3+s6], $0x1, s6, s6, $0xb8;
	[tilespmem:$0x2000] =	vst v63  }
0x3e: {  	s1 =	rddreg [dreg:$0x7]  }
0x3f: {  	[tilespmem:s4], [sflag:$0x1] =	stream.indirect.gather [hbm4b:s3+s6], $0x1, s0, s6, $0xb8;
	[tilespmem:$0x2000] =	vst v63  }
0x40: {  	s0 =	rddreg [dreg:$0xa]  }
0x41: {  	s4 =	rddreg [dreg:$0x9]  }
0x42: {  	[tilespmem:s8], [sflag:$0x1] =	stream.indirect.gather [hbm4b:s3+s6], $0x1, s1, s6, $0xb8;
	[tilespmem:$0x2000] =	vst v63  }
0x43: {  	s1 =	rddreg [dreg:$0xc]  }
0x44: {  	s8 =	rddreg [dreg:$0xb]  }
0x45: {  	[tilespmem:s0], [sflag:$0x1] =	stream.indirect.gather [hbm4b:s3+s6], $0x1, s4, s6, $0xb8;
	[tilespmem:$0x2000] =	vst v63  }
0x46: {  	s0 =	rddreg [dreg:$0xe]  }
0x47: {  	s4 =	rddreg [dreg:$0xd]  }
0x48: {  	[tilespmem:s1], [sflag:$0x1] =	stream.indirect.gather [hbm4b:s3+s6], $0x1, s8, s6, $0xb8;
	[tilespmem:$0x2000] =	vst v63  }
0x49: {  	s1 =	rddreg [dreg:$0x10]  }
0x4a: {  	s8 =	rddreg [dreg:$0xf]  }
0x4b: {  	[tilespmem:s0], [sflag:$0x1] =	stream.indirect.gather [hbm4b:s3+s6], $0x1, s4, s6, $0xb8;
	[tilespmem:$0x2000] =	vst v63  }
0x4c: {  	s0 =	rddreg [dreg:$0x12]  }
0x4d: {  	s4 =	rddreg [dreg:$0x11]  }
0x4e: {  	[tilespmem:s1], [sflag:$0x1] =	stream.indirect.gather [hbm4b:s3+s6], $0x1, s8, s6, $0xb8;
	[tilespmem:$0x2000] =	vst v63  }
0x4f: {  	s1 =	rddreg [dreg:$0x14]  }
0x50: {  	s8 =	rddreg [dreg:$0x13]  }
0x51: {  	[tilespmem:s0], [sflag:$0x1] =	stream.indirect.gather [hbm4b:s3+s6], $0x1, s4, s6, $0xb8;
	[tilespmem:$0x2000] =	vst v63  }
0x52: {  	s0 =	rddreg [dreg:$0x16]  }
0x53: {  	s4 =	rddreg [dreg:$0x15]  }
0x54: {  	[tilespmem:s1], [sflag:$0x1] =	stream.indirect.gather [hbm4b:s3+s6], $0x1, s8, s6, $0xb8;
	[tilespmem:$0x2000] =	vst v63  }
0x55: {  	s1 =	rddreg [dreg:$0x18]  }
0x56: {  	s8 =	rddreg [dreg:$0x17]  }
0x57: {  	[tilespmem:s0], [sflag:$0x1] =	stream.indirect.gather [hbm4b:s3+s6], $0x1, s4, s6, $0xb8;
	[tilespmem:$0x2000] =	vst v63  }
0x58: {  	s0 =	rddreg [dreg:$0x1a]  }
0x59: {  	s4 =	rddreg [dreg:$0x19]  }
0x5a: {  	[tilespmem:s1], [sflag:$0x1] =	stream.indirect.gather [hbm4b:s3+s6], $0x1, s8, s6, $0xb8;
	[tilespmem:$0x2000] =	vst v63  }
0x5b: {  	s1 =	rddreg [dreg:$0x1c]  }
0x5c: {  	s8 =	rddreg [dreg:$0x1b]  }
0x5d: {  	[tilespmem:s0], [sflag:$0x1] =	stream.indirect.gather [hbm4b:s3+s6], $0x1, s4, s6, $0xb8;
	[tilespmem:$0x2000] =	vst v63  }
0x5e: {  	s0 =	rddreg [dreg:$0x1e]  }
0x5f: {  	s4 =	rddreg [dreg:$0x1d]  }
0x60: {  	[tilespmem:s1], [sflag:$0x1] =	stream.indirect.gather [hbm4b:s3+s6], $0x1, s8, s6, $0xb8;
	[tilespmem:$0x2000] =	vst v63  }
0x61: {  	s1 =	sld [smem:$0x7F1]  }
0x62: {  	s8 =	rddreg [dreg:$0x1f]  }
0x63: {  	[tilespmem:s0], [sflag:$0x1] =	stream.indirect.gather [hbm4b:s3+s6], $0x1, s4, s6, $0xb8;
	[tilespmem:$0x2000] =	vst v63  }
0x64: {  	s0 =	sld [smem:$0x7F3]  }
0x65: {  	s4 =	sld [smem:$0x7F2]  }
0x66: {  	[tilespmem:s1], [sflag:$0x1] =	stream.indirect.gather [hbm4b:s3+s6], $0x1, s8, s6, $0xb8;
	[tilespmem:$0x2000] =	vst v63  }
0x67: {  	s1 =	sld [smem:$0x7F5]  }
0x68: {  	s8 =	sld [smem:$0x7F4]  }
0x69: {  	[tilespmem:s0], [sflag:$0x1] =	stream.indirect.gather [hbm4b:s3+s6], $0x1, s4, s6, $0xb8;
	[tilespmem:$0x2000] =	vst v63  }
0x6a: {  	s0 =	sld [smem:$0x7F7]  }
0x6b: {  	s4 =	sld [smem:$0x7F6]  }
0x6c: {  	[tilespmem:s1], [sflag:$0x1] =	stream.indirect.gather [hbm4b:s3+s6], $0x1, s8, s6, $0xb8;
	[tilespmem:$0x2000] =	vst v63  }
0x6d: {  	s1 =	sld [smem:$0x7FA]  }
0x6e: {  	s8 =	sld [smem:$0x7F9]  }
0x6f: {  	[tilespmem:s0], [sflag:$0x1] =	stream.indirect.gather [hbm4b:s3+s6], $0x1, s4, s6, $0xb8;
	[tilespmem:$0x2000] =	vst v63  }
0x70: {  	s0 =	sld [smem:$0x7FC]  }
0x71: {  	s4 =	sld [smem:$0x7FB]  }
0x72: {  	[tilespmem:s1], [sflag:$0x1] =	stream.indirect.gather [hbm4b:s3+s6], $0x1, s8, s6, $0xb8;
	[tilespmem:$0x2000] =	vst v63  }
0x73: {  	s8 =	sld [smem:$0x7FD]  }
0x74: {  	[tilespmem:s0], [sflag:$0x1] =	stream.indirect.gather [hbm4b:s3+s6], $0x1, s4, s6, $0xb8;
	[tilespmem:$0x2000] =	vst v63  }
0x75: {  	_ = 	snop  }
0x76: {  	[tilespmem:s9], [sflag:$0x1] =	stream.indirect.gather [hbm4b:s3+s6], $0x1, s8, s6, $0xb8;
	[tilespmem:$0x2000] =	vst v63  }
0x77: {  	_ = 	snop  }
0x78: {  	[tilespmem:s11], [sflag:$0x1] =	stream.indirect.gather [hbm4b:s3+s6], $0x1, s10, s6, $0xb8;
	[tilespmem:$0x2000] =	vst v63  }
0x79: {  	_ = 	snop  }
0x7a: {  	[tilespmem:s13], [sflag:$0x1] =	stream.indirect.gather [hbm4b:s3+s6], $0x1, s12, s6, $0xb8;
	[tilespmem:$0x2000] =	vst v63  }
0x7b: {  	_ = 	snop  }
0x7c: {  	[tilespmem:s15], [sflag:$0x1] =	stream.indirect.gather [hbm4b:s3+s6], $0x1, s14, s6, $0xb8;
	[tilespmem:$0x2000] =	vst v63  }
0x7d: {  	_ = 	snop  }
0x7e: {  	[tilespmem:s17], [sflag:$0x1] =	stream.indirect.gather [hbm4b:s3+s6], $0x1, s16, s6, $0xb8;
	[tilespmem:$0x2000] =	vst v63  }
0x7f: {  	_ = 	snop  }
0x80: {  	[tilespmem:s19], [sflag:$0x1] =	stream.indirect.gather [hbm4b:s3+s6], $0x1, s18, s6, $0xb8;
	[tilespmem:$0x2000] =	vst v63  }
0x81: {  	_ = 	snop  }
0x82: {  	[tilespmem:s21], [sflag:$0x1] =	stream.indirect.gather [hbm4b:s3+s6], $0x1, s20, s6, $0xb8;
	[tilespmem:$0x2000] =	vst v63  }
0x83: {  	_ = 	snop  }
0x84: {  	[tilespmem:s23], [sflag:$0x1] =	stream.indirect.gather [hbm4b:s3+s6], $0x1, s22, s6, $0xb8;
	[tilespmem:$0x2000] =	vst v63  }
0x85: {  	_ = 	snop  }
0x86: {  	[tilespmem:s25], [sflag:$0x1] =	stream.indirect.gather [hbm4b:s3+s6], $0x1, s24, s6, $0xb8;
	[tilespmem:$0x2000] =	vst v63  }
0x87: {  	_ = 	snop  }
0x88: {  	[tilespmem:s28], [sflag:$0x1] =	stream.indirect.gather [hbm4b:s3+s6], $0x1, s26, s6, $0xb8;
	[tilespmem:$0x2000] =	vst v63  }
0x89: {  	_ = 	snop  }
0x8a: {  	[tilespmem:s29], [sflag:$0x1] =	stream.indirect.gather [hbm4b:s3+s6], $0x1, s31, s6, $0xb8;
	[tilespmem:$0x2000] =	vst v63  }
0x8b: {  	_ =	swait.ge [sflag:s30], $0x80  }
0x8c: {  	[sflag:s30] =	ssyncset.done $0x0  }
0x8d: {  	[sflag:s30] =	ssyncadd.s32 $0xFFFFFF80  }
0x8e: {  	_ =	swait.ge [sflag:s30], $0x80  }
0x8f: {  	[sflag:s30] =	ssyncset.done $0x0  }
0x90: {  	[sflag:s30] =	ssyncadd.s32 $0xFFFFFF80  }
0x91: {  	_ =	swait.ge [sflag:s30], $0x80  }
0x92: {  	[sflag:s30] =	ssyncset.done $0x0  }
0x93: {  	[sflag:s30] =	ssyncadd.s32 $0xFFFFFF80  }
0x94: {  	_ =	swait.ge [sflag:s30], $0x80  }
0x95: {  	[sflag:s30] =	ssyncset.done $0x0  }
0x96: {  	[sflag:s30] =	ssyncadd.s32 $0xFFFFFF80  }
0x97: {  	_ =	swait.ge [sflag:s30], $0x80  }
0x98: {  	[sflag:s30] =	ssyncset.done $0x0  }
0x99: {  	[sflag:s30] =	ssyncadd.s32 $0xFFFFFF80  }
0x9a: {  	_ =	swait.ge [sflag:s30], $0x80  }
0x9b: {  	[sflag:s30] =	ssyncset.done $0x0  }
0x9c: {  	[sflag:s30] =	ssyncadd.s32 $0xFFFFFF80  }
0x9d: {  	_ =	swait.ge [sflag:s30], $0x80  }
0x9e: {  	[sflag:s30] =	ssyncset.done $0x0  }
0x9f: {  	[sflag:s30] =	ssyncadd.s32 $0xFFFFFF80  }
0xa0: {  	_ =	swait.ge [sflag:s30], $0x80  }
0xa1: {  	[sflag:s30] =	ssyncset.done $0x0  }
0xa2: {  	[sflag:s30] =	ssyncadd.s32 $0xFFFFFF80  }
0xa3: {  	_ =	swait.ge [sflag:s30], $0x80  }
0xa4: {  	[sflag:s30] =	ssyncset.done $0x0  }
0xa5: {  	[sflag:s30] =	ssyncadd.s32 $0xFFFFFF80  }
0xa6: {  	_ =	swait.ge [sflag:s30], $0x80  }
0xa7: {  	[sflag:s30] =	ssyncset.done $0x0  }
0xa8: {  	[sflag:s30] =	ssyncadd.s32 $0xFFFFFF80  }
0xa9: {  	_ =	swait.ge [sflag:s30], $0x80  }
0xaa: {  	[sflag:s30] =	ssyncset.done $0x0  }
0xab: {  	[sflag:s30] =	ssyncadd.s32 $0xFFFFFF80  }
0xac: {  	_ =	swait.ge [sflag:s30], $0x80  }
0xad: {  	[sflag:s30] =	ssyncset.done $0x0  }
0xae: {  	[sflag:s30] =	ssyncadd.s32 $0xFFFFFF80  }
0xaf: {  	_ =	swait.ge [sflag:s30], $0x80  }
0xb0: {  	[sflag:s30] =	ssyncset.done $0x0  }
0xb1: {  	[sflag:s30] =	ssyncadd.s32 $0xFFFFFF80  }
0xb2: {  	_ =	swait.ge [sflag:s30], $0x80  }
0xb3: {  	[sflag:s30] =	ssyncset.done $0x0  }
0xb4: {  	[sflag:s30] =	ssyncadd.s32 $0xFFFFFF80  }
0xb5: {  	_ =	swait.ge [sflag:s30], $0x80  }
0xb6: {  	[sflag:s30] =	ssyncset.done $0x0  }
0xb7: {  	[sflag:s30] =	ssyncadd.s32 $0xFFFFFF80  }
0xb8: {  	_ =	swait.ge [sflag:s30], $0x80  }
0xb9: {  	[sflag:s30] =	ssyncset.done $0x0  }
0xba: {  	[sflag:s30] =	ssyncadd.s32 $0xFFFFFF80  }
0xbb: {  	_ =	swait.ge [sflag:s30], $0x80  }
0xbc: {  	[sflag:s30] =	ssyncset.done $0x0  }
0xbd: {  	[sflag:s30] =	ssyncadd.s32 $0xFFFFFF80  }
0xbe: {  	_ =	swait.ge [sflag:s30], $0x80  }
0xbf: {  	[sflag:s30] =	ssyncset.done $0x0  }
0xc0: {  	[sflag:s30] =	ssyncadd.s32 $0xFFFFFF80  }
0xc1: {  	_ =	swait.ge [sflag:s30], $0x80  }
0xc2: {  	[sflag:s30] =	ssyncset.done $0x0  }
0xc3: {  	[sflag:s30] =	ssyncadd.s32 $0xFFFFFF80  }
0xc4: {  	_ =	swait.ge [sflag:s30], $0x80  }
0xc5: {  	[sflag:s30] =	ssyncset.done $0x0  }
0xc6: {  	[sflag:s30] =	ssyncadd.s32 $0xFFFFFF80  }
0xc7: {  	_ =	swait.ge [sflag:s30], $0x80  }
0xc8: {  	[sflag:s30] =	ssyncset.done $0x0  }
0xc9: {  	[sflag:s30] =	ssyncadd.s32 $0xFFFFFF80  }
0xca: {  	_ =	swait.ge [sflag:s30], $0x80  }
0xcb: {  	[sflag:s30] =	ssyncset.done $0x0  }
0xcc: {  	[sflag:s30] =	ssyncadd.s32 $0xFFFFFF80  }
0xcd: {  	_ =	swait.ge [sflag:s30], $0x80  }
0xce: {  	[sflag:s30] =	ssyncset.done $0x0  }
0xcf: {  	[sflag:s30] =	ssyncadd.s32 $0xFFFFFF80  }
0xd0: {  	_ =	swait.ge [sflag:s30], $0x80  }
0xd1: {  	[sflag:s30] =	ssyncset.done $0x0  }
0xd2: {  	[sflag:s30] =	ssyncadd.s32 $0xFFFFFF80  }
0xd3: {  	_ =	swait.ge [sflag:s30], $0x80  }
0xd4: {  	[sflag:s30] =	ssyncset.done $0x0  }
0xd5: {  	[sflag:s30] =	ssyncadd.s32 $0xFFFFFF80  }
0xd6: {  	_ =	swait.ge [sflag:s30], $0x80  }
0xd7: {  	[sflag:s30] =	ssyncset.done $0x0  }
0xd8: {  	[sflag:s30] =	ssyncadd.s32 $0xFFFFFF80  }
0xd9: {  	_ =	swait.ge [sflag:s30], $0x80  }
0xda: {  	[sflag:s30] =	ssyncset.done $0x0  }
0xdb: {  	[sflag:s30] =	ssyncadd.s32 $0xFFFFFF80  }
0xdc: {  	s1 =	simm.s32 $0x200;
	s0 =	simm.s32 $0x0;
	_ =	swait.ge [sflag:s30], $0x80  }
.LBB2_2:
0xdd: {  	[sflag:s30] =	ssyncset.done $0x0  }
0xde: {  	[sflag:s30] =	ssyncadd.s32 $0xFFFFFF80  }
0xdf: {  	_ =	swait.ge [sflag:s30], $0x80  }
0xe0: {  	[sflag:s30] =	ssyncset.done $0x0  }
0xe1: {  	[sflag:s30] =	ssyncadd.s32 $0xFFFFFF80  }
0xe2: {  	_ =	swait.ge [sflag:s30], $0x80  }
0xe3: {  	[sflag:s30] =	ssyncset.done $0x0  }
0xe4: {  	[sflag:s30] =	ssyncadd.s32 $0xFFFFFF80  }
0xe5: {  	_ =	swait.ge [sflag:s30], $0x80  }
0xe6: {  	[sflag:s30] =	ssyncset.done $0x0  }
0xe7: {  	[sflag:s30] =	ssyncadd.s32 $0xFFFFFF80  }
0xe8: {  	_ =	swait.ge [sflag:s30], $0x80  }
0xe9: {  	s8 =	rddreg [dreg:$0x2];
	[sflag:s30] =	ssyncset.done $0x0  }
0xea: {  	[sflag:s30] =	ssyncadd.s32 $0xFFFFFF80;
	s8 =	sadd.s32 s0, s8  }
0xeb: {  	[hbm4b:s8+s2] =	stream.linear.scatter [tilespmem:s7], [sflag:$0x2], $0x1000, $0x38;
	[tilespmem:$0x2000] =	vst v63  }
0xec: {  	s4 =	smov.u32 s1;
	_ =	swait.ge [sflag:s5], $0x1000  }
0xed: {  	s0 =	smov.u32 s4;
	s26 =	rddreg [dreg:$0x3];
	[sflag:s5] =	ssyncset.done $0x0  }
0xee: {  	[sflag:s5] =	ssyncadd.s32 $0xFFFFF000;
	s4 =	sadd.s32 s0, s26  }
0xef: {  	[tilespmem:s2], [sflag:$0x2] =	stream.linear.gather [hbm4b:s4+s2], $0x1000, $0x38;
	[tilespmem:$0x2000] =	vst v63  }
0xf0: {  	_ =	swait.ge [sflag:s5], $0x1000  }
0xf1: {  	s4 =	sld [smem:$0x7FC]  }
0xf2: {  	s31 =	sld [smem:$0x7FA]  }
0xf3: {  	s8 =	sld [smem:$0x7F7]  }
0xf4: {  	s9 =	sld [smem:$0x7F5]  }
0xf5: {  	s10 =	sld [smem:$0x7F3]  }
0xf6: {  	s11 =	sld [smem:$0x7F1]  }
0xf7: {  	s12 =	rddreg [dreg:$0x1e]  }
0xf8: {  	s13 =	rddreg [dreg:$0x1c]  }
0xf9: {  	s14 =	rddreg [dreg:$0x1a]  }
0xfa: {  	s15 =	rddreg [dreg:$0x18]  }
0xfb: {  	s16 =	rddreg [dreg:$0x16]  }
0xfc: {  	s17 =	rddreg [dreg:$0x14]  }
0xfd: {  	s18 =	rddreg [dreg:$0x12]  }
0xfe: {  	s19 =	rddreg [dreg:$0x10]  }
0xff: {  	s20 =	rddreg [dreg:$0xe]  }
0x100: {  	s21 =	rddreg [dreg:$0xc]  }
0x101: {  	s22 =	rddreg [dreg:$0xa]  }
0x102: {  	s23 =	rddreg [dreg:$0x5]  }
0x103: {  	[sflag:s5] =	ssyncset.done $0x0;
	s24 =	rddreg [dreg:$0x4]  }
0x104: {  	s25 =	rddreg [dreg:$0x6];
	[sflag:s5] =	ssyncadd.s32 $0xFFFFF000  }
0x105: {  	[tilespmem:s7], [sflag:$0x1] =	stream.indirect.gather [hbm4b:s3+s6], $0x1, s2, s6, $0xb8;
	[tilespmem:$0x2000] =	vst v63  }
0x106: {  	s26 =	rddreg [dreg:$0x8]  }
0x107: {  	[tilespmem:s24], [sflag:$0x1] =	stream.indirect.gather [hbm4b:s3+s6], $0x1, s6, s6, $0xb8;
	[tilespmem:$0x2000] =	vst v63  }
0x108: {  	s24 =	rddreg [dreg:$0x7]  }
0x109: {  	[tilespmem:s25], [sflag:$0x1] =	stream.indirect.gather [hbm4b:s3+s6], $0x1, s23, s6, $0xb8;
	[tilespmem:$0x2000] =	vst v63  }
0x10a: {  	s23 =	rddreg [dreg:$0x9]  }
0x10b: {  	[tilespmem:s26], [sflag:$0x1] =	stream.indirect.gather [hbm4b:s3+s6], $0x1, s24, s6, $0xb8;
	[tilespmem:$0x2000] =	vst v63  }
0x10c: {  	s24 =	rddreg [dreg:$0xb]  }
0x10d: {  	[tilespmem:s22], [sflag:$0x1] =	stream.indirect.gather [hbm4b:s3+s6], $0x1, s23, s6, $0xb8;
	[tilespmem:$0x2000] =	vst v63  }
0x10e: {  	s22 =	rddreg [dreg:$0xd]  }
0x10f: {  	[tilespmem:s21], [sflag:$0x1] =	stream.indirect.gather [hbm4b:s3+s6], $0x1, s24, s6, $0xb8;
	[tilespmem:$0x2000] =	vst v63  }
0x110: {  	s21 =	rddreg [dreg:$0xf]  }
0x111: {  	[tilespmem:s20], [sflag:$0x1] =	stream.indirect.gather [hbm4b:s3+s6], $0x1, s22, s6, $0xb8;
	[tilespmem:$0x2000] =	vst v63  }
0x112: {  	s20 =	rddreg [dreg:$0x11]  }
0x113: {  	[tilespmem:s19], [sflag:$0x1] =	stream.indirect.gather [hbm4b:s3+s6], $0x1, s21, s6, $0xb8;
	[tilespmem:$0x2000] =	vst v63  }
0x114: {  	s19 =	rddreg [dreg:$0x13]  }
0x115: {  	[tilespmem:s18], [sflag:$0x1] =	stream.indirect.gather [hbm4b:s3+s6], $0x1, s20, s6, $0xb8;
	[tilespmem:$0x2000] =	vst v63  }
0x116: {  	s18 =	rddreg [dreg:$0x15]  }
0x117: {  	[tilespmem:s17], [sflag:$0x1] =	stream.indirect.gather [hbm4b:s3+s6], $0x1, s19, s6, $0xb8;
	[tilespmem:$0x2000] =	vst v63  }
0x118: {  	s17 =	rddreg [dreg:$0x17]  }
0x119: {  	[tilespmem:s16], [sflag:$0x1] =	stream.indirect.gather [hbm4b:s3+s6], $0x1, s18, s6, $0xb8;
	[tilespmem:$0x2000] =	vst v63  }
0x11a: {  	s16 =	rddreg [dreg:$0x19]  }
0x11b: {  	[tilespmem:s15], [sflag:$0x1] =	stream.indirect.gather [hbm4b:s3+s6], $0x1, s17, s6, $0xb8;
	[tilespmem:$0x2000] =	vst v63  }
0x11c: {  	s15 =	rddreg [dreg:$0x1b]  }
0x11d: {  	[tilespmem:s14], [sflag:$0x1] =	stream.indirect.gather [hbm4b:s3+s6], $0x1, s16, s6, $0xb8;
	[tilespmem:$0x2000] =	vst v63  }
0x11e: {  	s14 =	rddreg [dreg:$0x1d]  }
0x11f: {  	[tilespmem:s13], [sflag:$0x1] =	stream.indirect.gather [hbm4b:s3+s6], $0x1, s15, s6, $0xb8;
	[tilespmem:$0x2000] =	vst v63  }
0x120: {  	s13 =	rddreg [dreg:$0x1f]  }
0x121: {  	[tilespmem:s12], [sflag:$0x1] =	stream.indirect.gather [hbm4b:s3+s6], $0x1, s14, s6, $0xb8;
	[tilespmem:$0x2000] =	vst v63  }
0x122: {  	s12 =	sld [smem:$0x7F2]  }
0x123: {  	[tilespmem:s11], [sflag:$0x1] =	stream.indirect.gather [hbm4b:s3+s6], $0x1, s13, s6, $0xb8;
	[tilespmem:$0x2000] =	vst v63  }
0x124: {  	s11 =	sld [smem:$0x7F4]  }
0x125: {  	[tilespmem:s10], [sflag:$0x1] =	stream.indirect.gather [hbm4b:s3+s6], $0x1, s12, s6, $0xb8;
	[tilespmem:$0x2000] =	vst v63  }
0x126: {  	s10 =	sld [smem:$0x7F6]  }
0x127: {  	[tilespmem:s9], [sflag:$0x1] =	stream.indirect.gather [hbm4b:s3+s6], $0x1, s11, s6, $0xb8;
	[tilespmem:$0x2000] =	vst v63  }
0x128: {  	s9 =	sld [smem:$0x7F9]  }
0x129: {  	[tilespmem:s8], [sflag:$0x1] =	stream.indirect.gather [hbm4b:s3+s6], $0x1, s10, s6, $0xb8;
	[tilespmem:$0x2000] =	vst v63  }
0x12a: {  	s8 =	sld [smem:$0x7FB]  }
0x12b: {  	[tilespmem:s31], [sflag:$0x1] =	stream.indirect.gather [hbm4b:s3+s6], $0x1, s9, s6, $0xb8;
	[tilespmem:$0x2000] =	vst v63  }
0x12c: {  	s9 =	sld [smem:$0x7FD]  }
0x12d: {  	[tilespmem:s4], [sflag:$0x1] =	stream.indirect.gather [hbm4b:s3+s6], $0x1, s8, s6, $0xb8;
	[tilespmem:$0x2000] =	vst v63  }
0x12e: {  	s28 =	simm.s32 $0x1A80  }
0x12f: {  	[tilespmem:s28], [sflag:$0x1] =	stream.indirect.gather [hbm4b:s3+s6], $0x1, s9, s6, $0xb8;
	[tilespmem:$0x2000] =	vst v63  }
0x130: {  	s11 =	simm.s32 $0x1B00;
	s10 =	simm.s32 $0xB00  }
0x131: {  	[tilespmem:s11], [sflag:$0x1] =	stream.indirect.gather [hbm4b:s3+s6], $0x1, s10, s6, $0xb8;
	[tilespmem:$0x2000] =	vst v63  }
0x132: {  	s13 =	simm.s32 $0x1B80;
	s12 =	simm.s32 $0xB80  }
0x133: {  	[tilespmem:s13], [sflag:$0x1] =	stream.indirect.gather [hbm4b:s3+s6], $0x1, s12, s6, $0xb8;
	[tilespmem:$0x2000] =	vst v63  }
0x134: {  	s15 =	simm.s32 $0x1C00;
	s14 =	simm.s32 $0xC00  }
0x135: {  	[tilespmem:s15], [sflag:$0x1] =	stream.indirect.gather [hbm4b:s3+s6], $0x1, s14, s6, $0xb8;
	[tilespmem:$0x2000] =	vst v63  }
0x136: {  	s17 =	simm.s32 $0x1C80;
	s16 =	simm.s32 $0xC80  }
0x137: {  	[tilespmem:s17], [sflag:$0x1] =	stream.indirect.gather [hbm4b:s3+s6], $0x1, s16, s6, $0xb8;
	[tilespmem:$0x2000] =	vst v63  }
0x138: {  	s19 =	simm.s32 $0x1D00;
	s18 =	simm.s32 $0xD00  }
0x139: {  	[tilespmem:s19], [sflag:$0x1] =	stream.indirect.gather [hbm4b:s3+s6], $0x1, s18, s6, $0xb8;
	[tilespmem:$0x2000] =	vst v63  }
0x13a: {  	s21 =	simm.s32 $0x1D80;
	s20 =	simm.s32 $0xD80  }
0x13b: {  	[tilespmem:s21], [sflag:$0x1] =	stream.indirect.gather [hbm4b:s3+s6], $0x1, s20, s6, $0xb8;
	[tilespmem:$0x2000] =	vst v63  }
0x13c: {  	s23 =	simm.s32 $0x1E00;
	s22 =	simm.s32 $0xE00  }
0x13d: {  	[tilespmem:s23], [sflag:$0x1] =	stream.indirect.gather [hbm4b:s3+s6], $0x1, s22, s6, $0xb8;
	[tilespmem:$0x2000] =	vst v63  }
0x13e: {  	s25 =	simm.s32 $0x1E80;
	s24 =	simm.s32 $0xE80  }
0x13f: {  	[tilespmem:s25], [sflag:$0x1] =	stream.indirect.gather [hbm4b:s3+s6], $0x1, s24, s6, $0xb8;
	[tilespmem:$0x2000] =	vst v63  }
0x140: {  	s26 =	simm.s32 $0xF00;
	s28 =	simm.s32 $0x1F00  }
0x141: {  	[tilespmem:s28], [sflag:$0x1] =	stream.indirect.gather [hbm4b:s3+s6], $0x1, s26, s6, $0xb8;
	[tilespmem:$0x2000] =	vst v63  }
0x142: {  	s31 =	simm.s32 $0xF80  }
0x143: {  	[tilespmem:s29], [sflag:$0x1] =	stream.indirect.gather [hbm4b:s3+s6], $0x1, s31, s6, $0xb8;
	[tilespmem:$0x2000] =	vst v63  }
0x144: {  	_ =	swait.ge [sflag:s30], $0x80  }
0x145: {  	[sflag:s30] =	ssyncset.done $0x0  }
0x146: {  	[sflag:s30] =	ssyncadd.s32 $0xFFFFFF80  }
0x147: {  	_ =	swait.ge [sflag:s30], $0x80  }
0x148: {  	[sflag:s30] =	ssyncset.done $0x0  }
0x149: {  	[sflag:s30] =	ssyncadd.s32 $0xFFFFFF80  }
0x14a: {  	_ =	swait.ge [sflag:s30], $0x80  }
0x14b: {  	[sflag:s30] =	ssyncset.done $0x0  }
0x14c: {  	[sflag:s30] =	ssyncadd.s32 $0xFFFFFF80  }
0x14d: {  	_ =	swait.ge [sflag:s30], $0x80  }
0x14e: {  	[sflag:s30] =	ssyncset.done $0x0  }
0x14f: {  	[sflag:s30] =	ssyncadd.s32 $0xFFFFFF80  }
0x150: {  	_ =	swait.ge [sflag:s30], $0x80  }
0x151: {  	[sflag:s30] =	ssyncset.done $0x0  }
0x152: {  	[sflag:s30] =	ssyncadd.s32 $0xFFFFFF80  }
0x153: {  	_ =	swait.ge [sflag:s30], $0x80  }
0x154: {  	[sflag:s30] =	ssyncset.done $0x0  }
0x155: {  	[sflag:s30] =	ssyncadd.s32 $0xFFFFFF80  }
0x156: {  	_ =	swait.ge [sflag:s30], $0x80  }
0x157: {  	[sflag:s30] =	ssyncset.done $0x0  }
0x158: {  	[sflag:s30] =	ssyncadd.s32 $0xFFFFFF80  }
0x159: {  	_ =	swait.ge [sflag:s30], $0x80  }
0x15a: {  	[sflag:s30] =	ssyncset.done $0x0  }
0x15b: {  	[sflag:s30] =	ssyncadd.s32 $0xFFFFFF80  }
0x15c: {  	_ =	swait.ge [sflag:s30], $0x80  }
0x15d: {  	[sflag:s30] =	ssyncset.done $0x0  }
0x15e: {  	[sflag:s30] =	ssyncadd.s32 $0xFFFFFF80  }
0x15f: {  	_ =	swait.ge [sflag:s30], $0x80  }
0x160: {  	[sflag:s30] =	ssyncset.done $0x0  }
0x161: {  	[sflag:s30] =	ssyncadd.s32 $0xFFFFFF80  }
0x162: {  	_ =	swait.ge [sflag:s30], $0x80  }
0x163: {  	[sflag:s30] =	ssyncset.done $0x0  }
0x164: {  	[sflag:s30] =	ssyncadd.s32 $0xFFFFFF80  }
0x165: {  	_ =	swait.ge [sflag:s30], $0x80  }
0x166: {  	[sflag:s30] =	ssyncset.done $0x0  }
0x167: {  	[sflag:s30] =	ssyncadd.s32 $0xFFFFFF80  }
0x168: {  	_ =	swait.ge [sflag:s30], $0x80  }
0x169: {  	[sflag:s30] =	ssyncset.done $0x0  }
0x16a: {  	[sflag:s30] =	ssyncadd.s32 $0xFFFFFF80  }
0x16b: {  	_ =	swait.ge [sflag:s30], $0x80  }
0x16c: {  	[sflag:s30] =	ssyncset.done $0x0  }
0x16d: {  	[sflag:s30] =	ssyncadd.s32 $0xFFFFFF80  }
0x16e: {  	_ =	swait.ge [sflag:s30], $0x80  }
0x16f: {  	[sflag:s30] =	ssyncset.done $0x0  }
0x170: {  	[sflag:s30] =	ssyncadd.s32 $0xFFFFFF80  }
0x171: {  	_ =	swait.ge [sflag:s30], $0x80  }
0x172: {  	[sflag:s30] =	ssyncset.done $0x0  }
0x173: {  	[sflag:s30] =	ssyncadd.s32 $0xFFFFFF80  }
0x174: {  	_ =	swait.ge [sflag:s30], $0x80  }
0x175: {  	[sflag:s30] =	ssyncset.done $0x0  }
0x176: {  	[sflag:s30] =	ssyncadd.s32 $0xFFFFFF80  }
0x177: {  	_ =	swait.ge [sflag:s30], $0x80  }
0x178: {  	[sflag:s30] =	ssyncset.done $0x0  }
0x179: {  	[sflag:s30] =	ssyncadd.s32 $0xFFFFFF80  }
0x17a: {  	_ =	swait.ge [sflag:s30], $0x80  }
0x17b: {  	[sflag:s30] =	ssyncset.done $0x0  }
0x17c: {  	[sflag:s30] =	ssyncadd.s32 $0xFFFFFF80  }
0x17d: {  	_ =	swait.ge [sflag:s30], $0x80  }
0x17e: {  	[sflag:s30] =	ssyncset.done $0x0  }
0x17f: {  	[sflag:s30] =	ssyncadd.s32 $0xFFFFFF80  }
0x180: {  	_ =	swait.ge [sflag:s30], $0x80  }
0x181: {  	[sflag:s30] =	ssyncset.done $0x0  }
0x182: {  	[sflag:s30] =	ssyncadd.s32 $0xFFFFFF80  }
0x183: {  	_ =	swait.ge [sflag:s30], $0x80  }
0x184: {  	[sflag:s30] =	ssyncset.done $0x0  }
0x185: {  	[sflag:s30] =	ssyncadd.s32 $0xFFFFFF80  }
0x186: {  	_ =	swait.ge [sflag:s30], $0x80  }
0x187: {  	[sflag:s30] =	ssyncset.done $0x0  }
0x188: {  	[sflag:s30] =	ssyncadd.s32 $0xFFFFFF80  }
0x189: {  	_ =	swait.ge [sflag:s30], $0x80  }
0x18a: {  	[sflag:s30] =	ssyncset.done $0x0  }
0x18b: {  	[sflag:s30] =	ssyncadd.s32 $0xFFFFFF80  }
0x18c: {  	_ =	swait.ge [sflag:s30], $0x80  }
0x18d: {  	[sflag:s30] =	ssyncset.done $0x0  }
0x18e: {  	[sflag:s30] =	ssyncadd.s32 $0xFFFFFF80  }
0x18f: {  	_ =	swait.ge [sflag:s30], $0x80  }
0x190: {  	p0 =	sne.s32 s1, $0xE00;
	[sflag:s30] =	ssyncset.done $0x0  }
.Ltmp0:
0x191: {  	[sflag:s30] =	ssyncadd.s32 $0xFFFFFF80;
	(pc) =	sbr.rel @p0 .LBB2_2-.Ltmp0, $4  }
0x192: {  	_ =	swait.ge [sflag:s30], $0x80  }
0x193: {  	[sflag:s30] =	ssyncset.done $0x0  }
0x194: {  	[sflag:s30] =	ssyncadd.s32 $0xFFFFFF80  }
0x195: {  	s1 =	sadd.s32 $0x200, s1;
	s9 =	simm.s32 $0x1A80;
	_ =	swait.ge [sflag:s30], $0x80  }
0x196: {  	[sflag:s30] =	ssyncset.done $0x0  }
0x197: {  	[sflag:s30] =	ssyncadd.s32 $0xFFFFFF80  }
0x198: {  	_ =	swait.ge [sflag:s30], $0x80  }
0x199: {  	[sflag:s30] =	ssyncset.done $0x0  }
0x19a: {  	[sflag:s30] =	ssyncadd.s32 $0xFFFFFF80  }
0x19b: {  	_ =	swait.ge [sflag:s30], $0x80  }
0x19c: {  	[sflag:s30] =	ssyncset.done $0x0  }
0x19d: {  	[sflag:s30] =	ssyncadd.s32 $0xFFFFFF80  }
0x19e: {  	_ =	swait.ge [sflag:s30], $0x80  }
0x19f: {  	[sflag:s30] =	ssyncset.done $0x0  }
0x1a0: {  	[sflag:s30] =	ssyncadd.s32 $0xFFFFFF80  }
0x1a1: {  	_ =	swait.ge [sflag:s30], $0x80  }
0x1a2: {  	s1 =	rddreg [dreg:$0x2];
	[sflag:s30] =	ssyncset.done $0x0  }
0x1a3: {  	[sflag:s30] =	ssyncadd.s32 $0xFFFFFF80;
	s0 =	sadd.s32 s0, s1  }
0x1a4: {  	[hbm4b:s0+s2] =	stream.linear.scatter [tilespmem:s7], [sflag:$0x2], $0x1000, $0x38;
	[tilespmem:$0x2000] =	vst v63  }
0x1a5: {  	_ =	swait.ge [sflag:s5], $0x1000  }
0x1a6: {  	s4 =	sld [smem:$0x7F0]  }
0x1a7: {  	s8 =	sld [smem:$0x7F8];
	_ =	sdelay $0x1  }
0x1a8: {  	s1 =	sadd.s32 $0x1, s4  }
0x1a9: {  	p0 =	sne.s32 s1, s8  }
.Ltmp1:
0x1aa: {  	_ = 	snop;
	(pc) =	sbr.rel @p0 .LBB2_1-.Ltmp1, $3  }
0x1ab: {  	_ =	sdelay $0x1  }
0x1ac: {  	[sflag:s5] =	ssyncset.done $0x0  }
0x1ad: {  	[sflag:s5] =	ssyncadd.s32 $0xFFFFF000  }
0x1ae: {  	_ =	sfence.sel $0x180000  }
0x1af: {  	[bflag:$0x0] =	sbarrier.arrive $0xFFFF  }
0x1b0: {  	_ =	strace $0x9000004A  }
0x1b1: {  	s0 =	stileid.u32;
	[bflag:$0x2] =	sbarrier.arrive $0xFFFF  }
0x1b2: {  	p0 =	sne.s32 s0, $0x0;
	s0 =	rddreg [dreg:$0x1]  }
0x1b3: {  	s0 =	sadd.s32 @!p0 $0x100000, s0  }
0x1b4: {  	[sflag:s0] =	ssyncadd.tile.s32 @!p0 $0x1;
	_ =	shalt  }
.Lfunc_end2:
_tile_overlayer_lowered:
.L_overlay_start_2:
0x1b5: {  	(tag) =	ssettag $0x2  }
0x1b6: {  	s0 =	rddreg [dreg:$0x0];
	s2 =	stileid.u32  }
0x1b7: {  	s1 =	rddreg [dreg:$0x1];
	p0 =	sne.s32 s2, $0x0  }
0x1b8: {  	s3 =	rddreg [dreg:$0x2];
	[bflag:$0x3] =	sbarrier.arrive $0xFFFF;
	s2 =	simm.s32 @!p0 $0x1C02  }
0x1b9: {  	[timem:s3], [sflag:s2] =	dma.local @!p0 [hbm:s0], s1  }
0x1ba: {  	s0 =	simm.s32 @!p0 $0x2  }
0x1bb: {  	_ =	swait.ge @!p0 [sflag:s0], s1  }
0x1bc: {  	s1 =	ssub.s32 @!p0 $0x0, s1;
	[sflag:s0] =	ssyncset.done @!p0 $0x0  }
0x1bd: {  	[sflag:s0] =	ssyncadd.s32 @!p0 s1  }
0x1be: {  	[bflag:$0x3] =	sbarrier.arrive $0xFFFF  }
0x1bf: {  	_ =	shalt  }

</sc_bundles>
